<compile_context>
chip_gen: v7x
topology: tpu7x:2x2x1
jax: 0.10.2.dev20260603
libtpu: 0.0.44.dev20260713+nightly
codegen_flags: <defaults>
</compile_context>

<pallas_src>
import jax
import jax.numpy as jnp
from jax import lax
from jax.experimental import pallas as pl
from jax.experimental.pallas import tpu as pltpu
from jax.experimental.pallas import tpu_sc as plsc

BATCH = 4096
EMBED_DIM = 128
NUM_CORES = 2
NUM_SUBCORES = 16
NUM_WORKERS = NUM_CORES * NUM_SUBCORES
TPW = BATCH // NUM_WORKERS
GROUPS = TPW // 16

BITREV = (0, 8, 4, 12, 2, 10, 6, 14, 1, 9, 5, 13, 3, 11, 7, 15)


def _sc_score_kernel(heads_hbm, rels_hbm, tails_hbm, entity_hbm, relation_hbm,
                     out_hbm,
                     hidx_v, ridx_v, tidx_v, hrows_v, rrows_v, trows_v,
                     scores_v, rot_v, sem, sem_i):
    wid = lax.axis_index("s") * NUM_CORES + lax.axis_index("c")
    iota16 = lax.iota(jnp.int32, 16)

    base = pl.multiple_of(wid * TPW, 8)
    ci_h = pltpu.async_copy(heads_hbm.at[pl.ds(base, TPW)], hidx_v, sem_i)
    ci_r = pltpu.async_copy(rels_hbm.at[pl.ds(base, TPW)], ridx_v, sem_i)
    ci_t = pltpu.async_copy(tails_hbm.at[pl.ds(base, TPW)], tidx_v, sem_i)
    ci_h.wait()
    cp_h = pltpu.async_copy(entity_hbm.at[hidx_v], hrows_v, sem)
    ci_r.wait()
    cp_r = pltpu.async_copy(relation_hbm.at[ridx_v], rrows_v, sem)
    ci_t.wait()
    cp_t = pltpu.async_copy(entity_hbm.at[tidx_v], trows_v, sem)

    m1 = iota16 < 8
    m2 = (iota16 & 4) == 0
    m3 = (iota16 & 2) == 0
    m4 = (iota16 & 1) == 0
    nslots = [0]

    def fold(v, shift):
        slot = nslots[0]
        nslots[0] = (slot + 1) % 32
        rot_v[slot, pl.ds(0, 16)] = v
        rot_v[slot, pl.ds(16, 16)] = v
        return v + rot_v[slot, pl.ds(shift, 16)]

    def score_group(g, carry):
        def leaf(l):
            i = g * 16 + BITREV[l]
            acc = None
            for c in range(EMBED_DIM // 16):
                h = hrows_v[i, pl.ds(c * 16, 16)]
                r = rrows_v[i, pl.ds(c * 16, 16)]
                t = trows_v[i, pl.ds(c * 16, 16)]
                d = h + r - t
                acc = d * d if acc is None else acc + d * d
            return acc

        a = [jnp.where(m1, fold(leaf(2 * p), 8), fold(leaf(2 * p + 1), 8))
             for p in range(8)]
        b = [jnp.where(m2, fold(a[2 * p], 4), fold(a[2 * p + 1], 12))
             for p in range(4)]
        c = [jnp.where(m3, fold(b[2 * p], 2), fold(b[2 * p + 1], 14))
             for p in range(2)]
        x = jnp.where(m4, fold(c[0], 1), fold(c[1], 15))

        x = x + 1e-12
        bits = lax.bitcast_convert_type(x, jnp.int32)
        bits = 0x5F3759DF - lax.shift_right_logical(bits, 1)
        y = lax.bitcast_convert_type(bits, jnp.float32)
        for _ in range(3):
            y = y * (1.5 - 0.5 * x * y * y)
        scores_v[pl.ds(g * 16, 16)] = -(x * y)
        return carry

    cp_h.wait()
    cp_r.wait()
    cp_t.wait()
    lax.fori_loop(0, GROUPS, score_group, 0)

    pltpu.sync_copy(scores_v, out_hbm.at[pl.ds(base, TPW)])


@jax.jit
def _sc_score(heads, rels, tails, entity_emb, relation_emb):
    mesh = plsc.VectorSubcoreMesh(core_axis_name="c", subcore_axis_name="s")
    return pl.kernel(
        _sc_score_kernel,
        out_type=jax.ShapeDtypeStruct((BATCH,), jnp.float32),
        mesh=mesh,
        scratch_types=[
            pltpu.VMEM((TPW,), jnp.int32),
            pltpu.VMEM((TPW,), jnp.int32),
            pltpu.VMEM((TPW,), jnp.int32),
            pltpu.VMEM((TPW, EMBED_DIM), jnp.float32),
            pltpu.VMEM((TPW, EMBED_DIM), jnp.float32),
            pltpu.VMEM((TPW, EMBED_DIM), jnp.float32),
            pltpu.VMEM((TPW,), jnp.float32),
            pltpu.VMEM((32, 32), jnp.float32),
            pltpu.SemaphoreType.DMA,
            pltpu.SemaphoreType.DMA,
        ],
    )(heads, rels, tails, entity_emb, relation_emb)


def kernel(triples, entity_emb, relation_emb):
    trip = triples.astype(jnp.int32)
    return _sc_score(trip[:, 0], trip[:, 1], trip[:, 2],
                     entity_emb, relation_emb)

# --- scband reference (transcript-rebuilt; emitter-appended) ---
"""Pipeline reference for scband-base-kgemodel-77670188580864 (READ-ONLY COPY).

The authoritative reference and input builder live on the scoring server;
editing this copy changes nothing except your own understanding.
"""

import jax, jax.numpy as jnp
import numpy as np

NUM_ENTITIES = 100000
NUM_RELATIONS = 1000
EMBED_DIM = 128
BATCH = 4096


def setup_inputs(seed: int = 0) -> dict:
    key = jax.random.key(seed)
    k1, k2, k3 = jax.random.split(key, 3)
    triples = jax.random.randint(k1, (BATCH, 3), 0, 1000, dtype=jnp.int64 if jax.config.jax_enable_x64 else jnp.int32)
    entity_emb = jax.random.normal(k2, (NUM_ENTITIES, EMBED_DIM), dtype=jnp.float32) * 0.1
    relation_emb = jax.random.normal(k3, (NUM_RELATIONS, EMBED_DIM), dtype=jnp.float32) * 0.1
    return {"triples": triples, "entity_emb": entity_emb, "relation_emb": relation_emb}


def reference(triples, entity_emb, relation_emb):
    # BaseKGEModel.forward: split triples into (h, r, t) columns, then score_triples.
    # Concrete scoring function: TransE, score = -||E[h] + R[r] - E[t]||_2
    heads = triples[:, 0]
    relations = triples[:, 1]
    tails = triples[:, 2]
    h = jnp.take(entity_emb, heads, axis=0)
    r = jnp.take(relation_emb, relations, axis=0)
    t = jnp.take(entity_emb, tails, axis=0)
    diff = h + r - t
    scores = -jnp.sqrt(jnp.sum(diff * diff, axis=1) + 1e-12)
    return scores

if __name__ == "__main__":
    import jax
    _d = setup_inputs()
    print(jax.jit(kernel)(*tuple(_d.values())))

</pallas_src>

<mosaic_0001>
#map = affine_map<(d0, d1) -> (0)>
#map1 = affine_map<(d0, d1) -> (0, 0)>
module attributes {stable_mosaic.version = 14 : i64} {
  func.func @_sc_score_kernel(%arg0: i32, %arg1: i32, %arg2: memref<4096xi32, #tpu.memory_space<hbm>>, %arg3: memref<4096xi32, #tpu.memory_space<hbm>>, %arg4: memref<4096xi32, #tpu.memory_space<hbm>>, %arg5: memref<100000x128xf32, #tpu.memory_space<hbm>>, %arg6: memref<1000x128xf32, #tpu.memory_space<hbm>>, %arg7: memref<4096xf32, #tpu.memory_space<hbm>>, %arg8: memref<128xi32, #tpu.memory_space<vmem>>, %arg9: memref<128xi32, #tpu.memory_space<vmem>>, %arg10: memref<128xi32, #tpu.memory_space<vmem>>, %arg11: memref<128x128xf32, #tpu.memory_space<vmem>>, %arg12: memref<128x128xf32, #tpu.memory_space<vmem>>, %arg13: memref<128x128xf32, #tpu.memory_space<vmem>>, %arg14: memref<128xf32, #tpu.memory_space<vmem>>, %arg15: memref<32x32xf32, #tpu.memory_space<vmem>>, %arg16: memref<!tpu.dma_semaphore, #tpu.memory_space<semaphore_mem>>, %arg17: memref<!tpu.dma_semaphore, #tpu.memory_space<semaphore_mem>>) attributes {dimension_semantics = [#tpu.dimension_semantics<core_parallel>, #tpu.dimension_semantics<subcore_parallel>], iteration_bounds = array<i64: 2, 16>, scalar_prefetch = 0 : i64, scratch_operands = 10 : i64, tpu.core_type = #tpu.core_type<sc_vector_subcore>, window_params = [{transform_indices = #map}, {transform_indices = #map}, {transform_indices = #map}, {transform_indices = #map1}, {transform_indices = #map1}, {transform_indices = #map}]} {
    %mul3A = arith.constant 2 : i32
    %mul3A_0 = arith.muli %arg1, %mul3A : i32
    %add3A = arith.addi %mul3A_0, %arg0 : i32
    %iota3A = tpu.iota {dimensions = array<i32: 0>} : vector<16xi32>
    %mul3A_1 = arith.constant 128 : i32
    %mul3A_2 = arith.muli %add3A, %mul3A_1 : i32
    %multiple_of3A = tpu.assume_multiple %mul3A_2, 8 : i32
    %dma_start3A = tpu.memref_slice %arg2[%multiple_of3A] : memref<4096xi32, #tpu.memory_space<hbm>> -> memref<128xi32, #tpu.memory_space<hbm>>
    %dma_start3A_3 = tpu.memref_slice %arg2[%multiple_of3A] : memref<4096xi32, #tpu.memory_space<hbm>> -> memref<128xi32, #tpu.memory_space<hbm>>
    tpu.enqueue_dma source(%dma_start3A_3 : memref<128xi32, #tpu.memory_space<hbm>>) target(%arg8 : memref<128xi32, #tpu.memory_space<vmem>>) target_semaphore(%arg17 : memref<!tpu.dma_semaphore, #tpu.memory_space<semaphore_mem>>)
    %dma_start3A_4 = tpu.memref_slice %arg3[%multiple_of3A] : memref<4096xi32, #tpu.memory_space<hbm>> -> memref<128xi32, #tpu.memory_space<hbm>>
    %dma_start3A_5 = tpu.memref_slice %arg3[%multiple_of3A] : memref<4096xi32, #tpu.memory_space<hbm>> -> memref<128xi32, #tpu.memory_space<hbm>>
    tpu.enqueue_dma source(%dma_start3A_5 : memref<128xi32, #tpu.memory_space<hbm>>) target(%arg9 : memref<128xi32, #tpu.memory_space<vmem>>) target_semaphore(%arg17 : memref<!tpu.dma_semaphore, #tpu.memory_space<semaphore_mem>>)
    %dma_start3A_6 = tpu.memref_slice %arg4[%multiple_of3A] : memref<4096xi32, #tpu.memory_space<hbm>> -> memref<128xi32, #tpu.memory_space<hbm>>
    %dma_start3A_7 = tpu.memref_slice %arg4[%multiple_of3A] : memref<4096xi32, #tpu.memory_space<hbm>> -> memref<128xi32, #tpu.memory_space<hbm>>
    tpu.enqueue_dma source(%dma_start3A_7 : memref<128xi32, #tpu.memory_space<hbm>>) target(%arg10 : memref<128xi32, #tpu.memory_space<vmem>>) target_semaphore(%arg17 : memref<!tpu.dma_semaphore, #tpu.memory_space<semaphore_mem>>)
    %dma_wait3A = tpu.memref_slice %arg2[%multiple_of3A] : memref<4096xi32, #tpu.memory_space<hbm>> -> memref<128xi32, #tpu.memory_space<hbm>>
    %dma_wait3A_8 = tpu.memref_slice %arg2[%multiple_of3A] : memref<4096xi32, #tpu.memory_space<hbm>> -> memref<128xi32, #tpu.memory_space<hbm>>
    tpu.wait_dma2 semaphore(%arg17 : memref<!tpu.dma_semaphore, #tpu.memory_space<semaphore_mem>>) src(%dma_wait3A_8 : memref<128xi32, #tpu.memory_space<hbm>>) dst(%arg8 : memref<128xi32, #tpu.memory_space<vmem>>)
    %dma_start3A_9 = arith.constant 0 : i32
    %dma_start3A_10 = arith.constant 0 : i32
    %dma_start3A_11 = tpu.memref_slice %arg5[%dma_start3A_9, %dma_start3A_10] : memref<100000x128xf32, #tpu.memory_space<hbm>> -> memref<100000x128xf32, #tpu.memory_space<hbm>>
    tpu.enqueue_indirect_dma source(%dma_start3A_11 : memref<100000x128xf32, #tpu.memory_space<hbm>>) target(%arg11 : memref<128x128xf32, #tpu.memory_space<vmem>>) offsets(%arg8 : memref<128xi32, #tpu.memory_space<vmem>>) semaphore(%arg16 : memref<!tpu.dma_semaphore, #tpu.memory_space<semaphore_mem>>)
    %dma_wait3A_12 = tpu.memref_slice %arg3[%multiple_of3A] : memref<4096xi32, #tpu.memory_space<hbm>> -> memref<128xi32, #tpu.memory_space<hbm>>
    %dma_wait3A_13 = tpu.memref_slice %arg3[%multiple_of3A] : memref<4096xi32, #tpu.memory_space<hbm>> -> memref<128xi32, #tpu.memory_space<hbm>>
    tpu.wait_dma2 semaphore(%arg17 : memref<!tpu.dma_semaphore, #tpu.memory_space<semaphore_mem>>) src(%dma_wait3A_13 : memref<128xi32, #tpu.memory_space<hbm>>) dst(%arg9 : memref<128xi32, #tpu.memory_space<vmem>>)
    %dma_start3A_14 = arith.constant 0 : i32
    %dma_start3A_15 = arith.constant 0 : i32
    %dma_start3A_16 = tpu.memref_slice %arg6[%dma_start3A_14, %dma_start3A_15] : memref<1000x128xf32, #tpu.memory_space<hbm>> -> memref<1000x128xf32, #tpu.memory_space<hbm>>
    tpu.enqueue_indirect_dma source(%dma_start3A_16 : memref<1000x128xf32, #tpu.memory_space<hbm>>) target(%arg12 : memref<128x128xf32, #tpu.memory_space<vmem>>) offsets(%arg9 : memref<128xi32, #tpu.memory_space<vmem>>) semaphore(%arg16 : memref<!tpu.dma_semaphore, #tpu.memory_space<semaphore_mem>>)
    %dma_wait3A_17 = tpu.memref_slice %arg4[%multiple_of3A] : memref<4096xi32, #tpu.memory_space<hbm>> -> memref<128xi32, #tpu.memory_space<hbm>>
    %dma_wait3A_18 = tpu.memref_slice %arg4[%multiple_of3A] : memref<4096xi32, #tpu.memory_space<hbm>> -> memref<128xi32, #tpu.memory_space<hbm>>
    tpu.wait_dma2 semaphore(%arg17 : memref<!tpu.dma_semaphore, #tpu.memory_space<semaphore_mem>>) src(%dma_wait3A_18 : memref<128xi32, #tpu.memory_space<hbm>>) dst(%arg10 : memref<128xi32, #tpu.memory_space<vmem>>)
    %dma_start3A_19 = arith.constant 0 : i32
    %dma_start3A_20 = arith.constant 0 : i32
    %dma_start3A_21 = tpu.memref_slice %arg5[%dma_start3A_19, %dma_start3A_20] : memref<100000x128xf32, #tpu.memory_space<hbm>> -> memref<100000x128xf32, #tpu.memory_space<hbm>>
    tpu.enqueue_indirect_dma source(%dma_start3A_21 : memref<100000x128xf32, #tpu.memory_space<hbm>>) target(%arg13 : memref<128x128xf32, #tpu.memory_space<vmem>>) offsets(%arg10 : memref<128xi32, #tpu.memory_space<vmem>>) semaphore(%arg16 : memref<!tpu.dma_semaphore, #tpu.memory_space<semaphore_mem>>)
    %lt3A = arith.constant 8 : i32
    %lt3A_22 = vector.broadcast %lt3A : i32 to vector<16xi32>
    %lt3A_23 = arith.cmpi slt, %iota3A, %lt3A_22 : vector<16xi32>
    %and3A = arith.constant 4 : i32
    %and3A_24 = vector.broadcast %and3A : i32 to vector<16xi32>
    %and3A_25 = arith.andi %iota3A, %and3A_24 : vector<16xi32>
    %eq3A = arith.constant 0 : i32
    %eq3A_26 = vector.broadcast %eq3A : i32 to vector<16xi32>
    %eq3A_27 = arith.cmpi eq, %and3A_25, %eq3A_26 : vector<16xi32>
    %and3A_28 = arith.constant 2 : i32
    %and3A_29 = vector.broadcast %and3A_28 : i32 to vector<16xi32>
    %and3A_30 = arith.andi %iota3A, %and3A_29 : vector<16xi32>
    %eq3A_31 = arith.constant 0 : i32
    %eq3A_32 = vector.broadcast %eq3A_31 : i32 to vector<16xi32>
    %eq3A_33 = arith.cmpi eq, %and3A_30, %eq3A_32 : vector<16xi32>
    %and3A_34 = arith.constant 1 : i32
    %and3A_35 = vector.broadcast %and3A_34 : i32 to vector<16xi32>
    %and3A_36 = arith.andi %iota3A, %and3A_35 : vector<16xi32>
    %eq3A_37 = arith.constant 0 : i32
    %eq3A_38 = vector.broadcast %eq3A_37 : i32 to vector<16xi32>
    %eq3A_39 = arith.cmpi eq, %and3A_36, %eq3A_38 : vector<16xi32>
    %dma_wait3A_40 = arith.constant 0 : i32
    %dma_wait3A_41 = arith.constant 0 : i32
    %dma_wait3A_42 = tpu.memref_slice %arg5[%dma_wait3A_40, %dma_wait3A_41] : memref<100000x128xf32, #tpu.memory_space<hbm>> -> memref<100000x128xf32, #tpu.memory_space<hbm>>
    tpu.wait_indirect_dma semaphore(%arg16 : memref<!tpu.dma_semaphore, #tpu.memory_space<semaphore_mem>>) src(%dma_wait3A_42 : memref<100000x128xf32, #tpu.memory_space<hbm>>) dst(%arg11 : memref<128x128xf32, #tpu.memory_space<vmem>>)
    %dma_wait3A_43 = arith.constant 0 : i32
    %dma_wait3A_44 = arith.constant 0 : i32
    %dma_wait3A_45 = tpu.memref_slice %arg6[%dma_wait3A_43, %dma_wait3A_44] : memref<1000x128xf32, #tpu.memory_space<hbm>> -> memref<1000x128xf32, #tpu.memory_space<hbm>>
    tpu.wait_indirect_dma semaphore(%arg16 : memref<!tpu.dma_semaphore, #tpu.memory_space<semaphore_mem>>) src(%dma_wait3A_45 : memref<1000x128xf32, #tpu.memory_space<hbm>>) dst(%arg12 : memref<128x128xf32, #tpu.memory_space<vmem>>)
    %dma_wait3A_46 = arith.constant 0 : i32
    %dma_wait3A_47 = arith.constant 0 : i32
    %dma_wait3A_48 = tpu.memref_slice %arg5[%dma_wait3A_46, %dma_wait3A_47] : memref<100000x128xf32, #tpu.memory_space<hbm>> -> memref<100000x128xf32, #tpu.memory_space<hbm>>
    tpu.wait_indirect_dma semaphore(%arg16 : memref<!tpu.dma_semaphore, #tpu.memory_space<semaphore_mem>>) src(%dma_wait3A_48 : memref<100000x128xf32, #tpu.memory_space<hbm>>) dst(%arg13 : memref<128x128xf32, #tpu.memory_space<vmem>>)
    %scan3A = arith.constant 0 : i32
    %scan3A_49 = arith.constant 0 : i32
    %scan3A_50 = arith.constant 8 : i32
    %scan3A_51 = arith.addi %scan3A_49, %scan3A_50 : i32
    %scan3A_52 = arith.constant 1 : i32
    scf.for %scan3A_54 = %scan3A_49 to %scan3A_51 step %scan3A_52  : i32 {
      %mul3A_55 = arith.constant 16 : i32
      %mul3A_56 = arith.muli %scan3A_54, %mul3A_55 : i32
      %add3A_57 = arith.constant 0 : i32
      %add3A_58 = arith.addi %mul3A_56, %add3A_57 : i32
      %get3A = arith.index_cast %add3A_58 : i32 to index
      %get3A_59 = arith.constant 0 : index
      %get3A_60 = tpu.vector_load %arg11[%get3A, %get3A_59] {strides = array<i32>} : memref<128x128xf32, #tpu.memory_space<vmem>>, vector<1x16xf32>,
      %get3A_61 = vector.shape_cast %get3A_60 : vector<1x16xf32> to vector<16xf32>
      %get3A_62 = arith.index_cast %add3A_58 : i32 to index
      %get3A_63 = arith.constant 0 : index
      %get3A_64 = tpu.vector_load %arg12[%get3A_62, %get3A_63] {strides = array<i32>} : memref<128x128xf32, #tpu.memory_space<vmem>>, vector<1x16xf32>,
      %get3A_65 = vector.shape_cast %get3A_64 : vector<1x16xf32> to vector<16xf32>
      %get3A_66 = arith.index_cast %add3A_58 : i32 to index
      %get3A_67 = arith.constant 0 : index
      %get3A_68 = tpu.vector_load %arg13[%get3A_66, %get3A_67] {strides = array<i32>} : memref<128x128xf32, #tpu.memory_space<vmem>>, vector<1x16xf32>,
      %get3A_69 = vector.shape_cast %get3A_68 : vector<1x16xf32> to vector<16xf32>
      %add3A_70 = arith.addf %get3A_61, %get3A_65 : vector<16xf32>
      %sub3A = arith.subf %add3A_70, %get3A_69 : vector<16xf32>
      %mul3A_71 = arith.mulf %sub3A, %sub3A : vector<16xf32>
      %get3A_72 = arith.index_cast %add3A_58 : i32 to index
      %get3A_73 = arith.constant 16 : index
      %get3A_74 = tpu.vector_load %arg11[%get3A_72, %get3A_73] {strides = array<i32>} : memref<128x128xf32, #tpu.memory_space<vmem>>, vector<1x16xf32>,
      %get3A_75 = vector.shape_cast %get3A_74 : vector<1x16xf32> to vector<16xf32>
      %get3A_76 = arith.index_cast %add3A_58 : i32 to index
      %get3A_77 = arith.constant 16 : index
      %get3A_78 = tpu.vector_load %arg12[%get3A_76, %get3A_77] {strides = array<i32>} : memref<128x128xf32, #tpu.memory_space<vmem>>, vector<1x16xf32>,
      %get3A_79 = vector.shape_cast %get3A_78 : vector<1x16xf32> to vector<16xf32>
      %get3A_80 = arith.index_cast %add3A_58 : i32 to index
      %get3A_81 = arith.constant 16 : index
      %get3A_82 = tpu.vector_load %arg13[%get3A_80, %get3A_81] {strides = array<i32>} : memref<128x128xf32, #tpu.memory_space<vmem>>, vector<1x16xf32>,
      %get3A_83 = vector.shape_cast %get3A_82 : vector<1x16xf32> to vector<16xf32>
      %add3A_84 = arith.addf %get3A_75, %get3A_79 : vector<16xf32>
      %sub3A_85 = arith.subf %add3A_84, %get3A_83 : vector<16xf32>
      %mul3A_86 = arith.mulf %sub3A_85, %sub3A_85 : vector<16xf32>
      %add3A_87 = arith.addf %mul3A_71, %mul3A_86 : vector<16xf32>
      %get3A_88 = arith.index_cast %add3A_58 : i32 to index
      %get3A_89 = arith.constant 32 : index
      %get3A_90 = tpu.vector_load %arg11[%get3A_88, %get3A_89] {strides = array<i32>} : memref<128x128xf32, #tpu.memory_space<vmem>>, vector<1x16xf32>,
      %get3A_91 = vector.shape_cast %get3A_90 : vector<1x16xf32> to vector<16xf32>
      %get3A_92 = arith.index_cast %add3A_58 : i32 to index
      %get3A_93 = arith.constant 32 : index
      %get3A_94 = tpu.vector_load %arg12[%get3A_92, %get3A_93] {strides = array<i32>} : memref<128x128xf32, #tpu.memory_space<vmem>>, vector<1x16xf32>,
      %get3A_95 = vector.shape_cast %get3A_94 : vector<1x16xf32> to vector<16xf32>
      %get3A_96 = arith.index_cast %add3A_58 : i32 to index
      %get3A_97 = arith.constant 32 : index
      %get3A_98 = tpu.vector_load %arg13[%get3A_96, %get3A_97] {strides = array<i32>} : memref<128x128xf32, #tpu.memory_space<vmem>>, vector<1x16xf32>,
      %get3A_99 = vector.shape_cast %get3A_98 : vector<1x16xf32> to vector<16xf32>
      %add3A_100 = arith.addf %get3A_91, %get3A_95 : vector<16xf32>
      %sub3A_101 = arith.subf %add3A_100, %get3A_99 : vector<16xf32>
      %mul3A_102 = arith.mulf %sub3A_101, %sub3A_101 : vector<16xf32>
      %add3A_103 = arith.addf %add3A_87, %mul3A_102 : vector<16xf32>
      %get3A_104 = arith.index_cast %add3A_58 : i32 to index
      %get3A_105 = arith.constant 48 : index
      %get3A_106 = tpu.vector_load %arg11[%get3A_104, %get3A_105] {strides = array<i32>} : memref<128x128xf32, #tpu.memory_space<vmem>>, vector<1x16xf32>,
      %get3A_107 = vector.shape_cast %get3A_106 : vector<1x16xf32> to vector<16xf32>
      %get3A_108 = arith.index_cast %add3A_58 : i32 to index
      %get3A_109 = arith.constant 48 : index
      %get3A_110 = tpu.vector_load %arg12[%get3A_108, %get3A_109] {strides = array<i32>} : memref<128x128xf32, #tpu.memory_space<vmem>>, vector<1x16xf32>,
      %get3A_111 = vector.shape_cast %get3A_110 : vector<1x16xf32> to vector<16xf32>
      %get3A_112 = arith.index_cast %add3A_58 : i32 to index
      %get3A_113 = arith.constant 48 : index
      %get3A_114 = tpu.vector_load %arg13[%get3A_112, %get3A_113] {strides = array<i32>} : memref<128x128xf32, #tpu.memory_space<vmem>>, vector<1x16xf32>,
      %get3A_115 = vector.shape_cast %get3A_114 : vector<1x16xf32> to vector<16xf32>
      %add3A_116 = arith.addf %get3A_107, %get3A_111 : vector<16xf32>
      %sub3A_117 = arith.subf %add3A_116, %get3A_115 : vector<16xf32>
      %mul3A_118 = arith.mulf %sub3A_117, %sub3A_117 : vector<16xf32>
      %add3A_119 = arith.addf %add3A_103, %mul3A_118 : vector<16xf32>
      %get3A_120 = arith.index_cast %add3A_58 : i32 to index
      %get3A_121 = arith.constant 64 : index
      %get3A_122 = tpu.vector_load %arg11[%get3A_120, %get3A_121] {strides = array<i32>} : memref<128x128xf32, #tpu.memory_space<vmem>>, vector<1x16xf32>,
      %get3A_123 = vector.shape_cast %get3A_122 : vector<1x16xf32> to vector<16xf32>
      %get3A_124 = arith.index_cast %add3A_58 : i32 to index
      %get3A_125 = arith.constant 64 : index
      %get3A_126 = tpu.vector_load %arg12[%get3A_124, %get3A_125] {strides = array<i32>} : memref<128x128xf32, #tpu.memory_space<vmem>>, vector<1x16xf32>,
      %get3A_127 = vector.shape_cast %get3A_126 : vector<1x16xf32> to vector<16xf32>
      %get3A_128 = arith.index_cast %add3A_58 : i32 to index
      %get3A_129 = arith.constant 64 : index
      %get3A_130 = tpu.vector_load %arg13[%get3A_128, %get3A_129] {strides = array<i32>} : memref<128x128xf32, #tpu.memory_space<vmem>>, vector<1x16xf32>,
      %get3A_131 = vector.shape_cast %get3A_130 : vector<1x16xf32> to vector<16xf32>
      %add3A_132 = arith.addf %get3A_123, %get3A_127 : vector<16xf32>
      %sub3A_133 = arith.subf %add3A_132, %get3A_131 : vector<16xf32>
      %mul3A_134 = arith.mulf %sub3A_133, %sub3A_133 : vector<16xf32>
      %add3A_135 = arith.addf %add3A_119, %mul3A_134 : vector<16xf32>
      %get3A_136 = arith.index_cast %add3A_58 : i32 to index
      %get3A_137 = arith.constant 80 : index
      %get3A_138 = tpu.vector_load %arg11[%get3A_136, %get3A_137] {strides = array<i32>} : memref<128x128xf32, #tpu.memory_space<vmem>>, vector<1x16xf32>,
      %get3A_139 = vector.shape_cast %get3A_138 : vector<1x16xf32> to vector<16xf32>
      %get3A_140 = arith.index_cast %add3A_58 : i32 to index
      %get3A_141 = arith.constant 80 : index
      %get3A_142 = tpu.vector_load %arg12[%get3A_140, %get3A_141] {strides = array<i32>} : memref<128x128xf32, #tpu.memory_space<vmem>>, vector<1x16xf32>,
      %get3A_143 = vector.shape_cast %get3A_142 : vector<1x16xf32> to vector<16xf32>
      %get3A_144 = arith.index_cast %add3A_58 : i32 to index
      %get3A_145 = arith.constant 80 : index
      %get3A_146 = tpu.vector_load %arg13[%get3A_144, %get3A_145] {strides = array<i32>} : memref<128x128xf32, #tpu.memory_space<vmem>>, vector<1x16xf32>,
      %get3A_147 = vector.shape_cast %get3A_146 : vector<1x16xf32> to vector<16xf32>
      %add3A_148 = arith.addf %get3A_139, %get3A_143 : vector<16xf32>
      %sub3A_149 = arith.subf %add3A_148, %get3A_147 : vector<16xf32>
      %mul3A_150 = arith.mulf %sub3A_149, %sub3A_149 : vector<16xf32>
      %add3A_151 = arith.addf %add3A_135, %mul3A_150 : vector<16xf32>
      %get3A_152 = arith.index_cast %add3A_58 : i32 to index
      %get3A_153 = arith.constant 96 : index
      %get3A_154 = tpu.vector_load %arg11[%get3A_152, %get3A_153] {strides = array<i32>} : memref<128x128xf32, #tpu.memory_space<vmem>>, vector<1x16xf32>,
      %get3A_155 = vector.shape_cast %get3A_154 : vector<1x16xf32> to vector<16xf32>
      %get3A_156 = arith.index_cast %add3A_58 : i32 to index
      %get3A_157 = arith.constant 96 : index
      %get3A_158 = tpu.vector_load %arg12[%get3A_156, %get3A_157] {strides = array<i32>} : memref<128x128xf32, #tpu.memory_space<vmem>>, vector<1x16xf32>,
      %get3A_159 = vector.shape_cast %get3A_158 : vector<1x16xf32> to vector<16xf32>
      %get3A_160 = arith.index_cast %add3A_58 : i32 to index
      %get3A_161 = arith.constant 96 : index
      %get3A_162 = tpu.vector_load %arg13[%get3A_160, %get3A_161] {strides = array<i32>} : memref<128x128xf32, #tpu.memory_space<vmem>>, vector<1x16xf32>,
      %get3A_163 = vector.shape_cast %get3A_162 : vector<1x16xf32> to vector<16xf32>
      %add3A_164 = arith.addf %get3A_155, %get3A_159 : vector<16xf32>
      %sub3A_165 = arith.subf %add3A_164, %get3A_163 : vector<16xf32>
      %mul3A_166 = arith.mulf %sub3A_165, %sub3A_165 : vector<16xf32>
      %add3A_167 = arith.addf %add3A_151, %mul3A_166 : vector<16xf32>
      %get3A_168 = arith.index_cast %add3A_58 : i32 to index
      %get3A_169 = arith.constant 112 : index
      %get3A_170 = tpu.vector_load %arg11[%get3A_168, %get3A_169] {strides = array<i32>} : memref<128x128xf32, #tpu.memory_space<vmem>>, vector<1x16xf32>,
      %get3A_171 = vector.shape_cast %get3A_170 : vector<1x16xf32> to vector<16xf32>
      %get3A_172 = arith.index_cast %add3A_58 : i32 to index
      %get3A_173 = arith.constant 112 : index
      %get3A_174 = tpu.vector_load %arg12[%get3A_172, %get3A_173] {strides = array<i32>} : memref<128x128xf32, #tpu.memory_space<vmem>>, vector<1x16xf32>,
      %get3A_175 = vector.shape_cast %get3A_174 : vector<1x16xf32> to vector<16xf32>
      %get3A_176 = arith.index_cast %add3A_58 : i32 to index
      %get3A_177 = arith.constant 112 : index
      %get3A_178 = tpu.vector_load %arg13[%get3A_176, %get3A_177] {strides = array<i32>} : memref<128x128xf32, #tpu.memory_space<vmem>>, vector<1x16xf32>,
      %get3A_179 = vector.shape_cast %get3A_178 : vector<1x16xf32> to vector<16xf32>
      %add3A_180 = arith.addf %get3A_171, %get3A_175 : vector<16xf32>
      %sub3A_181 = arith.subf %add3A_180, %get3A_179 : vector<16xf32>
      %mul3A_182 = arith.mulf %sub3A_181, %sub3A_181 : vector<16xf32>
      %add3A_183 = arith.addf %add3A_167, %mul3A_182 : vector<16xf32>
      %swap3A = arith.constant 0 : i32
      %swap3A_184 = arith.index_cast %swap3A : i32 to index
      %swap3A_185 = arith.constant 0 : index
      %swap3A_186 = tpu.vector_load %arg15[%swap3A_184, %swap3A_185] {strides = array<i32>} : memref<32x32xf32, #tpu.memory_space<vmem>>, vector<1x16xf32>,
      %swap3A_187 = vector.shape_cast %swap3A_186 : vector<1x16xf32> to vector<16xf32>
      %swap3A_188 = vector.shape_cast %add3A_183 : vector<16xf32> to vector<1x16xf32>
      tpu.vector_store %arg15[%swap3A_184, %swap3A_185], %swap3A_188 {strides = array<i32>} : memref<32x32xf32, #tpu.memory_space<vmem>>, vector<1x16xf32>,
      %swap3A_189 = arith.constant 0 : i32
      %swap3A_190 = arith.index_cast %swap3A_189 : i32 to index
      %swap3A_191 = arith.constant 16 : index
      %swap3A_192 = tpu.vector_load %arg15[%swap3A_190, %swap3A_191] {strides = array<i32>} : memref<32x32xf32, #tpu.memory_space<vmem>>, vector<1x16xf32>,
      %swap3A_193 = vector.shape_cast %swap3A_192 : vector<1x16xf32> to vector<16xf32>
      %swap3A_194 = vector.shape_cast %add3A_183 : vector<16xf32> to vector<1x16xf32>
      tpu.vector_store %arg15[%swap3A_190, %swap3A_191], %swap3A_194 {strides = array<i32>} : memref<32x32xf32, #tpu.memory_space<vmem>>, vector<1x16xf32>,
      %get3A_195 = arith.constant 0 : i32
      %get3A_196 = arith.index_cast %get3A_195 : i32 to index
      %get3A_197 = arith.constant 8 : index
      %get3A_198 = tpu.vector_load %arg15[%get3A_196, %get3A_197] {strides = array<i32>} : memref<32x32xf32, #tpu.memory_space<vmem>>, vector<1x16xf32>,
      %get3A_199 = vector.shape_cast %get3A_198 : vector<1x16xf32> to vector<16xf32>
      %add3A_200 = arith.addf %add3A_183, %get3A_199 : vector<16xf32>
      %mul3A_201 = arith.constant 16 : i32
      %mul3A_202 = arith.muli %scan3A_54, %mul3A_201 : i32
      %add3A_203 = arith.constant 8 : i32
      %add3A_204 = arith.addi %mul3A_202, %add3A_203 : i32
      %get3A_205 = arith.index_cast %add3A_204 : i32 to index
      %get3A_206 = arith.constant 0 : index
      %get3A_207 = tpu.vector_load %arg11[%get3A_205, %get3A_206] {strides = array<i32>} : memref<128x128xf32, #tpu.memory_space<vmem>>, vector<1x16xf32>,
      %get3A_208 = vector.shape_cast %get3A_207 : vector<1x16xf32> to vector<16xf32>
      %get3A_209 = arith.index_cast %add3A_204 : i32 to index
      %get3A_210 = arith.constant 0 : index
      %get3A_211 = tpu.vector_load %arg12[%get3A_209, %get3A_210] {strides = array<i32>} : memref<128x128xf32, #tpu.memory_space<vmem>>, vector<1x16xf32>,
      %get3A_212 = vector.shape_cast %get3A_211 : vector<1x16xf32> to vector<16xf32>
      %get3A_213 = arith.index_cast %add3A_204 : i32 to index
      %get3A_214 = arith.constant 0 : index
      %get3A_215 = tpu.vector_load %arg13[%get3A_213, %get3A_214] {strides = array<i32>} : memref<128x128xf32, #tpu.memory_space<vmem>>, vector<1x16xf32>,
      %get3A_216 = vector.shape_cast %get3A_215 : vector<1x16xf32> to vector<16xf32>
      %add3A_217 = arith.addf %get3A_208, %get3A_212 : vector<16xf32>
      %sub3A_218 = arith.subf %add3A_217, %get3A_216 : vector<16xf32>
      %mul3A_219 = arith.mulf %sub3A_218, %sub3A_218 : vector<16xf32>
      %get3A_220 = arith.index_cast %add3A_204 : i32 to index
      %get3A_221 = arith.constant 16 : index
      %get3A_222 = tpu.vector_load %arg11[%get3A_220, %get3A_221] {strides = array<i32>} : memref<128x128xf32, #tpu.memory_space<vmem>>, vector<1x16xf32>,
      %get3A_223 = vector.shape_cast %get3A_222 : vector<1x16xf32> to vector<16xf32>
      %get3A_224 = arith.index_cast %add3A_204 : i32 to index
      %get3A_225 = arith.constant 16 : index
      %get3A_226 = tpu.vector_load %arg12[%get3A_224, %get3A_225] {strides = array<i32>} : memref<128x128xf32, #tpu.memory_space<vmem>>, vector<1x16xf32>,
      %get3A_227 = vector.shape_cast %get3A_226 : vector<1x16xf32> to vector<16xf32>
      %get3A_228 = arith.index_cast %add3A_204 : i32 to index
      %get3A_229 = arith.constant 16 : index
      %get3A_230 = tpu.vector_load %arg13[%get3A_228, %get3A_229] {strides = array<i32>} : memref<128x128xf32, #tpu.memory_space<vmem>>, vector<1x16xf32>,
      %get3A_231 = vector.shape_cast %get3A_230 : vector<1x16xf32> to vector<16xf32>
      %add3A_232 = arith.addf %get3A_223, %get3A_227 : vector<16xf32>
      %sub3A_233 = arith.subf %add3A_232, %get3A_231 : vector<16xf32>
      %mul3A_234 = arith.mulf %sub3A_233, %sub3A_233 : vector<16xf32>
      %add3A_235 = arith.addf %mul3A_219, %mul3A_234 : vector<16xf32>
      %get3A_236 = arith.index_cast %add3A_204 : i32 to index
      %get3A_237 = arith.constant 32 : index
      %get3A_238 = tpu.vector_load %arg11[%get3A_236, %get3A_237] {strides = array<i32>} : memref<128x128xf32, #tpu.memory_space<vmem>>, vector<1x16xf32>,
      %get3A_239 = vector.shape_cast %get3A_238 : vector<1x16xf32> to vector<16xf32>
      %get3A_240 = arith.index_cast %add3A_204 : i32 to index
      %get3A_241 = arith.constant 32 : index
      %get3A_242 = tpu.vector_load %arg12[%get3A_240, %get3A_241] {strides = array<i32>} : memref<128x128xf32, #tpu.memory_space<vmem>>, vector<1x16xf32>,
      %get3A_243 = vector.shape_cast %get3A_242 : vector<1x16xf32> to vector<16xf32>
      %get3A_244 = arith.index_cast %add3A_204 : i32 to index
      %get3A_245 = arith.constant 32 : index
      %get3A_246 = tpu.vector_load %arg13[%get3A_244, %get3A_245] {strides = array<i32>} : memref<128x128xf32, #tpu.memory_space<vmem>>, vector<1x16xf32>,
      %get3A_247 = vector.shape_cast %get3A_246 : vector<1x16xf32> to vector<16xf32>
      %add3A_248 = arith.addf %get3A_239, %get3A_243 : vector<16xf32>
      %sub3A_249 = arith.subf %add3A_248, %get3A_247 : vector<16xf32>
      %mul3A_250 = arith.mulf %sub3A_249, %sub3A_249 : vector<16xf32>
      %add3A_251 = arith.addf %add3A_235, %mul3A_250 : vector<16xf32>
      %get3A_252 = arith.index_cast %add3A_204 : i32 to index
      %get3A_253 = arith.constant 48 : index
      %get3A_254 = tpu.vector_load %arg11[%get3A_252, %get3A_253] {strides = array<i32>} : memref<128x128xf32, #tpu.memory_space<vmem>>, vector<1x16xf32>,
      %get3A_255 = vector.shape_cast %get3A_254 : vector<1x16xf32> to vector<16xf32>
      %get3A_256 = arith.index_cast %add3A_204 : i32 to index
      %get3A_257 = arith.constant 48 : index
      %get3A_258 = tpu.vector_load %arg12[%get3A_256, %get3A_257] {strides = array<i32>} : memref<128x128xf32, #tpu.memory_space<vmem>>, vector<1x16xf32>,
      %get3A_259 = vector.shape_cast %get3A_258 : vector<1x16xf32> to vector<16xf32>
      %get3A_260 = arith.index_cast %add3A_204 : i32 to index
      %get3A_261 = arith.constant 48 : index
      %get3A_262 = tpu.vector_load %arg13[%get3A_260, %get3A_261] {strides = array<i32>} : memref<128x128xf32, #tpu.memory_space<vmem>>, vector<1x16xf32>,
      %get3A_263 = vector.shape_cast %get3A_262 : vector<1x16xf32> to vector<16xf32>
      %add3A_264 = arith.addf %get3A_255, %get3A_259 : vector<16xf32>
      %sub3A_265 = arith.subf %add3A_264, %get3A_263 : vector<16xf32>
      %mul3A_266 = arith.mulf %sub3A_265, %sub3A_265 : vector<16xf32>
      %add3A_267 = arith.addf %add3A_251, %mul3A_266 : vector<16xf32>
      %get3A_268 = arith.index_cast %add3A_204 : i32 to index
      %get3A_269 = arith.constant 64 : index
      %get3A_270 = tpu.vector_load %arg11[%get3A_268, %get3A_269] {strides = array<i32>} : memref<128x128xf32, #tpu.memory_space<vmem>>, vector<1x16xf32>,
      %get3A_271 = vector.shape_cast %get3A_270 : vector<1x16xf32> to vector<16xf32>
      %get3A_272 = arith.index_cast %add3A_204 : i32 to index
      %get3A_273 = arith.constant 64 : index
      %get3A_274 = tpu.vector_load %arg12[%get3A_272, %get3A_273] {strides = array<i32>} : memref<128x128xf32, #tpu.memory_space<vmem>>, vector<1x16xf32>,
      %get3A_275 = vector.shape_cast %get3A_274 : vector<1x16xf32> to vector<16xf32>
      %get3A_276 = arith.index_cast %add3A_204 : i32 to index
      %get3A_277 = arith.constant 64 : index
      %get3A_278 = tpu.vector_load %arg13[%get3A_276, %get3A_277] {strides = array<i32>} : memref<128x128xf32, #tpu.memory_space<vmem>>, vector<1x16xf32>,
      %get3A_279 = vector.shape_cast %get3A_278 : vector<1x16xf32> to vector<16xf32>
      %add3A_280 = arith.addf %get3A_271, %get3A_275 : vector<16xf32>
      %sub3A_281 = arith.subf %add3A_280, %get3A_279 : vector<16xf32>
      %mul3A_282 = arith.mulf %sub3A_281, %sub3A_281 : vector<16xf32>
      %add3A_283 = arith.addf %add3A_267, %mul3A_282 : vector<16xf32>
      %get3A_284 = arith.index_cast %add3A_204 : i32 to index
      %get3A_285 = arith.constant 80 : index
      %get3A_286 = tpu.vector_load %arg11[%get3A_284, %get3A_285] {strides = array<i32>} : memref<128x128xf32, #tpu.memory_space<vmem>>, vector<1x16xf32>,
      %get3A_287 = vector.shape_cast %get3A_286 : vector<1x16xf32> to vector<16xf32>
      %get3A_288 = arith.index_cast %add3A_204 : i32 to index
      %get3A_289 = arith.constant 80 : index
      %get3A_290 = tpu.vector_load %arg12[%get3A_288, %get3A_289] {strides = array<i32>} : memref<128x128xf32, #tpu.memory_space<vmem>>, vector<1x16xf32>,
      %get3A_291 = vector.shape_cast %get3A_290 : vector<1x16xf32> to vector<16xf32>
      %get3A_292 = arith.index_cast %add3A_204 : i32 to index
      %get3A_293 = arith.constant 80 : index
      %get3A_294 = tpu.vector_load %arg13[%get3A_292, %get3A_293] {strides = array<i32>} : memref<128x128xf32, #tpu.memory_space<vmem>>, vector<1x16xf32>,
      %get3A_295 = vector.shape_cast %get3A_294 : vector<1x16xf32> to vector<16xf32>
      %add3A_296 = arith.addf %get3A_287, %get3A_291 : vector<16xf32>
      %sub3A_297 = arith.subf %add3A_296, %get3A_295 : vector<16xf32>
      %mul3A_298 = arith.mulf %sub3A_297, %sub3A_297 : vector<16xf32>
      %add3A_299 = arith.addf %add3A_283, %mul3A_298 : vector<16xf32>
      %get3A_300 = arith.index_cast %add3A_204 : i32 to index
      %get3A_301 = arith.constant 96 : index
      %get3A_302 = tpu.vector_load %arg11[%get3A_300, %get3A_301] {strides = array<i32>} : memref<128x128xf32, #tpu.memory_space<vmem>>, vector<1x16xf32>,
      %get3A_303 = vector.shape_cast %get3A_302 : vector<1x16xf32> to vector<16xf32>
      %get3A_304 = arith.index_cast %add3A_204 : i32 to index
      %get3A_305 = arith.constant 96 : index
      %get3A_306 = tpu.vector_load %arg12[%get3A_304, %get3A_305] {strides = array<i32>} : memref<128x128xf32, #tpu.memory_space<vmem>>, vector<1x16xf32>,
      %get3A_307 = vector.shape_cast %get3A_306 : vector<1x16xf32> to vector<16xf32>
      %get3A_308 = arith.index_cast %add3A_204 : i32 to index
      %get3A_309 = arith.constant 96 : index
      %get3A_310 = tpu.vector_load %arg13[%get3A_308, %get3A_309] {strides = array<i32>} : memref<128x128xf32, #tpu.memory_space<vmem>>, vector<1x16xf32>,
      %get3A_311 = vector.shape_cast %get3A_310 : vector<1x16xf32> to vector<16xf32>
      %add3A_312 = arith.addf %get3A_303, %get3A_307 : vector<16xf32>
      %sub3A_313 = arith.subf %add3A_312, %get3A_311 : vector<16xf32>
      %mul3A_314 = arith.mulf %sub3A_313, %sub3A_313 : vector<16xf32>
      %add3A_315 = arith.addf %add3A_299, %mul3A_314 : vector<16xf32>
      %get3A_316 = arith.index_cast %add3A_204 : i32 to index
      %get3A_317 = arith.constant 112 : index
      %get3A_318 = tpu.vector_load %arg11[%get3A_316, %get3A_317] {strides = array<i32>} : memref<128x128xf32, #tpu.memory_space<vmem>>, vector<1x16xf32>,
      %get3A_319 = vector.shape_cast %get3A_318 : vector<1x16xf32> to vector<16xf32>
      %get3A_320 = arith.index_cast %add3A_204 : i32 to index
      %get3A_321 = arith.constant 112 : index
      %get3A_322 = tpu.vector_load %arg12[%get3A_320, %get3A_321] {strides = array<i32>} : memref<128x128xf32, #tpu.memory_space<vmem>>, vector<1x16xf32>,
      %get3A_323 = vector.shape_cast %get3A_322 : vector<1x16xf32> to vector<16xf32>
      %get3A_324 = arith.index_cast %add3A_204 : i32 to index
      %get3A_325 = arith.constant 112 : index
      %get3A_326 = tpu.vector_load %arg13[%get3A_324, %get3A_325] {strides = array<i32>} : memref<128x128xf32, #tpu.memory_space<vmem>>, vector<1x16xf32>,
      %get3A_327 = vector.shape_cast %get3A_326 : vector<1x16xf32> to vector<16xf32>
      %add3A_328 = arith.addf %get3A_319, %get3A_323 : vector<16xf32>
      %sub3A_329 = arith.subf %add3A_328, %get3A_327 : vector<16xf32>
      %mul3A_330 = arith.mulf %sub3A_329, %sub3A_329 : vector<16xf32>
      %add3A_331 = arith.addf %add3A_315, %mul3A_330 : vector<16xf32>
      %swap3A_332 = arith.constant 1 : i32
      %swap3A_333 = arith.index_cast %swap3A_332 : i32 to index
      %swap3A_334 = arith.constant 0 : index
      %swap3A_335 = tpu.vector_load %arg15[%swap3A_333, %swap3A_334] {strides = array<i32>} : memref<32x32xf32, #tpu.memory_space<vmem>>, vector<1x16xf32>,
      %swap3A_336 = vector.shape_cast %swap3A_335 : vector<1x16xf32> to vector<16xf32>
      %swap3A_337 = vector.shape_cast %add3A_331 : vector<16xf32> to vector<1x16xf32>
      tpu.vector_store %arg15[%swap3A_333, %swap3A_334], %swap3A_337 {strides = array<i32>} : memref<32x32xf32, #tpu.memory_space<vmem>>, vector<1x16xf32>,
      %swap3A_338 = arith.constant 1 : i32
      %swap3A_339 = arith.index_cast %swap3A_338 : i32 to index
      %swap3A_340 = arith.constant 16 : index
      %swap3A_341 = tpu.vector_load %arg15[%swap3A_339, %swap3A_340] {strides = array<i32>} : memref<32x32xf32, #tpu.memory_space<vmem>>, vector<1x16xf32>,
      %swap3A_342 = vector.shape_cast %swap3A_341 : vector<1x16xf32> to vector<16xf32>
      %swap3A_343 = vector.shape_cast %add3A_331 : vector<16xf32> to vector<1x16xf32>
      tpu.vector_store %arg15[%swap3A_339, %swap3A_340], %swap3A_343 {strides = array<i32>} : memref<32x32xf32, #tpu.memory_space<vmem>>, vector<1x16xf32>,
      %get3A_344 = arith.constant 1 : i32
      %get3A_345 = arith.index_cast %get3A_344 : i32 to index
      %get3A_346 = arith.constant 8 : index
      %get3A_347 = tpu.vector_load %arg15[%get3A_345, %get3A_346] {strides = array<i32>} : memref<32x32xf32, #tpu.memory_space<vmem>>, vector<1x16xf32>,
      %get3A_348 = vector.shape_cast %get3A_347 : vector<1x16xf32> to vector<16xf32>
      %add3A_349 = arith.addf %add3A_331, %get3A_348 : vector<16xf32>
      %select_n3A = arith.select %lt3A_23, %add3A_200, %add3A_349 : vector<16xi1>, vector<16xf32>
      %mul3A_350 = arith.constant 16 : i32
      %mul3A_351 = arith.muli %scan3A_54, %mul3A_350 : i32
      %add3A_352 = arith.constant 4 : i32
      %add3A_353 = arith.addi %mul3A_351, %add3A_352 : i32
      %get3A_354 = arith.index_cast %add3A_353 : i32 to index
      %get3A_355 = arith.constant 0 : index
      %get3A_356 = tpu.vector_load %arg11[%get3A_354, %get3A_355] {strides = array<i32>} : memref<128x128xf32, #tpu.memory_space<vmem>>, vector<1x16xf32>,
      %get3A_357 = vector.shape_cast %get3A_356 : vector<1x16xf32> to vector<16xf32>
      %get3A_358 = arith.index_cast %add3A_353 : i32 to index
      %get3A_359 = arith.constant 0 : index
      %get3A_360 = tpu.vector_load %arg12[%get3A_358, %get3A_359] {strides = array<i32>} : memref<128x128xf32, #tpu.memory_space<vmem>>, vector<1x16xf32>,
      %get3A_361 = vector.shape_cast %get3A_360 : vector<1x16xf32> to vector<16xf32>
      %get3A_362 = arith.index_cast %add3A_353 : i32 to index
      %get3A_363 = arith.constant 0 : index
      %get3A_364 = tpu.vector_load %arg13[%get3A_362, %get3A_363] {strides = array<i32>} : memref<128x128xf32, #tpu.memory_space<vmem>>, vector<1x16xf32>,
      %get3A_365 = vector.shape_cast %get3A_364 : vector<1x16xf32> to vector<16xf32>
      %add3A_366 = arith.addf %get3A_357, %get3A_361 : vector<16xf32>
      %sub3A_367 = arith.subf %add3A_366, %get3A_365 : vector<16xf32>
      %mul3A_368 = arith.mulf %sub3A_367, %sub3A_367 : vector<16xf32>
      %get3A_369 = arith.index_cast %add3A_353 : i32 to index
      %get3A_370 = arith.constant 16 : index
      %get3A_371 = tpu.vector_load %arg11[%get3A_369, %get3A_370] {strides = array<i32>} : memref<128x128xf32, #tpu.memory_space<vmem>>, vector<1x16xf32>,
      %get3A_372 = vector.shape_cast %get3A_371 : vector<1x16xf32> to vector<16xf32>
      %get3A_373 = arith.index_cast %add3A_353 : i32 to index
      %get3A_374 = arith.constant 16 : index
      %get3A_375 = tpu.vector_load %arg12[%get3A_373, %get3A_374] {strides = array<i32>} : memref<128x128xf32, #tpu.memory_space<vmem>>, vector<1x16xf32>,
      %get3A_376 = vector.shape_cast %get3A_375 : vector<1x16xf32> to vector<16xf32>
      %get3A_377 = arith.index_cast %add3A_353 : i32 to index
      %get3A_378 = arith.constant 16 : index
      %get3A_379 = tpu.vector_load %arg13[%get3A_377, %get3A_378] {strides = array<i32>} : memref<128x128xf32, #tpu.memory_space<vmem>>, vector<1x16xf32>,
      %get3A_380 = vector.shape_cast %get3A_379 : vector<1x16xf32> to vector<16xf32>
      %add3A_381 = arith.addf %get3A_372, %get3A_376 : vector<16xf32>
      %sub3A_382 = arith.subf %add3A_381, %get3A_380 : vector<16xf32>
      %mul3A_383 = arith.mulf %sub3A_382, %sub3A_382 : vector<16xf32>
      %add3A_384 = arith.addf %mul3A_368, %mul3A_383 : vector<16xf32>
      %get3A_385 = arith.index_cast %add3A_353 : i32 to index
      %get3A_386 = arith.constant 32 : index
      %get3A_387 = tpu.vector_load %arg11[%get3A_385, %get3A_386] {strides = array<i32>} : memref<128x128xf32, #tpu.memory_space<vmem>>, vector<1x16xf32>,
      %get3A_388 = vector.shape_cast %get3A_387 : vector<1x16xf32> to vector<16xf32>
      %get3A_389 = arith.index_cast %add3A_353 : i32 to index
      %get3A_390 = arith.constant 32 : index
      %get3A_391 = tpu.vector_load %arg12[%get3A_389, %get3A_390] {strides = array<i32>} : memref<128x128xf32, #tpu.memory_space<vmem>>, vector<1x16xf32>,
      %get3A_392 = vector.shape_cast %get3A_391 : vector<1x16xf32> to vector<16xf32>
      %get3A_393 = arith.index_cast %add3A_353 : i32 to index
      %get3A_394 = arith.constant 32 : index
      %get3A_395 = tpu.vector_load %arg13[%get3A_393, %get3A_394] {strides = array<i32>} : memref<128x128xf32, #tpu.memory_space<vmem>>, vector<1x16xf32>,
      %get3A_396 = vector.shape_cast %get3A_395 : vector<1x16xf32> to vector<16xf32>
      %add3A_397 = arith.addf %get3A_388, %get3A_392 : vector<16xf32>
      %sub3A_398 = arith.subf %add3A_397, %get3A_396 : vector<16xf32>
      %mul3A_399 = arith.mulf %sub3A_398, %sub3A_398 : vector<16xf32>
      %add3A_400 = arith.addf %add3A_384, %mul3A_399 : vector<16xf32>
      %get3A_401 = arith.index_cast %add3A_353 : i32 to index
      %get3A_402 = arith.constant 48 : index
      %get3A_403 = tpu.vector_load %arg11[%get3A_401, %get3A_402] {strides = array<i32>} : memref<128x128xf32, #tpu.memory_space<vmem>>, vector<1x16xf32>,
      %get3A_404 = vector.shape_cast %get3A_403 : vector<1x16xf32> to vector<16xf32>
      %get3A_405 = arith.index_cast %add3A_353 : i32 to index
      %get3A_406 = arith.constant 48 : index
      %get3A_407 = tpu.vector_load %arg12[%get3A_405, %get3A_406] {strides = array<i32>} : memref<128x128xf32, #tpu.memory_space<vmem>>, vector<1x16xf32>,
      %get3A_408 = vector.shape_cast %get3A_407 : vector<1x16xf32> to vector<16xf32>
      %get3A_409 = arith.index_cast %add3A_353 : i32 to index
      %get3A_410 = arith.constant 48 : index
      %get3A_411 = tpu.vector_load %arg13[%get3A_409, %get3A_410] {strides = array<i32>} : memref<128x128xf32, #tpu.memory_space<vmem>>, vector<1x16xf32>,
      %get3A_412 = vector.shape_cast %get3A_411 : vector<1x16xf32> to vector<16xf32>
      %add3A_413 = arith.addf %get3A_404, %get3A_408 : vector<16xf32>
      %sub3A_414 = arith.subf %add3A_413, %get3A_412 : vector<16xf32>
      %mul3A_415 = arith.mulf %sub3A_414, %sub3A_414 : vector<16xf32>
      %add3A_416 = arith.addf %add3A_400, %mul3A_415 : vector<16xf32>
      %get3A_417 = arith.index_cast %add3A_353 : i32 to index
      %get3A_418 = arith.constant 64 : index
      %get3A_419 = tpu.vector_load %arg11[%get3A_417, %get3A_418] {strides = array<i32>} : memref<128x128xf32, #tpu.memory_space<vmem>>, vector<1x16xf32>,
      %get3A_420 = vector.shape_cast %get3A_419 : vector<1x16xf32> to vector<16xf32>
      %get3A_421 = arith.index_cast %add3A_353 : i32 to index
      %get3A_422 = arith.constant 64 : index
      %get3A_423 = tpu.vector_load %arg12[%get3A_421, %get3A_422] {strides = array<i32>} : memref<128x128xf32, #tpu.memory_space<vmem>>, vector<1x16xf32>,
      %get3A_424 = vector.shape_cast %get3A_423 : vector<1x16xf32> to vector<16xf32>
      %get3A_425 = arith.index_cast %add3A_353 : i32 to index
      %get3A_426 = arith.constant 64 : index
      %get3A_427 = tpu.vector_load %arg13[%get3A_425, %get3A_426] {strides = array<i32>} : memref<128x128xf32, #tpu.memory_space<vmem>>, vector<1x16xf32>,
      %get3A_428 = vector.shape_cast %get3A_427 : vector<1x16xf32> to vector<16xf32>
      %add3A_429 = arith.addf %get3A_420, %get3A_424 : vector<16xf32>
      %sub3A_430 = arith.subf %add3A_429, %get3A_428 : vector<16xf32>
      %mul3A_431 = arith.mulf %sub3A_430, %sub3A_430 : vector<16xf32>
      %add3A_432 = arith.addf %add3A_416, %mul3A_431 : vector<16xf32>
      %get3A_433 = arith.index_cast %add3A_353 : i32 to index
      %get3A_434 = arith.constant 80 : index
      %get3A_435 = tpu.vector_load %arg11[%get3A_433, %get3A_434] {strides = array<i32>} : memref<128x128xf32, #tpu.memory_space<vmem>>, vector<1x16xf32>,
      %get3A_436 = vector.shape_cast %get3A_435 : vector<1x16xf32> to vector<16xf32>
      %get3A_437 = arith.index_cast %add3A_353 : i32 to index
      %get3A_438 = arith.constant 80 : index
      %get3A_439 = tpu.vector_load %arg12[%get3A_437, %get3A_438] {strides = array<i32>} : memref<128x128xf32, #tpu.memory_space<vmem>>, vector<1x16xf32>,
      %get3A_440 = vector.shape_cast %get3A_439 : vector<1x16xf32> to vector<16xf32>
      %get3A_441 = arith.index_cast %add3A_353 : i32 to index
      %get3A_442 = arith.constant 80 : index
      %get3A_443 = tpu.vector_load %arg13[%get3A_441, %get3A_442] {strides = array<i32>} : memref<128x128xf32, #tpu.memory_space<vmem>>, vector<1x16xf32>,
      %get3A_444 = vector.shape_cast %get3A_443 : vector<1x16xf32> to vector<16xf32>
      %add3A_445 = arith.addf %get3A_436, %get3A_440 : vector<16xf32>
      %sub3A_446 = arith.subf %add3A_445, %get3A_444 : vector<16xf32>
      %mul3A_447 = arith.mulf %sub3A_446, %sub3A_446 : vector<16xf32>
      %add3A_448 = arith.addf %add3A_432, %mul3A_447 : vector<16xf32>
      %get3A_449 = arith.index_cast %add3A_353 : i32 to index
      %get3A_450 = arith.constant 96 : index
      %get3A_451 = tpu.vector_load %arg11[%get3A_449, %get3A_450] {strides = array<i32>} : memref<128x128xf32, #tpu.memory_space<vmem>>, vector<1x16xf32>,
      %get3A_452 = vector.shape_cast %get3A_451 : vector<1x16xf32> to vector<16xf32>
      %get3A_453 = arith.index_cast %add3A_353 : i32 to index
      %get3A_454 = arith.constant 96 : index
      %get3A_455 = tpu.vector_load %arg12[%get3A_453, %get3A_454] {strides = array<i32>} : memref<128x128xf32, #tpu.memory_space<vmem>>, vector<1x16xf32>,
      %get3A_456 = vector.shape_cast %get3A_455 : vector<1x16xf32> to vector<16xf32>
      %get3A_457 = arith.index_cast %add3A_353 : i32 to index
      %get3A_458 = arith.constant 96 : index
      %get3A_459 = tpu.vector_load %arg13[%get3A_457, %get3A_458] {strides = array<i32>} : memref<128x128xf32, #tpu.memory_space<vmem>>, vector<1x16xf32>,
      %get3A_460 = vector.shape_cast %get3A_459 : vector<1x16xf32> to vector<16xf32>
      %add3A_461 = arith.addf %get3A_452, %get3A_456 : vector<16xf32>
      %sub3A_462 = arith.subf %add3A_461, %get3A_460 : vector<16xf32>
      %mul3A_463 = arith.mulf %sub3A_462, %sub3A_462 : vector<16xf32>
      %add3A_464 = arith.addf %add3A_448, %mul3A_463 : vector<16xf32>
      %get3A_465 = arith.index_cast %add3A_353 : i32 to index
      %get3A_466 = arith.constant 112 : index
      %get3A_467 = tpu.vector_load %arg11[%get3A_465, %get3A_466] {strides = array<i32>} : memref<128x128xf32, #tpu.memory_space<vmem>>, vector<1x16xf32>,
      %get3A_468 = vector.shape_cast %get3A_467 : vector<1x16xf32> to vector<16xf32>
      %get3A_469 = arith.index_cast %add3A_353 : i32 to index
      %get3A_470 = arith.constant 112 : index
      %get3A_471 = tpu.vector_load %arg12[%get3A_469, %get3A_470] {strides = array<i32>} : memref<128x128xf32, #tpu.memory_space<vmem>>, vector<1x16xf32>,
      %get3A_472 = vector.shape_cast %get3A_471 : vector<1x16xf32> to vector<16xf32>
      %get3A_473 = arith.index_cast %add3A_353 : i32 to index
      %get3A_474 = arith.constant 112 : index
      %get3A_475 = tpu.vector_load %arg13[%get3A_473, %get3A_474] {strides = array<i32>} : memref<128x128xf32, #tpu.memory_space<vmem>>, vector<1x16xf32>,
      %get3A_476 = vector.shape_cast %get3A_475 : vector<1x16xf32> to vector<16xf32>
      %add3A_477 = arith.addf %get3A_468, %get3A_472 : vector<16xf32>
      %sub3A_478 = arith.subf %add3A_477, %get3A_476 : vector<16xf32>
      %mul3A_479 = arith.mulf %sub3A_478, %sub3A_478 : vector<16xf32>
      %add3A_480 = arith.addf %add3A_464, %mul3A_479 : vector<16xf32>
      %swap3A_481 = arith.constant 2 : i32
      %swap3A_482 = arith.index_cast %swap3A_481 : i32 to index
      %swap3A_483 = arith.constant 0 : index
      %swap3A_484 = tpu.vector_load %arg15[%swap3A_482, %swap3A_483] {strides = array<i32>} : memref<32x32xf32, #tpu.memory_space<vmem>>, vector<1x16xf32>,
      %swap3A_485 = vector.shape_cast %swap3A_484 : vector<1x16xf32> to vector<16xf32>
      %swap3A_486 = vector.shape_cast %add3A_480 : vector<16xf32> to vector<1x16xf32>
      tpu.vector_store %arg15[%swap3A_482, %swap3A_483], %swap3A_486 {strides = array<i32>} : memref<32x32xf32, #tpu.memory_space<vmem>>, vector<1x16xf32>,
      %swap3A_487 = arith.constant 2 : i32
      %swap3A_488 = arith.index_cast %swap3A_487 : i32 to index
      %swap3A_489 = arith.constant 16 : index
      %swap3A_490 = tpu.vector_load %arg15[%swap3A_488, %swap3A_489] {strides = array<i32>} : memref<32x32xf32, #tpu.memory_space<vmem>>, vector<1x16xf32>,
      %swap3A_491 = vector.shape_cast %swap3A_490 : vector<1x16xf32> to vector<16xf32>
      %swap3A_492 = vector.shape_cast %add3A_480 : vector<16xf32> to vector<1x16xf32>
      tpu.vector_store %arg15[%swap3A_488, %swap3A_489], %swap3A_492 {strides = array<i32>} : memref<32x32xf32, #tpu.memory_space<vmem>>, vector<1x16xf32>,
      %get3A_493 = arith.constant 2 : i32
      %get3A_494 = arith.index_cast %get3A_493 : i32 to index
      %get3A_495 = arith.constant 8 : index
      %get3A_496 = tpu.vector_load %arg15[%get3A_494, %get3A_495] {strides = array<i32>} : memref<32x32xf32, #tpu.memory_space<vmem>>, vector<1x16xf32>,
      %get3A_497 = vector.shape_cast %get3A_496 : vector<1x16xf32> to vector<16xf32>
      %add3A_498 = arith.addf %add3A_480, %get3A_497 : vector<16xf32>
      %mul3A_499 = arith.constant 16 : i32
      %mul3A_500 = arith.muli %scan3A_54, %mul3A_499 : i32
      %add3A_501 = arith.constant 12 : i32
      %add3A_502 = arith.addi %mul3A_500, %add3A_501 : i32
      %get3A_503 = arith.index_cast %add3A_502 : i32 to index
      %get3A_504 = arith.constant 0 : index
      %get3A_505 = tpu.vector_load %arg11[%get3A_503, %get3A_504] {strides = array<i32>} : memref<128x128xf32, #tpu.memory_space<vmem>>, vector<1x16xf32>,
      %get3A_506 = vector.shape_cast %get3A_505 : vector<1x16xf32> to vector<16xf32>
      %get3A_507 = arith.index_cast %add3A_502 : i32 to index
      %get3A_508 = arith.constant 0 : index
      %get3A_509 = tpu.vector_load %arg12[%get3A_507, %get3A_508] {strides = array<i32>} : memref<128x128xf32, #tpu.memory_space<vmem>>, vector<1x16xf32>,
      %get3A_510 = vector.shape_cast %get3A_509 : vector<1x16xf32> to vector<16xf32>
      %get3A_511 = arith.index_cast %add3A_502 : i32 to index
      %get3A_512 = arith.constant 0 : index
      %get3A_513 = tpu.vector_load %arg13[%get3A_511, %get3A_512] {strides = array<i32>} : memref<128x128xf32, #tpu.memory_space<vmem>>, vector<1x16xf32>,
      %get3A_514 = vector.shape_cast %get3A_513 : vector<1x16xf32> to vector<16xf32>
      %add3A_515 = arith.addf %get3A_506, %get3A_510 : vector<16xf32>
      %sub3A_516 = arith.subf %add3A_515, %get3A_514 : vector<16xf32>
      %mul3A_517 = arith.mulf %sub3A_516, %sub3A_516 : vector<16xf32>
      %get3A_518 = arith.index_cast %add3A_502 : i32 to index
      %get3A_519 = arith.constant 16 : index
      %get3A_520 = tpu.vector_load %arg11[%get3A_518, %get3A_519] {strides = array<i32>} : memref<128x128xf32, #tpu.memory_space<vmem>>, vector<1x16xf32>,
      %get3A_521 = vector.shape_cast %get3A_520 : vector<1x16xf32> to vector<16xf32>
      %get3A_522 = arith.index_cast %add3A_502 : i32 to index
      %get3A_523 = arith.constant 16 : index
      %get3A_524 = tpu.vector_load %arg12[%get3A_522, %get3A_523] {strides = array<i32>} : memref<128x128xf32, #tpu.memory_space<vmem>>, vector<1x16xf32>,
      %get3A_525 = vector.shape_cast %get3A_524 : vector<1x16xf32> to vector<16xf32>
      %get3A_526 = arith.index_cast %add3A_502 : i32 to index
      %get3A_527 = arith.constant 16 : index
      %get3A_528 = tpu.vector_load %arg13[%get3A_526, %get3A_527] {strides = array<i32>} : memref<128x128xf32, #tpu.memory_space<vmem>>, vector<1x16xf32>,
      %get3A_529 = vector.shape_cast %get3A_528 : vector<1x16xf32> to vector<16xf32>
      %add3A_530 = arith.addf %get3A_521, %get3A_525 : vector<16xf32>
      %sub3A_531 = arith.subf %add3A_530, %get3A_529 : vector<16xf32>
      %mul3A_532 = arith.mulf %sub3A_531, %sub3A_531 : vector<16xf32>
      %add3A_533 = arith.addf %mul3A_517, %mul3A_532 : vector<16xf32>
      %get3A_534 = arith.index_cast %add3A_502 : i32 to index
      %get3A_535 = arith.constant 32 : index
      %get3A_536 = tpu.vector_load %arg11[%get3A_534, %get3A_535] {strides = array<i32>} : memref<128x128xf32, #tpu.memory_space<vmem>>, vector<1x16xf32>,
      %get3A_537 = vector.shape_cast %get3A_536 : vector<1x16xf32> to vector<16xf32>
      %get3A_538 = arith.index_cast %add3A_502 : i32 to index
      %get3A_539 = arith.constant 32 : index
      %get3A_540 = tpu.vector_load %arg12[%get3A_538, %get3A_539] {strides = array<i32>} : memref<128x128xf32, #tpu.memory_space<vmem>>, vector<1x16xf32>,
      %get3A_541 = vector.shape_cast %get3A_540 : vector<1x16xf32> to vector<16xf32>
      %get3A_542 = arith.index_cast %add3A_502 : i32 to index
      %get3A_543 = arith.constant 32 : index
      %get3A_544 = tpu.vector_load %arg13[%get3A_542, %get3A_543] {strides = array<i32>} : memref<128x128xf32, #tpu.memory_space<vmem>>, vector<1x16xf32>,
      %get3A_545 = vector.shape_cast %get3A_544 : vector<1x16xf32> to vector<16xf32>
      %add3A_546 = arith.addf %get3A_537, %get3A_541 : vector<16xf32>
      %sub3A_547 = arith.subf %add3A_546, %get3A_545 : vector<16xf32>
      %mul3A_548 = arith.mulf %sub3A_547, %sub3A_547 : vector<16xf32>
      %add3A_549 = arith.addf %add3A_533, %mul3A_548 : vector<16xf32>
      %get3A_550 = arith.index_cast %add3A_502 : i32 to index
      %get3A_551 = arith.constant 48 : index
      %get3A_552 = tpu.vector_load %arg11[%get3A_550, %get3A_551] {strides = array<i32>} : memref<128x128xf32, #tpu.memory_space<vmem>>, vector<1x16xf32>,
      %get3A_553 = vector.shape_cast %get3A_552 : vector<1x16xf32> to vector<16xf32>
      %get3A_554 = arith.index_cast %add3A_502 : i32 to index
      %get3A_555 = arith.constant 48 : index
      %get3A_556 = tpu.vector_load %arg12[%get3A_554, %get3A_555] {strides = array<i32>} : memref<128x128xf32, #tpu.memory_space<vmem>>, vector<1x16xf32>,
      %get3A_557 = vector.shape_cast %get3A_556 : vector<1x16xf32> to vector<16xf32>
      %get3A_558 = arith.index_cast %add3A_502 : i32 to index
      %get3A_559 = arith.constant 48 : index
      %get3A_560 = tpu.vector_load %arg13[%get3A_558, %get3A_559] {strides = array<i32>} : memref<128x128xf32, #tpu.memory_space<vmem>>, vector<1x16xf32>,
      %get3A_561 = vector.shape_cast %get3A_560 : vector<1x16xf32> to vector<16xf32>
      %add3A_562 = arith.addf %get3A_553, %get3A_557 : vector<16xf32>
      %sub3A_563 = arith.subf %add3A_562, %get3A_561 : vector<16xf32>
      %mul3A_564 = arith.mulf %sub3A_563, %sub3A_563 : vector<16xf32>
      %add3A_565 = arith.addf %add3A_549, %mul3A_564 : vector<16xf32>
      %get3A_566 = arith.index_cast %add3A_502 : i32 to index
      %get3A_567 = arith.constant 64 : index
      %get3A_568 = tpu.vector_load %arg11[%get3A_566, %get3A_567] {strides = array<i32>} : memref<128x128xf32, #tpu.memory_space<vmem>>, vector<1x16xf32>,
      %get3A_569 = vector.shape_cast %get3A_568 : vector<1x16xf32> to vector<16xf32>
      %get3A_570 = arith.index_cast %add3A_502 : i32 to index
      %get3A_571 = arith.constant 64 : index
      %get3A_572 = tpu.vector_load %arg12[%get3A_570, %get3A_571] {strides = array<i32>} : memref<128x128xf32, #tpu.memory_space<vmem>>, vector<1x16xf32>,
      %get3A_573 = vector.shape_cast %get3A_572 : vector<1x16xf32> to vector<16xf32>
      %get3A_574 = arith.index_cast %add3A_502 : i32 to index
      %get3A_575 = arith.constant 64 : index
      %get3A_576 = tpu.vector_load %arg13[%get3A_574, %get3A_575] {strides = array<i32>} : memref<128x128xf32, #tpu.memory_space<vmem>>, vector<1x16xf32>,
      %get3A_577 = vector.shape_cast %get3A_576 : vector<1x16xf32> to vector<16xf32>
      %add3A_578 = arith.addf %get3A_569, %get3A_573 : vector<16xf32>
      %sub3A_579 = arith.subf %add3A_578, %get3A_577 : vector<16xf32>
      %mul3A_580 = arith.mulf %sub3A_579, %sub3A_579 : vector<16xf32>
      %add3A_581 = arith.addf %add3A_565, %mul3A_580 : vector<16xf32>
      %get3A_582 = arith.index_cast %add3A_502 : i32 to index
      %get3A_583 = arith.constant 80 : index
      %get3A_584 = tpu.vector_load %arg11[%get3A_582, %get3A_583] {strides = array<i32>} : memref<128x128xf32, #tpu.memory_space<vmem>>, vector<1x16xf32>,
      %get3A_585 = vector.shape_cast %get3A_584 : vector<1x16xf32> to vector<16xf32>
      %get3A_586 = arith.index_cast %add3A_502 : i32 to index
      %get3A_587 = arith.constant 80 : index
      %get3A_588 = tpu.vector_load %arg12[%get3A_586, %get3A_587] {strides = array<i32>} : memref<128x128xf32, #tpu.memory_space<vmem>>, vector<1x16xf32>,
      %get3A_589 = vector.shape_cast %get3A_588 : vector<1x16xf32> to vector<16xf32>
      %get3A_590 = arith.index_cast %add3A_502 : i32 to index
      %get3A_591 = arith.constant 80 : index
      %get3A_592 = tpu.vector_load %arg13[%get3A_590, %get3A_591] {strides = array<i32>} : memref<128x128xf32, #tpu.memory_space<vmem>>, vector<1x16xf32>,
      %get3A_593 = vector.shape_cast %get3A_592 : vector<1x16xf32> to vector<16xf32>
      %add3A_594 = arith.addf %get3A_585, %get3A_589 : vector<16xf32>
      %sub3A_595 = arith.subf %add3A_594, %get3A_593 : vector<16xf32>
      %mul3A_596 = arith.mulf %sub3A_595, %sub3A_595 : vector<16xf32>
      %add3A_597 = arith.addf %add3A_581, %mul3A_596 : vector<16xf32>
      %get3A_598 = arith.index_cast %add3A_502 : i32 to index
      %get3A_599 = arith.constant 96 : index
      %get3A_600 = tpu.vector_load %arg11[%get3A_598, %get3A_599] {strides = array<i32>} : memref<128x128xf32, #tpu.memory_space<vmem>>, vector<1x16xf32>,
      %get3A_601 = vector.shape_cast %get3A_600 : vector<1x16xf32> to vector<16xf32>
      %get3A_602 = arith.index_cast %add3A_502 : i32 to index
      %get3A_603 = arith.constant 96 : index
      %get3A_604 = tpu.vector_load %arg12[%get3A_602, %get3A_603] {strides = array<i32>} : memref<128x128xf32, #tpu.memory_space<vmem>>, vector<1x16xf32>,
      %get3A_605 = vector.shape_cast %get3A_604 : vector<1x16xf32> to vector<16xf32>
      %get3A_606 = arith.index_cast %add3A_502 : i32 to index
      %get3A_607 = arith.constant 96 : index
      %get3A_608 = tpu.vector_load %arg13[%get3A_606, %get3A_607] {strides = array<i32>} : memref<128x128xf32, #tpu.memory_space<vmem>>, vector<1x16xf32>,
      %get3A_609 = vector.shape_cast %get3A_608 : vector<1x16xf32> to vector<16xf32>
      %add3A_610 = arith.addf %get3A_601, %get3A_605 : vector<16xf32>
      %sub3A_611 = arith.subf %add3A_610, %get3A_609 : vector<16xf32>
      %mul3A_612 = arith.mulf %sub3A_611, %sub3A_611 : vector<16xf32>
      %add3A_613 = arith.addf %add3A_597, %mul3A_612 : vector<16xf32>
      %get3A_614 = arith.index_cast %add3A_502 : i32 to index
      %get3A_615 = arith.constant 112 : index
      %get3A_616 = tpu.vector_load %arg11[%get3A_614, %get3A_615] {strides = array<i32>} : memref<128x128xf32, #tpu.memory_space<vmem>>, vector<1x16xf32>,
      %get3A_617 = vector.shape_cast %get3A_616 : vector<1x16xf32> to vector<16xf32>
      %get3A_618 = arith.index_cast %add3A_502 : i32 to index
      %get3A_619 = arith.constant 112 : index
      %get3A_620 = tpu.vector_load %arg12[%get3A_618, %get3A_619] {strides = array<i32>} : memref<128x128xf32, #tpu.memory_space<vmem>>, vector<1x16xf32>,
      %get3A_621 = vector.shape_cast %get3A_620 : vector<1x16xf32> to vector<16xf32>
      %get3A_622 = arith.index_cast %add3A_502 : i32 to index
      %get3A_623 = arith.constant 112 : index
      %get3A_624 = tpu.vector_load %arg13[%get3A_622, %get3A_623] {strides = array<i32>} : memref<128x128xf32, #tpu.memory_space<vmem>>, vector<1x16xf32>,
      %get3A_625 = vector.shape_cast %get3A_624 : vector<1x16xf32> to vector<16xf32>
      %add3A_626 = arith.addf %get3A_617, %get3A_621 : vector<16xf32>
      %sub3A_627 = arith.subf %add3A_626, %get3A_625 : vector<16xf32>
      %mul3A_628 = arith.mulf %sub3A_627, %sub3A_627 : vector<16xf32>
      %add3A_629 = arith.addf %add3A_613, %mul3A_628 : vector<16xf32>
      %swap3A_630 = arith.constant 3 : i32
      %swap3A_631 = arith.index_cast %swap3A_630 : i32 to index
      %swap3A_632 = arith.constant 0 : index
      %swap3A_633 = tpu.vector_load %arg15[%swap3A_631, %swap3A_632] {strides = array<i32>} : memref<32x32xf32, #tpu.memory_space<vmem>>, vector<1x16xf32>,
      %swap3A_634 = vector.shape_cast %swap3A_633 : vector<1x16xf32> to vector<16xf32>
      %swap3A_635 = vector.shape_cast %add3A_629 : vector<16xf32> to vector<1x16xf32>
      tpu.vector_store %arg15[%swap3A_631, %swap3A_632], %swap3A_635 {strides = array<i32>} : memref<32x32xf32, #tpu.memory_space<vmem>>, vector<1x16xf32>,
      %swap3A_636 = arith.constant 3 : i32
      %swap3A_637 = arith.index_cast %swap3A_636 : i32 to index
      %swap3A_638 = arith.constant 16 : index
      %swap3A_639 = tpu.vector_load %arg15[%swap3A_637, %swap3A_638] {strides = array<i32>} : memref<32x32xf32, #tpu.memory_space<vmem>>, vector<1x16xf32>,
      %swap3A_640 = vector.shape_cast %swap3A_639 : vector<1x16xf32> to vector<16xf32>
      %swap3A_641 = vector.shape_cast %add3A_629 : vector<16xf32> to vector<1x16xf32>
      tpu.vector_store %arg15[%swap3A_637, %swap3A_638], %swap3A_641 {strides = array<i32>} : memref<32x32xf32, #tpu.memory_space<vmem>>, vector<1x16xf32>,
      %get3A_642 = arith.constant 3 : i32
      %get3A_643 = arith.index_cast %get3A_642 : i32 to index
      %get3A_644 = arith.constant 8 : index
      %get3A_645 = tpu.vector_load %arg15[%get3A_643, %get3A_644] {strides = array<i32>} : memref<32x32xf32, #tpu.memory_space<vmem>>, vector<1x16xf32>,
      %get3A_646 = vector.shape_cast %get3A_645 : vector<1x16xf32> to vector<16xf32>
      %add3A_647 = arith.addf %add3A_629, %get3A_646 : vector<16xf32>
      %select_n3A_648 = arith.select %lt3A_23, %add3A_498, %add3A_647 : vector<16xi1>, vector<16xf32>
      %mul3A_649 = arith.constant 16 : i32
      %mul3A_650 = arith.muli %scan3A_54, %mul3A_649 : i32
      %add3A_651 = arith.constant 2 : i32
      %add3A_652 = arith.addi %mul3A_650, %add3A_651 : i32
      %get3A_653 = arith.index_cast %add3A_652 : i32 to index
      %get3A_654 = arith.constant 0 : index
      %get3A_655 = tpu.vector_load %arg11[%get3A_653, %get3A_654] {strides = array<i32>} : memref<128x128xf32, #tpu.memory_space<vmem>>, vector<1x16xf32>,
      %get3A_656 = vector.shape_cast %get3A_655 : vector<1x16xf32> to vector<16xf32>
      %get3A_657 = arith.index_cast %add3A_652 : i32 to index
      %get3A_658 = arith.constant 0 : index
      %get3A_659 = tpu.vector_load %arg12[%get3A_657, %get3A_658] {strides = array<i32>} : memref<128x128xf32, #tpu.memory_space<vmem>>, vector<1x16xf32>,
      %get3A_660 = vector.shape_cast %get3A_659 : vector<1x16xf32> to vector<16xf32>
      %get3A_661 = arith.index_cast %add3A_652 : i32 to index
      %get3A_662 = arith.constant 0 : index
      %get3A_663 = tpu.vector_load %arg13[%get3A_661, %get3A_662] {strides = array<i32>} : memref<128x128xf32, #tpu.memory_space<vmem>>, vector<1x16xf32>,
      %get3A_664 = vector.shape_cast %get3A_663 : vector<1x16xf32> to vector<16xf32>
      %add3A_665 = arith.addf %get3A_656, %get3A_660 : vector<16xf32>
      %sub3A_666 = arith.subf %add3A_665, %get3A_664 : vector<16xf32>
      %mul3A_667 = arith.mulf %sub3A_666, %sub3A_666 : vector<16xf32>
      %get3A_668 = arith.index_cast %add3A_652 : i32 to index
      %get3A_669 = arith.constant 16 : index
      %get3A_670 = tpu.vector_load %arg11[%get3A_668, %get3A_669] {strides = array<i32>} : memref<128x128xf32, #tpu.memory_space<vmem>>, vector<1x16xf32>,
      %get3A_671 = vector.shape_cast %get3A_670 : vector<1x16xf32> to vector<16xf32>
      %get3A_672 = arith.index_cast %add3A_652 : i32 to index
      %get3A_673 = arith.constant 16 : index
      %get3A_674 = tpu.vector_load %arg12[%get3A_672, %get3A_673] {strides = array<i32>} : memref<128x128xf32, #tpu.memory_space<vmem>>, vector<1x16xf32>,
      %get3A_675 = vector.shape_cast %get3A_674 : vector<1x16xf32> to vector<16xf32>
      %get3A_676 = arith.index_cast %add3A_652 : i32 to index
      %get3A_677 = arith.constant 16 : index
      %get3A_678 = tpu.vector_load %arg13[%get3A_676, %get3A_677] {strides = array<i32>} : memref<128x128xf32, #tpu.memory_space<vmem>>, vector<1x16xf32>,
      %get3A_679 = vector.shape_cast %get3A_678 : vector<1x16xf32> to vector<16xf32>
      %add3A_680 = arith.addf %get3A_671, %get3A_675 : vector<16xf32>
      %sub3A_681 = arith.subf %add3A_680, %get3A_679 : vector<16xf32>
      %mul3A_682 = arith.mulf %sub3A_681, %sub3A_681 : vector<16xf32>
      %add3A_683 = arith.addf %mul3A_667, %mul3A_682 : vector<16xf32>
      %get3A_684 = arith.index_cast %add3A_652 : i32 to index
      %get3A_685 = arith.constant 32 : index
      %get3A_686 = tpu.vector_load %arg11[%get3A_684, %get3A_685] {strides = array<i32>} : memref<128x128xf32, #tpu.memory_space<vmem>>, vector<1x16xf32>,
      %get3A_687 = vector.shape_cast %get3A_686 : vector<1x16xf32> to vector<16xf32>
      %get3A_688 = arith.index_cast %add3A_652 : i32 to index
      %get3A_689 = arith.constant 32 : index
      %get3A_690 = tpu.vector_load %arg12[%get3A_688, %get3A_689] {strides = array<i32>} : memref<128x128xf32, #tpu.memory_space<vmem>>, vector<1x16xf32>,
      %get3A_691 = vector.shape_cast %get3A_690 : vector<1x16xf32> to vector<16xf32>
      %get3A_692 = arith.index_cast %add3A_652 : i32 to index
      %get3A_693 = arith.constant 32 : index
      %get3A_694 = tpu.vector_load %arg13[%get3A_692, %get3A_693] {strides = array<i32>} : memref<128x128xf32, #tpu.memory_space<vmem>>, vector<1x16xf32>,
      %get3A_695 = vector.shape_cast %get3A_694 : vector<1x16xf32> to vector<16xf32>
      %add3A_696 = arith.addf %get3A_687, %get3A_691 : vector<16xf32>
      %sub3A_697 = arith.subf %add3A_696, %get3A_695 : vector<16xf32>
      %mul3A_698 = arith.mulf %sub3A_697, %sub3A_697 : vector<16xf32>
      %add3A_699 = arith.addf %add3A_683, %mul3A_698 : vector<16xf32>
      %get3A_700 = arith.index_cast %add3A_652 : i32 to index
      %get3A_701 = arith.constant 48 : index
      %get3A_702 = tpu.vector_load %arg11[%get3A_700, %get3A_701] {strides = array<i32>} : memref<128x128xf32, #tpu.memory_space<vmem>>, vector<1x16xf32>,
      %get3A_703 = vector.shape_cast %get3A_702 : vector<1x16xf32> to vector<16xf32>
      %get3A_704 = arith.index_cast %add3A_652 : i32 to index
      %get3A_705 = arith.constant 48 : index
      %get3A_706 = tpu.vector_load %arg12[%get3A_704, %get3A_705] {strides = array<i32>} : memref<128x128xf32, #tpu.memory_space<vmem>>, vector<1x16xf32>,
      %get3A_707 = vector.shape_cast %get3A_706 : vector<1x16xf32> to vector<16xf32>
      %get3A_708 = arith.index_cast %add3A_652 : i32 to index
      %get3A_709 = arith.constant 48 : index
      %get3A_710 = tpu.vector_load %arg13[%get3A_708, %get3A_709] {strides = array<i32>} : memref<128x128xf32, #tpu.memory_space<vmem>>, vector<1x16xf32>,
      %get3A_711 = vector.shape_cast %get3A_710 : vector<1x16xf32> to vector<16xf32>
      %add3A_712 = arith.addf %get3A_703, %get3A_707 : vector<16xf32>
      %sub3A_713 = arith.subf %add3A_712, %get3A_711 : vector<16xf32>
      %mul3A_714 = arith.mulf %sub3A_713, %sub3A_713 : vector<16xf32>
      %add3A_715 = arith.addf %add3A_699, %mul3A_714 : vector<16xf32>
      %get3A_716 = arith.index_cast %add3A_652 : i32 to index
      %get3A_717 = arith.constant 64 : index
      %get3A_718 = tpu.vector_load %arg11[%get3A_716, %get3A_717] {strides = array<i32>} : memref<128x128xf32, #tpu.memory_space<vmem>>, vector<1x16xf32>,
      %get3A_719 = vector.shape_cast %get3A_718 : vector<1x16xf32> to vector<16xf32>
      %get3A_720 = arith.index_cast %add3A_652 : i32 to index
      %get3A_721 = arith.constant 64 : index
      %get3A_722 = tpu.vector_load %arg12[%get3A_720, %get3A_721] {strides = array<i32>} : memref<128x128xf32, #tpu.memory_space<vmem>>, vector<1x16xf32>,
      %get3A_723 = vector.shape_cast %get3A_722 : vector<1x16xf32> to vector<16xf32>
      %get3A_724 = arith.index_cast %add3A_652 : i32 to index
      %get3A_725 = arith.constant 64 : index
      %get3A_726 = tpu.vector_load %arg13[%get3A_724, %get3A_725] {strides = array<i32>} : memref<128x128xf32, #tpu.memory_space<vmem>>, vector<1x16xf32>,
      %get3A_727 = vector.shape_cast %get3A_726 : vector<1x16xf32> to vector<16xf32>
      %add3A_728 = arith.addf %get3A_719, %get3A_723 : vector<16xf32>
      %sub3A_729 = arith.subf %add3A_728, %get3A_727 : vector<16xf32>
      %mul3A_730 = arith.mulf %sub3A_729, %sub3A_729 : vector<16xf32>
      %add3A_731 = arith.addf %add3A_715, %mul3A_730 : vector<16xf32>
      %get3A_732 = arith.index_cast %add3A_652 : i32 to index
      %get3A_733 = arith.constant 80 : index
      %get3A_734 = tpu.vector_load %arg11[%get3A_732, %get3A_733] {strides = array<i32>} : memref<128x128xf32, #tpu.memory_space<vmem>>, vector<1x16xf32>,
      %get3A_735 = vector.shape_cast %get3A_734 : vector<1x16xf32> to vector<16xf32>
      %get3A_736 = arith.index_cast %add3A_652 : i32 to index
      %get3A_737 = arith.constant 80 : index
      %get3A_738 = tpu.vector_load %arg12[%get3A_736, %get3A_737] {strides = array<i32>} : memref<128x128xf32, #tpu.memory_space<vmem>>, vector<1x16xf32>,
      %get3A_739 = vector.shape_cast %get3A_738 : vector<1x16xf32> to vector<16xf32>
      %get3A_740 = arith.index_cast %add3A_652 : i32 to index
      %get3A_741 = arith.constant 80 : index
      %get3A_742 = tpu.vector_load %arg13[%get3A_740, %get3A_741] {strides = array<i32>} : memref<128x128xf32, #tpu.memory_space<vmem>>, vector<1x16xf32>,
      %get3A_743 = vector.shape_cast %get3A_742 : vector<1x16xf32> to vector<16xf32>
      %add3A_744 = arith.addf %get3A_735, %get3A_739 : vector<16xf32>
      %sub3A_745 = arith.subf %add3A_744, %get3A_743 : vector<16xf32>
      %mul3A_746 = arith.mulf %sub3A_745, %sub3A_745 : vector<16xf32>
      %add3A_747 = arith.addf %add3A_731, %mul3A_746 : vector<16xf32>
      %get3A_748 = arith.index_cast %add3A_652 : i32 to index
      %get3A_749 = arith.constant 96 : index
      %get3A_750 = tpu.vector_load %arg11[%get3A_748, %get3A_749] {strides = array<i32>} : memref<128x128xf32, #tpu.memory_space<vmem>>, vector<1x16xf32>,
      %get3A_751 = vector.shape_cast %get3A_750 : vector<1x16xf32> to vector<16xf32>
      %get3A_752 = arith.index_cast %add3A_652 : i32 to index
      %get3A_753 = arith.constant 96 : index
      %get3A_754 = tpu.vector_load %arg12[%get3A_752, %get3A_753] {strides = array<i32>} : memref<128x128xf32, #tpu.memory_space<vmem>>, vector<1x16xf32>,
      %get3A_755 = vector.shape_cast %get3A_754 : vector<1x16xf32> to vector<16xf32>
      %get3A_756 = arith.index_cast %add3A_652 : i32 to index
      %get3A_757 = arith.constant 96 : index
      %get3A_758 = tpu.vector_load %arg13[%get3A_756, %get3A_757] {strides = array<i32>} : memref<128x128xf32, #tpu.memory_space<vmem>>, vector<1x16xf32>,
      %get3A_759 = vector.shape_cast %get3A_758 : vector<1x16xf32> to vector<16xf32>
      %add3A_760 = arith.addf %get3A_751, %get3A_755 : vector<16xf32>
      %sub3A_761 = arith.subf %add3A_760, %get3A_759 : vector<16xf32>
      %mul3A_762 = arith.mulf %sub3A_761, %sub3A_761 : vector<16xf32>
      %add3A_763 = arith.addf %add3A_747, %mul3A_762 : vector<16xf32>
      %get3A_764 = arith.index_cast %add3A_652 : i32 to index
      %get3A_765 = arith.constant 112 : index
      %get3A_766 = tpu.vector_load %arg11[%get3A_764, %get3A_765] {strides = array<i32>} : memref<128x128xf32, #tpu.memory_space<vmem>>, vector<1x16xf32>,
      %get3A_767 = vector.shape_cast %get3A_766 : vector<1x16xf32> to vector<16xf32>
      %get3A_768 = arith.index_cast %add3A_652 : i32 to index
      %get3A_769 = arith.constant 112 : index
      %get3A_770 = tpu.vector_load %arg12[%get3A_768, %get3A_769] {strides = array<i32>} : memref<128x128xf32, #tpu.memory_space<vmem>>, vector<1x16xf32>,
      %get3A_771 = vector.shape_cast %get3A_770 : vector<1x16xf32> to vector<16xf32>
      %get3A_772 = arith.index_cast %add3A_652 : i32 to index
      %get3A_773 = arith.constant 112 : index
      %get3A_774 = tpu.vector_load %arg13[%get3A_772, %get3A_773] {strides = array<i32>} : memref<128x128xf32, #tpu.memory_space<vmem>>, vector<1x16xf32>,
      %get3A_775 = vector.shape_cast %get3A_774 : vector<1x16xf32> to vector<16xf32>
      %add3A_776 = arith.addf %get3A_767, %get3A_771 : vector<16xf32>
      %sub3A_777 = arith.subf %add3A_776, %get3A_775 : vector<16xf32>
      %mul3A_778 = arith.mulf %sub3A_777, %sub3A_777 : vector<16xf32>
      %add3A_779 = arith.addf %add3A_763, %mul3A_778 : vector<16xf32>
      %swap3A_780 = arith.constant 4 : i32
      %swap3A_781 = arith.index_cast %swap3A_780 : i32 to index
      %swap3A_782 = arith.constant 0 : index
      %swap3A_783 = tpu.vector_load %arg15[%swap3A_781, %swap3A_782] {strides = array<i32>} : memref<32x32xf32, #tpu.memory_space<vmem>>, vector<1x16xf32>,
      %swap3A_784 = vector.shape_cast %swap3A_783 : vector<1x16xf32> to vector<16xf32>
      %swap3A_785 = vector.shape_cast %add3A_779 : vector<16xf32> to vector<1x16xf32>
      tpu.vector_store %arg15[%swap3A_781, %swap3A_782], %swap3A_785 {strides = array<i32>} : memref<32x32xf32, #tpu.memory_space<vmem>>, vector<1x16xf32>,
      %swap3A_786 = arith.constant 4 : i32
      %swap3A_787 = arith.index_cast %swap3A_786 : i32 to index
      %swap3A_788 = arith.constant 16 : index
      %swap3A_789 = tpu.vector_load %arg15[%swap3A_787, %swap3A_788] {strides = array<i32>} : memref<32x32xf32, #tpu.memory_space<vmem>>, vector<1x16xf32>,
      %swap3A_790 = vector.shape_cast %swap3A_789 : vector<1x16xf32> to vector<16xf32>
      %swap3A_791 = vector.shape_cast %add3A_779 : vector<16xf32> to vector<1x16xf32>
      tpu.vector_store %arg15[%swap3A_787, %swap3A_788], %swap3A_791 {strides = array<i32>} : memref<32x32xf32, #tpu.memory_space<vmem>>, vector<1x16xf32>,
      %get3A_792 = arith.constant 4 : i32
      %get3A_793 = arith.index_cast %get3A_792 : i32 to index
      %get3A_794 = arith.constant 8 : index
      %get3A_795 = tpu.vector_load %arg15[%get3A_793, %get3A_794] {strides = array<i32>} : memref<32x32xf32, #tpu.memory_space<vmem>>, vector<1x16xf32>,
      %get3A_796 = vector.shape_cast %get3A_795 : vector<1x16xf32> to vector<16xf32>
      %add3A_797 = arith.addf %add3A_779, %get3A_796 : vector<16xf32>
      %mul3A_798 = arith.constant 16 : i32
      %mul3A_799 = arith.muli %scan3A_54, %mul3A_798 : i32
      %add3A_800 = arith.constant 10 : i32
      %add3A_801 = arith.addi %mul3A_799, %add3A_800 : i32
      %get3A_802 = arith.index_cast %add3A_801 : i32 to index
      %get3A_803 = arith.constant 0 : index
      %get3A_804 = tpu.vector_load %arg11[%get3A_802, %get3A_803] {strides = array<i32>} : memref<128x128xf32, #tpu.memory_space<vmem>>, vector<1x16xf32>,
      %get3A_805 = vector.shape_cast %get3A_804 : vector<1x16xf32> to vector<16xf32>
      %get3A_806 = arith.index_cast %add3A_801 : i32 to index
      %get3A_807 = arith.constant 0 : index
      %get3A_808 = tpu.vector_load %arg12[%get3A_806, %get3A_807] {strides = array<i32>} : memref<128x128xf32, #tpu.memory_space<vmem>>, vector<1x16xf32>,
      %get3A_809 = vector.shape_cast %get3A_808 : vector<1x16xf32> to vector<16xf32>
      %get3A_810 = arith.index_cast %add3A_801 : i32 to index
      %get3A_811 = arith.constant 0 : index
      %get3A_812 = tpu.vector_load %arg13[%get3A_810, %get3A_811] {strides = array<i32>} : memref<128x128xf32, #tpu.memory_space<vmem>>, vector<1x16xf32>,
      %get3A_813 = vector.shape_cast %get3A_812 : vector<1x16xf32> to vector<16xf32>
      %add3A_814 = arith.addf %get3A_805, %get3A_809 : vector<16xf32>
      %sub3A_815 = arith.subf %add3A_814, %get3A_813 : vector<16xf32>
      %mul3A_816 = arith.mulf %sub3A_815, %sub3A_815 : vector<16xf32>
      %get3A_817 = arith.index_cast %add3A_801 : i32 to index
      %get3A_818 = arith.constant 16 : index
      %get3A_819 = tpu.vector_load %arg11[%get3A_817, %get3A_818] {strides = array<i32>} : memref<128x128xf32, #tpu.memory_space<vmem>>, vector<1x16xf32>,
      %get3A_820 = vector.shape_cast %get3A_819 : vector<1x16xf32> to vector<16xf32>
      %get3A_821 = arith.index_cast %add3A_801 : i32 to index
      %get3A_822 = arith.constant 16 : index
      %get3A_823 = tpu.vector_load %arg12[%get3A_821, %get3A_822] {strides = array<i32>} : memref<128x128xf32, #tpu.memory_space<vmem>>, vector<1x16xf32>,
      %get3A_824 = vector.shape_cast %get3A_823 : vector<1x16xf32> to vector<16xf32>
      %get3A_825 = arith.index_cast %add3A_801 : i32 to index
      %get3A_826 = arith.constant 16 : index
      %get3A_827 = tpu.vector_load %arg13[%get3A_825, %get3A_826] {strides = array<i32>} : memref<128x128xf32, #tpu.memory_space<vmem>>, vector<1x16xf32>,
      %get3A_828 = vector.shape_cast %get3A_827 : vector<1x16xf32> to vector<16xf32>
      %add3A_829 = arith.addf %get3A_820, %get3A_824 : vector<16xf32>
      %sub3A_830 = arith.subf %add3A_829, %get3A_828 : vector<16xf32>
      %mul3A_831 = arith.mulf %sub3A_830, %sub3A_830 : vector<16xf32>
      %add3A_832 = arith.addf %mul3A_816, %mul3A_831 : vector<16xf32>
      %get3A_833 = arith.index_cast %add3A_801 : i32 to index
      %get3A_834 = arith.constant 32 : index
      %get3A_835 = tpu.vector_load %arg11[%get3A_833, %get3A_834] {strides = array<i32>} : memref<128x128xf32, #tpu.memory_space<vmem>>, vector<1x16xf32>,
      %get3A_836 = vector.shape_cast %get3A_835 : vector<1x16xf32> to vector<16xf32>
      %get3A_837 = arith.index_cast %add3A_801 : i32 to index
      %get3A_838 = arith.constant 32 : index
      %get3A_839 = tpu.vector_load %arg12[%get3A_837, %get3A_838] {strides = array<i32>} : memref<128x128xf32, #tpu.memory_space<vmem>>, vector<1x16xf32>,
      %get3A_840 = vector.shape_cast %get3A_839 : vector<1x16xf32> to vector<16xf32>
      %get3A_841 = arith.index_cast %add3A_801 : i32 to index
      %get3A_842 = arith.constant 32 : index
      %get3A_843 = tpu.vector_load %arg13[%get3A_841, %get3A_842] {strides = array<i32>} : memref<128x128xf32, #tpu.memory_space<vmem>>, vector<1x16xf32>,
      %get3A_844 = vector.shape_cast %get3A_843 : vector<1x16xf32> to vector<16xf32>
      %add3A_845 = arith.addf %get3A_836, %get3A_840 : vector<16xf32>
      %sub3A_846 = arith.subf %add3A_845, %get3A_844 : vector<16xf32>
      %mul3A_847 = arith.mulf %sub3A_846, %sub3A_846 : vector<16xf32>
      %add3A_848 = arith.addf %add3A_832, %mul3A_847 : vector<16xf32>
      %get3A_849 = arith.index_cast %add3A_801 : i32 to index
      %get3A_850 = arith.constant 48 : index
      %get3A_851 = tpu.vector_load %arg11[%get3A_849, %get3A_850] {strides = array<i32>} : memref<128x128xf32, #tpu.memory_space<vmem>>, vector<1x16xf32>,
      %get3A_852 = vector.shape_cast %get3A_851 : vector<1x16xf32> to vector<16xf32>
      %get3A_853 = arith.index_cast %add3A_801 : i32 to index
      %get3A_854 = arith.constant 48 : index
      %get3A_855 = tpu.vector_load %arg12[%get3A_853, %get3A_854] {strides = array<i32>} : memref<128x128xf32, #tpu.memory_space<vmem>>, vector<1x16xf32>,
      %get3A_856 = vector.shape_cast %get3A_855 : vector<1x16xf32> to vector<16xf32>
      %get3A_857 = arith.index_cast %add3A_801 : i32 to index
      %get3A_858 = arith.constant 48 : index
      %get3A_859 = tpu.vector_load %arg13[%get3A_857, %get3A_858] {strides = array<i32>} : memref<128x128xf32, #tpu.memory_space<vmem>>, vector<1x16xf32>,
      %get3A_860 = vector.shape_cast %get3A_859 : vector<1x16xf32> to vector<16xf32>
      %add3A_861 = arith.addf %get3A_852, %get3A_856 : vector<16xf32>
      %sub3A_862 = arith.subf %add3A_861, %get3A_860 : vector<16xf32>
      %mul3A_863 = arith.mulf %sub3A_862, %sub3A_862 : vector<16xf32>
      %add3A_864 = arith.addf %add3A_848, %mul3A_863 : vector<16xf32>
      %get3A_865 = arith.index_cast %add3A_801 : i32 to index
      %get3A_866 = arith.constant 64 : index
      %get3A_867 = tpu.vector_load %arg11[%get3A_865, %get3A_866] {strides = array<i32>} : memref<128x128xf32, #tpu.memory_space<vmem>>, vector<1x16xf32>,
      %get3A_868 = vector.shape_cast %get3A_867 : vector<1x16xf32> to vector<16xf32>
      %get3A_869 = arith.index_cast %add3A_801 : i32 to index
      %get3A_870 = arith.constant 64 : index
      %get3A_871 = tpu.vector_load %arg12[%get3A_869, %get3A_870] {strides = array<i32>} : memref<128x128xf32, #tpu.memory_space<vmem>>, vector<1x16xf32>,
      %get3A_872 = vector.shape_cast %get3A_871 : vector<1x16xf32> to vector<16xf32>
      %get3A_873 = arith.index_cast %add3A_801 : i32 to index
      %get3A_874 = arith.constant 64 : index
      %get3A_875 = tpu.vector_load %arg13[%get3A_873, %get3A_874] {strides = array<i32>} : memref<128x128xf32, #tpu.memory_space<vmem>>, vector<1x16xf32>,
      %get3A_876 = vector.shape_cast %get3A_875 : vector<1x16xf32> to vector<16xf32>
      %add3A_877 = arith.addf %get3A_868, %get3A_872 : vector<16xf32>
      %sub3A_878 = arith.subf %add3A_877, %get3A_876 : vector<16xf32>
      %mul3A_879 = arith.mulf %sub3A_878, %sub3A_878 : vector<16xf32>
      %add3A_880 = arith.addf %add3A_864, %mul3A_879 : vector<16xf32>
      %get3A_881 = arith.index_cast %add3A_801 : i32 to index
      %get3A_882 = arith.constant 80 : index
      %get3A_883 = tpu.vector_load %arg11[%get3A_881, %get3A_882] {strides = array<i32>} : memref<128x128xf32, #tpu.memory_space<vmem>>, vector<1x16xf32>,
      %get3A_884 = vector.shape_cast %get3A_883 : vector<1x16xf32> to vector<16xf32>
      %get3A_885 = arith.index_cast %add3A_801 : i32 to index
      %get3A_886 = arith.constant 80 : index
      %get3A_887 = tpu.vector_load %arg12[%get3A_885, %get3A_886] {strides = array<i32>} : memref<128x128xf32, #tpu.memory_space<vmem>>, vector<1x16xf32>,
      %get3A_888 = vector.shape_cast %get3A_887 : vector<1x16xf32> to vector<16xf32>
      %get3A_889 = arith.index_cast %add3A_801 : i32 to index
      %get3A_890 = arith.constant 80 : index
      %get3A_891 = tpu.vector_load %arg13[%get3A_889, %get3A_890] {strides = array<i32>} : memref<128x128xf32, #tpu.memory_space<vmem>>, vector<1x16xf32>,
      %get3A_892 = vector.shape_cast %get3A_891 : vector<1x16xf32> to vector<16xf32>
      %add3A_893 = arith.addf %get3A_884, %get3A_888 : vector<16xf32>
      %sub3A_894 = arith.subf %add3A_893, %get3A_892 : vector<16xf32>
      %mul3A_895 = arith.mulf %sub3A_894, %sub3A_894 : vector<16xf32>
      %add3A_896 = arith.addf %add3A_880, %mul3A_895 : vector<16xf32>
      %get3A_897 = arith.index_cast %add3A_801 : i32 to index
      %get3A_898 = arith.constant 96 : index
      %get3A_899 = tpu.vector_load %arg11[%get3A_897, %get3A_898] {strides = array<i32>} : memref<128x128xf32, #tpu.memory_space<vmem>>, vector<1x16xf32>,
      %get3A_900 = vector.shape_cast %get3A_899 : vector<1x16xf32> to vector<16xf32>
      %get3A_901 = arith.index_cast %add3A_801 : i32 to index
      %get3A_902 = arith.constant 96 : index
      %get3A_903 = tpu.vector_load %arg12[%get3A_901, %get3A_902] {strides = array<i32>} : memref<128x128xf32, #tpu.memory_space<vmem>>, vector<1x16xf32>,
      %get3A_904 = vector.shape_cast %get3A_903 : vector<1x16xf32> to vector<16xf32>
      %get3A_905 = arith.index_cast %add3A_801 : i32 to index
      %get3A_906 = arith.constant 96 : index
      %get3A_907 = tpu.vector_load %arg13[%get3A_905, %get3A_906] {strides = array<i32>} : memref<128x128xf32, #tpu.memory_space<vmem>>, vector<1x16xf32>,
      %get3A_908 = vector.shape_cast %get3A_907 : vector<1x16xf32> to vector<16xf32>
      %add3A_909 = arith.addf %get3A_900, %get3A_904 : vector<16xf32>
      %sub3A_910 = arith.subf %add3A_909, %get3A_908 : vector<16xf32>
      %mul3A_911 = arith.mulf %sub3A_910, %sub3A_910 : vector<16xf32>
      %add3A_912 = arith.addf %add3A_896, %mul3A_911 : vector<16xf32>
      %get3A_913 = arith.index_cast %add3A_801 : i32 to index
      %get3A_914 = arith.constant 112 : index
      %get3A_915 = tpu.vector_load %arg11[%get3A_913, %get3A_914] {strides = array<i32>} : memref<128x128xf32, #tpu.memory_space<vmem>>, vector<1x16xf32>,
      %get3A_916 = vector.shape_cast %get3A_915 : vector<1x16xf32> to vector<16xf32>
      %get3A_917 = arith.index_cast %add3A_801 : i32 to index
      %get3A_918 = arith.constant 112 : index
      %get3A_919 = tpu.vector_load %arg12[%get3A_917, %get3A_918] {strides = array<i32>} : memref<128x128xf32, #tpu.memory_space<vmem>>, vector<1x16xf32>,
      %get3A_920 = vector.shape_cast %get3A_919 : vector<1x16xf32> to vector<16xf32>
      %get3A_921 = arith.index_cast %add3A_801 : i32 to index
      %get3A_922 = arith.constant 112 : index
      %get3A_923 = tpu.vector_load %arg13[%get3A_921, %get3A_922] {strides = array<i32>} : memref<128x128xf32, #tpu.memory_space<vmem>>, vector<1x16xf32>,
      %get3A_924 = vector.shape_cast %get3A_923 : vector<1x16xf32> to vector<16xf32>
      %add3A_925 = arith.addf %get3A_916, %get3A_920 : vector<16xf32>
      %sub3A_926 = arith.subf %add3A_925, %get3A_924 : vector<16xf32>
      %mul3A_927 = arith.mulf %sub3A_926, %sub3A_926 : vector<16xf32>
      %add3A_928 = arith.addf %add3A_912, %mul3A_927 : vector<16xf32>
      %swap3A_929 = arith.constant 5 : i32
      %swap3A_930 = arith.index_cast %swap3A_929 : i32 to index
      %swap3A_931 = arith.constant 0 : index
      %swap3A_932 = tpu.vector_load %arg15[%swap3A_930, %swap3A_931] {strides = array<i32>} : memref<32x32xf32, #tpu.memory_space<vmem>>, vector<1x16xf32>,
      %swap3A_933 = vector.shape_cast %swap3A_932 : vector<1x16xf32> to vector<16xf32>
      %swap3A_934 = vector.shape_cast %add3A_928 : vector<16xf32> to vector<1x16xf32>
      tpu.vector_store %arg15[%swap3A_930, %swap3A_931], %swap3A_934 {strides = array<i32>} : memref<32x32xf32, #tpu.memory_space<vmem>>, vector<1x16xf32>,
      %swap3A_935 = arith.constant 5 : i32
      %swap3A_936 = arith.index_cast %swap3A_935 : i32 to index
      %swap3A_937 = arith.constant 16 : index
      %swap3A_938 = tpu.vector_load %arg15[%swap3A_936, %swap3A_937] {strides = array<i32>} : memref<32x32xf32, #tpu.memory_space<vmem>>, vector<1x16xf32>,
      %swap3A_939 = vector.shape_cast %swap3A_938 : vector<1x16xf32> to vector<16xf32>
      %swap3A_940 = vector.shape_cast %add3A_928 : vector<16xf32> to vector<1x16xf32>
      tpu.vector_store %arg15[%swap3A_936, %swap3A_937], %swap3A_940 {strides = array<i32>} : memref<32x32xf32, #tpu.memory_space<vmem>>, vector<1x16xf32>,
      %get3A_941 = arith.constant 5 : i32
      %get3A_942 = arith.index_cast %get3A_941 : i32 to index
      %get3A_943 = arith.constant 8 : index
      %get3A_944 = tpu.vector_load %arg15[%get3A_942, %get3A_943] {strides = array<i32>} : memref<32x32xf32, #tpu.memory_space<vmem>>, vector<1x16xf32>,
      %get3A_945 = vector.shape_cast %get3A_944 : vector<1x16xf32> to vector<16xf32>
      %add3A_946 = arith.addf %add3A_928, %get3A_945 : vector<16xf32>
      %select_n3A_947 = arith.select %lt3A_23, %add3A_797, %add3A_946 : vector<16xi1>, vector<16xf32>
      %mul3A_948 = arith.constant 16 : i32
      %mul3A_949 = arith.muli %scan3A_54, %mul3A_948 : i32
      %add3A_950 = arith.constant 6 : i32
      %add3A_951 = arith.addi %mul3A_949, %add3A_950 : i32
      %get3A_952 = arith.index_cast %add3A_951 : i32 to index
      %get3A_953 = arith.constant 0 : index
      %get3A_954 = tpu.vector_load %arg11[%get3A_952, %get3A_953] {strides = array<i32>} : memref<128x128xf32, #tpu.memory_space<vmem>>, vector<1x16xf32>,
      %get3A_955 = vector.shape_cast %get3A_954 : vector<1x16xf32> to vector<16xf32>
      %get3A_956 = arith.index_cast %add3A_951 : i32 to index
      %get3A_957 = arith.constant 0 : index
      %get3A_958 = tpu.vector_load %arg12[%get3A_956, %get3A_957] {strides = array<i32>} : memref<128x128xf32, #tpu.memory_space<vmem>>, vector<1x16xf32>,
      %get3A_959 = vector.shape_cast %get3A_958 : vector<1x16xf32> to vector<16xf32>
      %get3A_960 = arith.index_cast %add3A_951 : i32 to index
      %get3A_961 = arith.constant 0 : index
      %get3A_962 = tpu.vector_load %arg13[%get3A_960, %get3A_961] {strides = array<i32>} : memref<128x128xf32, #tpu.memory_space<vmem>>, vector<1x16xf32>,
      %get3A_963 = vector.shape_cast %get3A_962 : vector<1x16xf32> to vector<16xf32>
      %add3A_964 = arith.addf %get3A_955, %get3A_959 : vector<16xf32>
      %sub3A_965 = arith.subf %add3A_964, %get3A_963 : vector<16xf32>
      %mul3A_966 = arith.mulf %sub3A_965, %sub3A_965 : vector<16xf32>
      %get3A_967 = arith.index_cast %add3A_951 : i32 to index
      %get3A_968 = arith.constant 16 : index
      %get3A_969 = tpu.vector_load %arg11[%get3A_967, %get3A_968] {strides = array<i32>} : memref<128x128xf32, #tpu.memory_space<vmem>>, vector<1x16xf32>,
      %get3A_970 = vector.shape_cast %get3A_969 : vector<1x16xf32> to vector<16xf32>
      %get3A_971 = arith.index_cast %add3A_951 : i32 to index
      %get3A_972 = arith.constant 16 : index
      %get3A_973 = tpu.vector_load %arg12[%get3A_971, %get3A_972] {strides = array<i32>} : memref<128x128xf32, #tpu.memory_space<vmem>>, vector<1x16xf32>,
      %get3A_974 = vector.shape_cast %get3A_973 : vector<1x16xf32> to vector<16xf32>
      %get3A_975 = arith.index_cast %add3A_951 : i32 to index
      %get3A_976 = arith.constant 16 : index
      %get3A_977 = tpu.vector_load %arg13[%get3A_975, %get3A_976] {strides = array<i32>} : memref<128x128xf32, #tpu.memory_space<vmem>>, vector<1x16xf32>,
      %get3A_978 = vector.shape_cast %get3A_977 : vector<1x16xf32> to vector<16xf32>
      %add3A_979 = arith.addf %get3A_970, %get3A_974 : vector<16xf32>
      %sub3A_980 = arith.subf %add3A_979, %get3A_978 : vector<16xf32>
      %mul3A_981 = arith.mulf %sub3A_980, %sub3A_980 : vector<16xf32>
      %add3A_982 = arith.addf %mul3A_966, %mul3A_981 : vector<16xf32>
      %get3A_983 = arith.index_cast %add3A_951 : i32 to index
      %get3A_984 = arith.constant 32 : index
      %get3A_985 = tpu.vector_load %arg11[%get3A_983, %get3A_984] {strides = array<i32>} : memref<128x128xf32, #tpu.memory_space<vmem>>, vector<1x16xf32>,
      %get3A_986 = vector.shape_cast %get3A_985 : vector<1x16xf32> to vector<16xf32>
      %get3A_987 = arith.index_cast %add3A_951 : i32 to index
      %get3A_988 = arith.constant 32 : index
      %get3A_989 = tpu.vector_load %arg12[%get3A_987, %get3A_988] {strides = array<i32>} : memref<128x128xf32, #tpu.memory_space<vmem>>, vector<1x16xf32>,
      %get3A_990 = vector.shape_cast %get3A_989 : vector<1x16xf32> to vector<16xf32>
      %get3A_991 = arith.index_cast %add3A_951 : i32 to index
      %get3A_992 = arith.constant 32 : index
      %get3A_993 = tpu.vector_load %arg13[%get3A_991, %get3A_992] {strides = array<i32>} : memref<128x128xf32, #tpu.memory_space<vmem>>, vector<1x16xf32>,
      %get3A_994 = vector.shape_cast %get3A_993 : vector<1x16xf32> to vector<16xf32>
      %add3A_995 = arith.addf %get3A_986, %get3A_990 : vector<16xf32>
      %sub3A_996 = arith.subf %add3A_995, %get3A_994 : vector<16xf32>
      %mul3A_997 = arith.mulf %sub3A_996, %sub3A_996 : vector<16xf32>
      %add3A_998 = arith.addf %add3A_982, %mul3A_997 : vector<16xf32>
      %get3A_999 = arith.index_cast %add3A_951 : i32 to index
      %get3A_1000 = arith.constant 48 : index
      %get3A_1001 = tpu.vector_load %arg11[%get3A_999, %get3A_1000] {strides = array<i32>} : memref<128x128xf32, #tpu.memory_space<vmem>>, vector<1x16xf32>,
      %get3A_1002 = vector.shape_cast %get3A_1001 : vector<1x16xf32> to vector<16xf32>
      %get3A_1003 = arith.index_cast %add3A_951 : i32 to index
      %get3A_1004 = arith.constant 48 : index
      %get3A_1005 = tpu.vector_load %arg12[%get3A_1003, %get3A_1004] {strides = array<i32>} : memref<128x128xf32, #tpu.memory_space<vmem>>, vector<1x16xf32>,
      %get3A_1006 = vector.shape_cast %get3A_1005 : vector<1x16xf32> to vector<16xf32>
      %get3A_1007 = arith.index_cast %add3A_951 : i32 to index
      %get3A_1008 = arith.constant 48 : index
      %get3A_1009 = tpu.vector_load %arg13[%get3A_1007, %get3A_1008] {strides = array<i32>} : memref<128x128xf32, #tpu.memory_space<vmem>>, vector<1x16xf32>,
      %get3A_1010 = vector.shape_cast %get3A_1009 : vector<1x16xf32> to vector<16xf32>
      %add3A_1011 = arith.addf %get3A_1002, %get3A_1006 : vector<16xf32>
      %sub3A_1012 = arith.subf %add3A_1011, %get3A_1010 : vector<16xf32>
      %mul3A_1013 = arith.mulf %sub3A_1012, %sub3A_1012 : vector<16xf32>
      %add3A_1014 = arith.addf %add3A_998, %mul3A_1013 : vector<16xf32>
      %get3A_1015 = arith.index_cast %add3A_951 : i32 to index
      %get3A_1016 = arith.constant 64 : index
      %get3A_1017 = tpu.vector_load %arg11[%get3A_1015, %get3A_1016] {strides = array<i32>} : memref<128x128xf32, #tpu.memory_space<vmem>>, vector<1x16xf32>,
      %get3A_1018 = vector.shape_cast %get3A_1017 : vector<1x16xf32> to vector<16xf32>
      %get3A_1019 = arith.index_cast %add3A_951 : i32 to index
      %get3A_1020 = arith.constant 64 : index
      %get3A_1021 = tpu.vector_load %arg12[%get3A_1019, %get3A_1020] {strides = array<i32>} : memref<128x128xf32, #tpu.memory_space<vmem>>, vector<1x16xf32>,
      %get3A_1022 = vector.shape_cast %get3A_1021 : vector<1x16xf32> to vector<16xf32>
      %get3A_1023 = arith.index_cast %add3A_951 : i32 to index
      %get3A_1024 = arith.constant 64 : index
      %get3A_1025 = tpu.vector_load %arg13[%get3A_1023, %get3A_1024] {strides = array<i32>} : memref<128x128xf32, #tpu.memory_space<vmem>>, vector<1x16xf32>,
      %get3A_1026 = vector.shape_cast %get3A_1025 : vector<1x16xf32> to vector<16xf32>
      %add3A_1027 = arith.addf %get3A_1018, %get3A_1022 : vector<16xf32>
      %sub3A_1028 = arith.subf %add3A_1027, %get3A_1026 : vector<16xf32>
      %mul3A_1029 = arith.mulf %sub3A_1028, %sub3A_1028 : vector<16xf32>
      %add3A_1030 = arith.addf %add3A_1014, %mul3A_1029 : vector<16xf32>
      %get3A_1031 = arith.index_cast %add3A_951 : i32 to index
      %get3A_1032 = arith.constant 80 : index
      %get3A_1033 = tpu.vector_load %arg11[%get3A_1031, %get3A_1032] {strides = array<i32>} : memref<128x128xf32, #tpu.memory_space<vmem>>, vector<1x16xf32>,
      %get3A_1034 = vector.shape_cast %get3A_1033 : vector<1x16xf32> to vector<16xf32>
      %get3A_1035 = arith.index_cast %add3A_951 : i32 to index
      %get3A_1036 = arith.constant 80 : index
      %get3A_1037 = tpu.vector_load %arg12[%get3A_1035, %get3A_1036] {strides = array<i32>} : memref<128x128xf32, #tpu.memory_space<vmem>>, vector<1x16xf32>,
      %get3A_1038 = vector.shape_cast %get3A_1037 : vector<1x16xf32> to vector<16xf32>
      %get3A_1039 = arith.index_cast %add3A_951 : i32 to index
      %get3A_1040 = arith.constant 80 : index
      %get3A_1041 = tpu.vector_load %arg13[%get3A_1039, %get3A_1040] {strides = array<i32>} : memref<128x128xf32, #tpu.memory_space<vmem>>, vector<1x16xf32>,
      %get3A_1042 = vector.shape_cast %get3A_1041 : vector<1x16xf32> to vector<16xf32>
      %add3A_1043 = arith.addf %get3A_1034, %get3A_1038 : vector<16xf32>
      %sub3A_1044 = arith.subf %add3A_1043, %get3A_1042 : vector<16xf32>
      %mul3A_1045 = arith.mulf %sub3A_1044, %sub3A_1044 : vector<16xf32>
      %add3A_1046 = arith.addf %add3A_1030, %mul3A_1045 : vector<16xf32>
      %get3A_1047 = arith.index_cast %add3A_951 : i32 to index
      %get3A_1048 = arith.constant 96 : index
      %get3A_1049 = tpu.vector_load %arg11[%get3A_1047, %get3A_1048] {strides = array<i32>} : memref<128x128xf32, #tpu.memory_space<vmem>>, vector<1x16xf32>,
      %get3A_1050 = vector.shape_cast %get3A_1049 : vector<1x16xf32> to vector<16xf32>
      %get3A_1051 = arith.index_cast %add3A_951 : i32 to index
      %get3A_1052 = arith.constant 96 : index
      %get3A_1053 = tpu.vector_load %arg12[%get3A_1051, %get3A_1052] {strides = array<i32>} : memref<128x128xf32, #tpu.memory_space<vmem>>, vector<1x16xf32>,
      %get3A_1054 = vector.shape_cast %get3A_1053 : vector<1x16xf32> to vector<16xf32>
      %get3A_1055 = arith.index_cast %add3A_951 : i32 to index
      %get3A_1056 = arith.constant 96 : index
      %get3A_1057 = tpu.vector_load %arg13[%get3A_1055, %get3A_1056] {strides = array<i32>} : memref<128x128xf32, #tpu.memory_space<vmem>>, vector<1x16xf32>,
      %get3A_1058 = vector.shape_cast %get3A_1057 : vector<1x16xf32> to vector<16xf32>
      %add3A_1059 = arith.addf %get3A_1050, %get3A_1054 : vector<16xf32>
      %sub3A_1060 = arith.subf %add3A_1059, %get3A_1058 : vector<16xf32>
      %mul3A_1061 = arith.mulf %sub3A_1060, %sub3A_1060 : vector<16xf32>
      %add3A_1062 = arith.addf %add3A_1046, %mul3A_1061 : vector<16xf32>
      %get3A_1063 = arith.index_cast %add3A_951 : i32 to index
      %get3A_1064 = arith.constant 112 : index
      %get3A_1065 = tpu.vector_load %arg11[%get3A_1063, %get3A_1064] {strides = array<i32>} : memref<128x128xf32, #tpu.memory_space<vmem>>, vector<1x16xf32>,
      %get3A_1066 = vector.shape_cast %get3A_1065 : vector<1x16xf32> to vector<16xf32>
      %get3A_1067 = arith.index_cast %add3A_951 : i32 to index
      %get3A_1068 = arith.constant 112 : index
      %get3A_1069 = tpu.vector_load %arg12[%get3A_1067, %get3A_1068] {strides = array<i32>} : memref<128x128xf32, #tpu.memory_space<vmem>>, vector<1x16xf32>,
      %get3A_1070 = vector.shape_cast %get3A_1069 : vector<1x16xf32> to vector<16xf32>
      %get3A_1071 = arith.index_cast %add3A_951 : i32 to index
      %get3A_1072 = arith.constant 112 : index
      %get3A_1073 = tpu.vector_load %arg13[%get3A_1071, %get3A_1072] {strides = array<i32>} : memref<128x128xf32, #tpu.memory_space<vmem>>, vector<1x16xf32>,
      %get3A_1074 = vector.shape_cast %get3A_1073 : vector<1x16xf32> to vector<16xf32>
      %add3A_1075 = arith.addf %get3A_1066, %get3A_1070 : vector<16xf32>
      %sub3A_1076 = arith.subf %add3A_1075, %get3A_1074 : vector<16xf32>
      %mul3A_1077 = arith.mulf %sub3A_1076, %sub3A_1076 : vector<16xf32>
      %add3A_1078 = arith.addf %add3A_1062, %mul3A_1077 : vector<16xf32>
      %swap3A_1079 = arith.constant 6 : i32
      %swap3A_1080 = arith.index_cast %swap3A_1079 : i32 to index
      %swap3A_1081 = arith.constant 0 : index
      %swap3A_1082 = tpu.vector_load %arg15[%swap3A_1080, %swap3A_1081] {strides = array<i32>} : memref<32x32xf32, #tpu.memory_space<vmem>>, vector<1x16xf32>,
      %swap3A_1083 = vector.shape_cast %swap3A_1082 : vector<1x16xf32> to vector<16xf32>
      %swap3A_1084 = vector.shape_cast %add3A_1078 : vector<16xf32> to vector<1x16xf32>
      tpu.vector_store %arg15[%swap3A_1080, %swap3A_1081], %swap3A_1084 {strides = array<i32>} : memref<32x32xf32, #tpu.memory_space<vmem>>, vector<1x16xf32>,
      %swap3A_1085 = arith.constant 6 : i32
      %swap3A_1086 = arith.index_cast %swap3A_1085 : i32 to index
      %swap3A_1087 = arith.constant 16 : index
      %swap3A_1088 = tpu.vector_load %arg15[%swap3A_1086, %swap3A_1087] {strides = array<i32>} : memref<32x32xf32, #tpu.memory_space<vmem>>, vector<1x16xf32>,
      %swap3A_1089 = vector.shape_cast %swap3A_1088 : vector<1x16xf32> to vector<16xf32>
      %swap3A_1090 = vector.shape_cast %add3A_1078 : vector<16xf32> to vector<1x16xf32>
      tpu.vector_store %arg15[%swap3A_1086, %swap3A_1087], %swap3A_1090 {strides = array<i32>} : memref<32x32xf32, #tpu.memory_space<vmem>>, vector<1x16xf32>,
      %get3A_1091 = arith.constant 6 : i32
      %get3A_1092 = arith.index_cast %get3A_1091 : i32 to index
      %get3A_1093 = arith.constant 8 : index
      %get3A_1094 = tpu.vector_load %arg15[%get3A_1092, %get3A_1093] {strides = array<i32>} : memref<32x32xf32, #tpu.memory_space<vmem>>, vector<1x16xf32>,
      %get3A_1095 = vector.shape_cast %get3A_1094 : vector<1x16xf32> to vector<16xf32>
      %add3A_1096 = arith.addf %add3A_1078, %get3A_1095 : vector<16xf32>
      %mul3A_1097 = arith.constant 16 : i32
      %mul3A_1098 = arith.muli %scan3A_54, %mul3A_1097 : i32
      %add3A_1099 = arith.constant 14 : i32
      %add3A_1100 = arith.addi %mul3A_1098, %add3A_1099 : i32
      %get3A_1101 = arith.index_cast %add3A_1100 : i32 to index
      %get3A_1102 = arith.constant 0 : index
      %get3A_1103 = tpu.vector_load %arg11[%get3A_1101, %get3A_1102] {strides = array<i32>} : memref<128x128xf32, #tpu.memory_space<vmem>>, vector<1x16xf32>,
      %get3A_1104 = vector.shape_cast %get3A_1103 : vector<1x16xf32> to vector<16xf32>
      %get3A_1105 = arith.index_cast %add3A_1100 : i32 to index
      %get3A_1106 = arith.constant 0 : index
      %get3A_1107 = tpu.vector_load %arg12[%get3A_1105, %get3A_1106] {strides = array<i32>} : memref<128x128xf32, #tpu.memory_space<vmem>>, vector<1x16xf32>,
      %get3A_1108 = vector.shape_cast %get3A_1107 : vector<1x16xf32> to vector<16xf32>
      %get3A_1109 = arith.index_cast %add3A_1100 : i32 to index
      %get3A_1110 = arith.constant 0 : index
      %get3A_1111 = tpu.vector_load %arg13[%get3A_1109, %get3A_1110] {strides = array<i32>} : memref<128x128xf32, #tpu.memory_space<vmem>>, vector<1x16xf32>,
      %get3A_1112 = vector.shape_cast %get3A_1111 : vector<1x16xf32> to vector<16xf32>
      %add3A_1113 = arith.addf %get3A_1104, %get3A_1108 : vector<16xf32>
      %sub3A_1114 = arith.subf %add3A_1113, %get3A_1112 : vector<16xf32>
      %mul3A_1115 = arith.mulf %sub3A_1114, %sub3A_1114 : vector<16xf32>
      %get3A_1116 = arith.index_cast %add3A_1100 : i32 to index
      %get3A_1117 = arith.constant 16 : index
      %get3A_1118 = tpu.vector_load %arg11[%get3A_1116, %get3A_1117] {strides = array<i32>} : memref<128x128xf32, #tpu.memory_space<vmem>>, vector<1x16xf32>,
      %get3A_1119 = vector.shape_cast %get3A_1118 : vector<1x16xf32> to vector<16xf32>
      %get3A_1120 = arith.index_cast %add3A_1100 : i32 to index
      %get3A_1121 = arith.constant 16 : index
      %get3A_1122 = tpu.vector_load %arg12[%get3A_1120, %get3A_1121] {strides = array<i32>} : memref<128x128xf32, #tpu.memory_space<vmem>>, vector<1x16xf32>,
      %get3A_1123 = vector.shape_cast %get3A_1122 : vector<1x16xf32> to vector<16xf32>
      %get3A_1124 = arith.index_cast %add3A_1100 : i32 to index
      %get3A_1125 = arith.constant 16 : index
      %get3A_1126 = tpu.vector_load %arg13[%get3A_1124, %get3A_1125] {strides = array<i32>} : memref<128x128xf32, #tpu.memory_space<vmem>>, vector<1x16xf32>,
      %get3A_1127 = vector.shape_cast %get3A_1126 : vector<1x16xf32> to vector<16xf32>
      %add3A_1128 = arith.addf %get3A_1119, %get3A_1123 : vector<16xf32>
      %sub3A_1129 = arith.subf %add3A_1128, %get3A_1127 : vector<16xf32>
      %mul3A_1130 = arith.mulf %sub3A_1129, %sub3A_1129 : vector<16xf32>
      %add3A_1131 = arith.addf %mul3A_1115, %mul3A_1130 : vector<16xf32>
      %get3A_1132 = arith.index_cast %add3A_1100 : i32 to index
      %get3A_1133 = arith.constant 32 : index
      %get3A_1134 = tpu.vector_load %arg11[%get3A_1132, %get3A_1133] {strides = array<i32>} : memref<128x128xf32, #tpu.memory_space<vmem>>, vector<1x16xf32>,
      %get3A_1135 = vector.shape_cast %get3A_1134 : vector<1x16xf32> to vector<16xf32>
      %get3A_1136 = arith.index_cast %add3A_1100 : i32 to index
      %get3A_1137 = arith.constant 32 : index
      %get3A_1138 = tpu.vector_load %arg12[%get3A_1136, %get3A_1137] {strides = array<i32>} : memref<128x128xf32, #tpu.memory_space<vmem>>, vector<1x16xf32>,
      %get3A_1139 = vector.shape_cast %get3A_1138 : vector<1x16xf32> to vector<16xf32>
      %get3A_1140 = arith.index_cast %add3A_1100 : i32 to index
      %get3A_1141 = arith.constant 32 : index
      %get3A_1142 = tpu.vector_load %arg13[%get3A_1140, %get3A_1141] {strides = array<i32>} : memref<128x128xf32, #tpu.memory_space<vmem>>, vector<1x16xf32>,
      %get3A_1143 = vector.shape_cast %get3A_1142 : vector<1x16xf32> to vector<16xf32>
      %add3A_1144 = arith.addf %get3A_1135, %get3A_1139 : vector<16xf32>
      %sub3A_1145 = arith.subf %add3A_1144, %get3A_1143 : vector<16xf32>
      %mul3A_1146 = arith.mulf %sub3A_1145, %sub3A_1145 : vector<16xf32>
      %add3A_1147 = arith.addf %add3A_1131, %mul3A_1146 : vector<16xf32>
      %get3A_1148 = arith.index_cast %add3A_1100 : i32 to index
      %get3A_1149 = arith.constant 48 : index
      %get3A_1150 = tpu.vector_load %arg11[%get3A_1148, %get3A_1149] {strides = array<i32>} : memref<128x128xf32, #tpu.memory_space<vmem>>, vector<1x16xf32>,
      %get3A_1151 = vector.shape_cast %get3A_1150 : vector<1x16xf32> to vector<16xf32>
      %get3A_1152 = arith.index_cast %add3A_1100 : i32 to index
      %get3A_1153 = arith.constant 48 : index
      %get3A_1154 = tpu.vector_load %arg12[%get3A_1152, %get3A_1153] {strides = array<i32>} : memref<128x128xf32, #tpu.memory_space<vmem>>, vector<1x16xf32>,
      %get3A_1155 = vector.shape_cast %get3A_1154 : vector<1x16xf32> to vector<16xf32>
      %get3A_1156 = arith.index_cast %add3A_1100 : i32 to index
      %get3A_1157 = arith.constant 48 : index
      %get3A_1158 = tpu.vector_load %arg13[%get3A_1156, %get3A_1157] {strides = array<i32>} : memref<128x128xf32, #tpu.memory_space<vmem>>, vector<1x16xf32>,
      %get3A_1159 = vector.shape_cast %get3A_1158 : vector<1x16xf32> to vector<16xf32>
      %add3A_1160 = arith.addf %get3A_1151, %get3A_1155 : vector<16xf32>
      %sub3A_1161 = arith.subf %add3A_1160, %get3A_1159 : vector<16xf32>
      %mul3A_1162 = arith.mulf %sub3A_1161, %sub3A_1161 : vector<16xf32>
      %add3A_1163 = arith.addf %add3A_1147, %mul3A_1162 : vector<16xf32>
      %get3A_1164 = arith.index_cast %add3A_1100 : i32 to index
      %get3A_1165 = arith.constant 64 : index
      %get3A_1166 = tpu.vector_load %arg11[%get3A_1164, %get3A_1165] {strides = array<i32>} : memref<128x128xf32, #tpu.memory_space<vmem>>, vector<1x16xf32>,
      %get3A_1167 = vector.shape_cast %get3A_1166 : vector<1x16xf32> to vector<16xf32>
      %get3A_1168 = arith.index_cast %add3A_1100 : i32 to index
      %get3A_1169 = arith.constant 64 : index
      %get3A_1170 = tpu.vector_load %arg12[%get3A_1168, %get3A_1169] {strides = array<i32>} : memref<128x128xf32, #tpu.memory_space<vmem>>, vector<1x16xf32>,
      %get3A_1171 = vector.shape_cast %get3A_1170 : vector<1x16xf32> to vector<16xf32>
      %get3A_1172 = arith.index_cast %add3A_1100 : i32 to index
      %get3A_1173 = arith.constant 64 : index
      %get3A_1174 = tpu.vector_load %arg13[%get3A_1172, %get3A_1173] {strides = array<i32>} : memref<128x128xf32, #tpu.memory_space<vmem>>, vector<1x16xf32>,
      %get3A_1175 = vector.shape_cast %get3A_1174 : vector<1x16xf32> to vector<16xf32>
      %add3A_1176 = arith.addf %get3A_1167, %get3A_1171 : vector<16xf32>
      %sub3A_1177 = arith.subf %add3A_1176, %get3A_1175 : vector<16xf32>
      %mul3A_1178 = arith.mulf %sub3A_1177, %sub3A_1177 : vector<16xf32>
      %add3A_1179 = arith.addf %add3A_1163, %mul3A_1178 : vector<16xf32>
      %get3A_1180 = arith.index_cast %add3A_1100 : i32 to index
      %get3A_1181 = arith.constant 80 : index
      %get3A_1182 = tpu.vector_load %arg11[%get3A_1180, %get3A_1181] {strides = array<i32>} : memref<128x128xf32, #tpu.memory_space<vmem>>, vector<1x16xf32>,
      %get3A_1183 = vector.shape_cast %get3A_1182 : vector<1x16xf32> to vector<16xf32>
      %get3A_1184 = arith.index_cast %add3A_1100 : i32 to index
      %get3A_1185 = arith.constant 80 : index
      %get3A_1186 = tpu.vector_load %arg12[%get3A_1184, %get3A_1185] {strides = array<i32>} : memref<128x128xf32, #tpu.memory_space<vmem>>, vector<1x16xf32>,
      %get3A_1187 = vector.shape_cast %get3A_1186 : vector<1x16xf32> to vector<16xf32>
      %get3A_1188 = arith.index_cast %add3A_1100 : i32 to index
      %get3A_1189 = arith.constant 80 : index
      %get3A_1190 = tpu.vector_load %arg13[%get3A_1188, %get3A_1189] {strides = array<i32>} : memref<128x128xf32, #tpu.memory_space<vmem>>, vector<1x16xf32>,
      %get3A_1191 = vector.shape_cast %get3A_1190 : vector<1x16xf32> to vector<16xf32>
      %add3A_1192 = arith.addf %get3A_1183, %get3A_1187 : vector<16xf32>
      %sub3A_1193 = arith.subf %add3A_1192, %get3A_1191 : vector<16xf32>
      %mul3A_1194 = arith.mulf %sub3A_1193, %sub3A_1193 : vector<16xf32>
      %add3A_1195 = arith.addf %add3A_1179, %mul3A_1194 : vector<16xf32>
      %get3A_1196 = arith.index_cast %add3A_1100 : i32 to index
      %get3A_1197 = arith.constant 96 : index
      %get3A_1198 = tpu.vector_load %arg11[%get3A_1196, %get3A_1197] {strides = array<i32>} : memref<128x128xf32, #tpu.memory_space<vmem>>, vector<1x16xf32>,
      %get3A_1199 = vector.shape_cast %get3A_1198 : vector<1x16xf32> to vector<16xf32>
      %get3A_1200 = arith.index_cast %add3A_1100 : i32 to index
      %get3A_1201 = arith.constant 96 : index
      %get3A_1202 = tpu.vector_load %arg12[%get3A_1200, %get3A_1201] {strides = array<i32>} : memref<128x128xf32, #tpu.memory_space<vmem>>, vector<1x16xf32>,
      %get3A_1203 = vector.shape_cast %get3A_1202 : vector<1x16xf32> to vector<16xf32>
      %get3A_1204 = arith.index_cast %add3A_1100 : i32 to index
      %get3A_1205 = arith.constant 96 : index
      %get3A_1206 = tpu.vector_load %arg13[%get3A_1204, %get3A_1205] {strides = array<i32>} : memref<128x128xf32, #tpu.memory_space<vmem>>, vector<1x16xf32>,
      %get3A_1207 = vector.shape_cast %get3A_1206 : vector<1x16xf32> to vector<16xf32>
      %add3A_1208 = arith.addf %get3A_1199, %get3A_1203 : vector<16xf32>
      %sub3A_1209 = arith.subf %add3A_1208, %get3A_1207 : vector<16xf32>
      %mul3A_1210 = arith.mulf %sub3A_1209, %sub3A_1209 : vector<16xf32>
      %add3A_1211 = arith.addf %add3A_1195, %mul3A_1210 : vector<16xf32>
      %get3A_1212 = arith.index_cast %add3A_1100 : i32 to index
      %get3A_1213 = arith.constant 112 : index
      %get3A_1214 = tpu.vector_load %arg11[%get3A_1212, %get3A_1213] {strides = array<i32>} : memref<128x128xf32, #tpu.memory_space<vmem>>, vector<1x16xf32>,
      %get3A_1215 = vector.shape_cast %get3A_1214 : vector<1x16xf32> to vector<16xf32>
      %get3A_1216 = arith.index_cast %add3A_1100 : i32 to index
      %get3A_1217 = arith.constant 112 : index
      %get3A_1218 = tpu.vector_load %arg12[%get3A_1216, %get3A_1217] {strides = array<i32>} : memref<128x128xf32, #tpu.memory_space<vmem>>, vector<1x16xf32>,
      %get3A_1219 = vector.shape_cast %get3A_1218 : vector<1x16xf32> to vector<16xf32>
      %get3A_1220 = arith.index_cast %add3A_1100 : i32 to index
      %get3A_1221 = arith.constant 112 : index
      %get3A_1222 = tpu.vector_load %arg13[%get3A_1220, %get3A_1221] {strides = array<i32>} : memref<128x128xf32, #tpu.memory_space<vmem>>, vector<1x16xf32>,
      %get3A_1223 = vector.shape_cast %get3A_1222 : vector<1x16xf32> to vector<16xf32>
      %add3A_1224 = arith.addf %get3A_1215, %get3A_1219 : vector<16xf32>
      %sub3A_1225 = arith.subf %add3A_1224, %get3A_1223 : vector<16xf32>
      %mul3A_1226 = arith.mulf %sub3A_1225, %sub3A_1225 : vector<16xf32>
      %add3A_1227 = arith.addf %add3A_1211, %mul3A_1226 : vector<16xf32>
      %swap3A_1228 = arith.constant 7 : i32
      %swap3A_1229 = arith.index_cast %swap3A_1228 : i32 to index
      %swap3A_1230 = arith.constant 0 : index
      %swap3A_1231 = tpu.vector_load %arg15[%swap3A_1229, %swap3A_1230] {strides = array<i32>} : memref<32x32xf32, #tpu.memory_space<vmem>>, vector<1x16xf32>,
      %swap3A_1232 = vector.shape_cast %swap3A_1231 : vector<1x16xf32> to vector<16xf32>
      %swap3A_1233 = vector.shape_cast %add3A_1227 : vector<16xf32> to vector<1x16xf32>
      tpu.vector_store %arg15[%swap3A_1229, %swap3A_1230], %swap3A_1233 {strides = array<i32>} : memref<32x32xf32, #tpu.memory_space<vmem>>, vector<1x16xf32>,
      %swap3A_1234 = arith.constant 7 : i32
      %swap3A_1235 = arith.index_cast %swap3A_1234 : i32 to index
      %swap3A_1236 = arith.constant 16 : index
      %swap3A_1237 = tpu.vector_load %arg15[%swap3A_1235, %swap3A_1236] {strides = array<i32>} : memref<32x32xf32, #tpu.memory_space<vmem>>, vector<1x16xf32>,
      %swap3A_1238 = vector.shape_cast %swap3A_1237 : vector<1x16xf32> to vector<16xf32>
      %swap3A_1239 = vector.shape_cast %add3A_1227 : vector<16xf32> to vector<1x16xf32>
      tpu.vector_store %arg15[%swap3A_1235, %swap3A_1236], %swap3A_1239 {strides = array<i32>} : memref<32x32xf32, #tpu.memory_space<vmem>>, vector<1x16xf32>,
      %get3A_1240 = arith.constant 7 : i32
      %get3A_1241 = arith.index_cast %get3A_1240 : i32 to index
      %get3A_1242 = arith.constant 8 : index
      %get3A_1243 = tpu.vector_load %arg15[%get3A_1241, %get3A_1242] {strides = array<i32>} : memref<32x32xf32, #tpu.memory_space<vmem>>, vector<1x16xf32>,
      %get3A_1244 = vector.shape_cast %get3A_1243 : vector<1x16xf32> to vector<16xf32>
      %add3A_1245 = arith.addf %add3A_1227, %get3A_1244 : vector<16xf32>
      %select_n3A_1246 = arith.select %lt3A_23, %add3A_1096, %add3A_1245 : vector<16xi1>, vector<16xf32>
      %mul3A_1247 = arith.constant 16 : i32
      %mul3A_1248 = arith.muli %scan3A_54, %mul3A_1247 : i32
      %add3A_1249 = arith.constant 1 : i32
      %add3A_1250 = arith.addi %mul3A_1248, %add3A_1249 : i32
      %get3A_1251 = arith.index_cast %add3A_1250 : i32 to index
      %get3A_1252 = arith.constant 0 : index
      %get3A_1253 = tpu.vector_load %arg11[%get3A_1251, %get3A_1252] {strides = array<i32>} : memref<128x128xf32, #tpu.memory_space<vmem>>, vector<1x16xf32>,
      %get3A_1254 = vector.shape_cast %get3A_1253 : vector<1x16xf32> to vector<16xf32>
      %get3A_1255 = arith.index_cast %add3A_1250 : i32 to index
      %get3A_1256 = arith.constant 0 : index
      %get3A_1257 = tpu.vector_load %arg12[%get3A_1255, %get3A_1256] {strides = array<i32>} : memref<128x128xf32, #tpu.memory_space<vmem>>, vector<1x16xf32>,
      %get3A_1258 = vector.shape_cast %get3A_1257 : vector<1x16xf32> to vector<16xf32>
      %get3A_1259 = arith.index_cast %add3A_1250 : i32 to index
      %get3A_1260 = arith.constant 0 : index
      %get3A_1261 = tpu.vector_load %arg13[%get3A_1259, %get3A_1260] {strides = array<i32>} : memref<128x128xf32, #tpu.memory_space<vmem>>, vector<1x16xf32>,
      %get3A_1262 = vector.shape_cast %get3A_1261 : vector<1x16xf32> to vector<16xf32>
      %add3A_1263 = arith.addf %get3A_1254, %get3A_1258 : vector<16xf32>
      %sub3A_1264 = arith.subf %add3A_1263, %get3A_1262 : vector<16xf32>
      %mul3A_1265 = arith.mulf %sub3A_1264, %sub3A_1264 : vector<16xf32>
      %get3A_1266 = arith.index_cast %add3A_1250 : i32 to index
      %get3A_1267 = arith.constant 16 : index
      %get3A_1268 = tpu.vector_load %arg11[%get3A_1266, %get3A_1267] {strides = array<i32>} : memref<128x128xf32, #tpu.memory_space<vmem>>, vector<1x16xf32>,
      %get3A_1269 = vector.shape_cast %get3A_1268 : vector<1x16xf32> to vector<16xf32>
      %get3A_1270 = arith.index_cast %add3A_1250 : i32 to index
      %get3A_1271 = arith.constant 16 : index
      %get3A_1272 = tpu.vector_load %arg12[%get3A_1270, %get3A_1271] {strides = array<i32>} : memref<128x128xf32, #tpu.memory_space<vmem>>, vector<1x16xf32>,
      %get3A_1273 = vector.shape_cast %get3A_1272 : vector<1x16xf32> to vector<16xf32>
      %get3A_1274 = arith.index_cast %add3A_1250 : i32 to index
      %get3A_1275 = arith.constant 16 : index
      %get3A_1276 = tpu.vector_load %arg13[%get3A_1274, %get3A_1275] {strides = array<i32>} : memref<128x128xf32, #tpu.memory_space<vmem>>, vector<1x16xf32>,
      %get3A_1277 = vector.shape_cast %get3A_1276 : vector<1x16xf32> to vector<16xf32>
      %add3A_1278 = arith.addf %get3A_1269, %get3A_1273 : vector<16xf32>
      %sub3A_1279 = arith.subf %add3A_1278, %get3A_1277 : vector<16xf32>
      %mul3A_1280 = arith.mulf %sub3A_1279, %sub3A_1279 : vector<16xf32>
      %add3A_1281 = arith.addf %mul3A_1265, %mul3A_1280 : vector<16xf32>
      %get3A_1282 = arith.index_cast %add3A_1250 : i32 to index
      %get3A_1283 = arith.constant 32 : index
      %get3A_1284 = tpu.vector_load %arg11[%get3A_1282, %get3A_1283] {strides = array<i32>} : memref<128x128xf32, #tpu.memory_space<vmem>>, vector<1x16xf32>,
      %get3A_1285 = vector.shape_cast %get3A_1284 : vector<1x16xf32> to vector<16xf32>
      %get3A_1286 = arith.index_cast %add3A_1250 : i32 to index
      %get3A_1287 = arith.constant 32 : index
      %get3A_1288 = tpu.vector_load %arg12[%get3A_1286, %get3A_1287] {strides = array<i32>} : memref<128x128xf32, #tpu.memory_space<vmem>>, vector<1x16xf32>,
      %get3A_1289 = vector.shape_cast %get3A_1288 : vector<1x16xf32> to vector<16xf32>
      %get3A_1290 = arith.index_cast %add3A_1250 : i32 to index
      %get3A_1291 = arith.constant 32 : index
      %get3A_1292 = tpu.vector_load %arg13[%get3A_1290, %get3A_1291] {strides = array<i32>} : memref<128x128xf32, #tpu.memory_space<vmem>>, vector<1x16xf32>,
      %get3A_1293 = vector.shape_cast %get3A_1292 : vector<1x16xf32> to vector<16xf32>
      %add3A_1294 = arith.addf %get3A_1285, %get3A_1289 : vector<16xf32>
      %sub3A_1295 = arith.subf %add3A_1294, %get3A_1293 : vector<16xf32>
      %mul3A_1296 = arith.mulf %sub3A_1295, %sub3A_1295 : vector<16xf32>
      %add3A_1297 = arith.addf %add3A_1281, %mul3A_1296 : vector<16xf32>
      %get3A_1298 = arith.index_cast %add3A_1250 : i32 to index
      %get3A_1299 = arith.constant 48 : index
      %get3A_1300 = tpu.vector_load %arg11[%get3A_1298, %get3A_1299] {strides = array<i32>} : memref<128x128xf32, #tpu.memory_space<vmem>>, vector<1x16xf32>,
      %get3A_1301 = vector.shape_cast %get3A_1300 : vector<1x16xf32> to vector<16xf32>
      %get3A_1302 = arith.index_cast %add3A_1250 : i32 to index
      %get3A_1303 = arith.constant 48 : index
      %get3A_1304 = tpu.vector_load %arg12[%get3A_1302, %get3A_1303] {strides = array<i32>} : memref<128x128xf32, #tpu.memory_space<vmem>>, vector<1x16xf32>,
      %get3A_1305 = vector.shape_cast %get3A_1304 : vector<1x16xf32> to vector<16xf32>
      %get3A_1306 = arith.index_cast %add3A_1250 : i32 to index
      %get3A_1307 = arith.constant 48 : index
      %get3A_1308 = tpu.vector_load %arg13[%get3A_1306, %get3A_1307] {strides = array<i32>} : memref<128x128xf32, #tpu.memory_space<vmem>>, vector<1x16xf32>,
      %get3A_1309 = vector.shape_cast %get3A_1308 : vector<1x16xf32> to vector<16xf32>
      %add3A_1310 = arith.addf %get3A_1301, %get3A_1305 : vector<16xf32>
      %sub3A_1311 = arith.subf %add3A_1310, %get3A_1309 : vector<16xf32>
      %mul3A_1312 = arith.mulf %sub3A_1311, %sub3A_1311 : vector<16xf32>
      %add3A_1313 = arith.addf %add3A_1297, %mul3A_1312 : vector<16xf32>
      %get3A_1314 = arith.index_cast %add3A_1250 : i32 to index
      %get3A_1315 = arith.constant 64 : index
      %get3A_1316 = tpu.vector_load %arg11[%get3A_1314, %get3A_1315] {strides = array<i32>} : memref<128x128xf32, #tpu.memory_space<vmem>>, vector<1x16xf32>,
      %get3A_1317 = vector.shape_cast %get3A_1316 : vector<1x16xf32> to vector<16xf32>
      %get3A_1318 = arith.index_cast %add3A_1250 : i32 to index
      %get3A_1319 = arith.constant 64 : index
      %get3A_1320 = tpu.vector_load %arg12[%get3A_1318, %get3A_1319] {strides = array<i32>} : memref<128x128xf32, #tpu.memory_space<vmem>>, vector<1x16xf32>,
      %get3A_1321 = vector.shape_cast %get3A_1320 : vector<1x16xf32> to vector<16xf32>
      %get3A_1322 = arith.index_cast %add3A_1250 : i32 to index
      %get3A_1323 = arith.constant 64 : index
      %get3A_1324 = tpu.vector_load %arg13[%get3A_1322, %get3A_1323] {strides = array<i32>} : memref<128x128xf32, #tpu.memory_space<vmem>>, vector<1x16xf32>,
      %get3A_1325 = vector.shape_cast %get3A_1324 : vector<1x16xf32> to vector<16xf32>
      %add3A_1326 = arith.addf %get3A_1317, %get3A_1321 : vector<16xf32>
      %sub3A_1327 = arith.subf %add3A_1326, %get3A_1325 : vector<16xf32>
      %mul3A_1328 = arith.mulf %sub3A_1327, %sub3A_1327 : vector<16xf32>
      %add3A_1329 = arith.addf %add3A_1313, %mul3A_1328 : vector<16xf32>
      %get3A_1330 = arith.index_cast %add3A_1250 : i32 to index
      %get3A_1331 = arith.constant 80 : index
      %get3A_1332 = tpu.vector_load %arg11[%get3A_1330, %get3A_1331] {strides = array<i32>} : memref<128x128xf32, #tpu.memory_space<vmem>>, vector<1x16xf32>,
      %get3A_1333 = vector.shape_cast %get3A_1332 : vector<1x16xf32> to vector<16xf32>
      %get3A_1334 = arith.index_cast %add3A_1250 : i32 to index
      %get3A_1335 = arith.constant 80 : index
      %get3A_1336 = tpu.vector_load %arg12[%get3A_1334, %get3A_1335] {strides = array<i32>} : memref<128x128xf32, #tpu.memory_space<vmem>>, vector<1x16xf32>,
      %get3A_1337 = vector.shape_cast %get3A_1336 : vector<1x16xf32> to vector<16xf32>
      %get3A_1338 = arith.index_cast %add3A_1250 : i32 to index
      %get3A_1339 = arith.constant 80 : index
      %get3A_1340 = tpu.vector_load %arg13[%get3A_1338, %get3A_1339] {strides = array<i32>} : memref<128x128xf32, #tpu.memory_space<vmem>>, vector<1x16xf32>,
      %get3A_1341 = vector.shape_cast %get3A_1340 : vector<1x16xf32> to vector<16xf32>
      %add3A_1342 = arith.addf %get3A_1333, %get3A_1337 : vector<16xf32>
      %sub3A_1343 = arith.subf %add3A_1342, %get3A_1341 : vector<16xf32>
      %mul3A_1344 = arith.mulf %sub3A_1343, %sub3A_1343 : vector<16xf32>
      %add3A_1345 = arith.addf %add3A_1329, %mul3A_1344 : vector<16xf32>
      %get3A_1346 = arith.index_cast %add3A_1250 : i32 to index
      %get3A_1347 = arith.constant 96 : index
      %get3A_1348 = tpu.vector_load %arg11[%get3A_1346, %get3A_1347] {strides = array<i32>} : memref<128x128xf32, #tpu.memory_space<vmem>>, vector<1x16xf32>,
      %get3A_1349 = vector.shape_cast %get3A_1348 : vector<1x16xf32> to vector<16xf32>
      %get3A_1350 = arith.index_cast %add3A_1250 : i32 to index
      %get3A_1351 = arith.constant 96 : index
      %get3A_1352 = tpu.vector_load %arg12[%get3A_1350, %get3A_1351] {strides = array<i32>} : memref<128x128xf32, #tpu.memory_space<vmem>>, vector<1x16xf32>,
      %get3A_1353 = vector.shape_cast %get3A_1352 : vector<1x16xf32> to vector<16xf32>
      %get3A_1354 = arith.index_cast %add3A_1250 : i32 to index
      %get3A_1355 = arith.constant 96 : index
      %get3A_1356 = tpu.vector_load %arg13[%get3A_1354, %get3A_1355] {strides = array<i32>} : memref<128x128xf32, #tpu.memory_space<vmem>>, vector<1x16xf32>,
      %get3A_1357 = vector.shape_cast %get3A_1356 : vector<1x16xf32> to vector<16xf32>
      %add3A_1358 = arith.addf %get3A_1349, %get3A_1353 : vector<16xf32>
      %sub3A_1359 = arith.subf %add3A_1358, %get3A_1357 : vector<16xf32>
      %mul3A_1360 = arith.mulf %sub3A_1359, %sub3A_1359 : vector<16xf32>
      %add3A_1361 = arith.addf %add3A_1345, %mul3A_1360 : vector<16xf32>
      %get3A_1362 = arith.index_cast %add3A_1250 : i32 to index
      %get3A_1363 = arith.constant 112 : index
      %get3A_1364 = tpu.vector_load %arg11[%get3A_1362, %get3A_1363] {strides = array<i32>} : memref<128x128xf32, #tpu.memory_space<vmem>>, vector<1x16xf32>,
      %get3A_1365 = vector.shape_cast %get3A_1364 : vector<1x16xf32> to vector<16xf32>
      %get3A_1366 = arith.index_cast %add3A_1250 : i32 to index
      %get3A_1367 = arith.constant 112 : index
      %get3A_1368 = tpu.vector_load %arg12[%get3A_1366, %get3A_1367] {strides = array<i32>} : memref<128x128xf32, #tpu.memory_space<vmem>>, vector<1x16xf32>,
      %get3A_1369 = vector.shape_cast %get3A_1368 : vector<1x16xf32> to vector<16xf32>
      %get3A_1370 = arith.index_cast %add3A_1250 : i32 to index
      %get3A_1371 = arith.constant 112 : index
      %get3A_1372 = tpu.vector_load %arg13[%get3A_1370, %get3A_1371] {strides = array<i32>} : memref<128x128xf32, #tpu.memory_space<vmem>>, vector<1x16xf32>,
      %get3A_1373 = vector.shape_cast %get3A_1372 : vector<1x16xf32> to vector<16xf32>
      %add3A_1374 = arith.addf %get3A_1365, %get3A_1369 : vector<16xf32>
      %sub3A_1375 = arith.subf %add3A_1374, %get3A_1373 : vector<16xf32>
      %mul3A_1376 = arith.mulf %sub3A_1375, %sub3A_1375 : vector<16xf32>
      %add3A_1377 = arith.addf %add3A_1361, %mul3A_1376 : vector<16xf32>
      %swap3A_1378 = arith.constant 8 : i32
      %swap3A_1379 = arith.index_cast %swap3A_1378 : i32 to index
      %swap3A_1380 = arith.constant 0 : index
      %swap3A_1381 = tpu.vector_load %arg15[%swap3A_1379, %swap3A_1380] {strides = array<i32>} : memref<32x32xf32, #tpu.memory_space<vmem>>, vector<1x16xf32>,
      %swap3A_1382 = vector.shape_cast %swap3A_1381 : vector<1x16xf32> to vector<16xf32>
      %swap3A_1383 = vector.shape_cast %add3A_1377 : vector<16xf32> to vector<1x16xf32>
      tpu.vector_store %arg15[%swap3A_1379, %swap3A_1380], %swap3A_1383 {strides = array<i32>} : memref<32x32xf32, #tpu.memory_space<vmem>>, vector<1x16xf32>,
      %swap3A_1384 = arith.constant 8 : i32
      %swap3A_1385 = arith.index_cast %swap3A_1384 : i32 to index
      %swap3A_1386 = arith.constant 16 : index
      %swap3A_1387 = tpu.vector_load %arg15[%swap3A_1385, %swap3A_1386] {strides = array<i32>} : memref<32x32xf32, #tpu.memory_space<vmem>>, vector<1x16xf32>,
      %swap3A_1388 = vector.shape_cast %swap3A_1387 : vector<1x16xf32> to vector<16xf32>
      %swap3A_1389 = vector.shape_cast %add3A_1377 : vector<16xf32> to vector<1x16xf32>
      tpu.vector_store %arg15[%swap3A_1385, %swap3A_1386], %swap3A_1389 {strides = array<i32>} : memref<32x32xf32, #tpu.memory_space<vmem>>, vector<1x16xf32>,
      %get3A_1390 = arith.constant 8 : i32
      %get3A_1391 = arith.index_cast %get3A_1390 : i32 to index
      %get3A_1392 = arith.constant 8 : index
      %get3A_1393 = tpu.vector_load %arg15[%get3A_1391, %get3A_1392] {strides = array<i32>} : memref<32x32xf32, #tpu.memory_space<vmem>>, vector<1x16xf32>,
      %get3A_1394 = vector.shape_cast %get3A_1393 : vector<1x16xf32> to vector<16xf32>
      %add3A_1395 = arith.addf %add3A_1377, %get3A_1394 : vector<16xf32>
      %mul3A_1396 = arith.constant 16 : i32
      %mul3A_1397 = arith.muli %scan3A_54, %mul3A_1396 : i32
      %add3A_1398 = arith.constant 9 : i32
      %add3A_1399 = arith.addi %mul3A_1397, %add3A_1398 : i32
      %get3A_1400 = arith.index_cast %add3A_1399 : i32 to index
      %get3A_1401 = arith.constant 0 : index
      %get3A_1402 = tpu.vector_load %arg11[%get3A_1400, %get3A_1401] {strides = array<i32>} : memref<128x128xf32, #tpu.memory_space<vmem>>, vector<1x16xf32>,
      %get3A_1403 = vector.shape_cast %get3A_1402 : vector<1x16xf32> to vector<16xf32>
      %get3A_1404 = arith.index_cast %add3A_1399 : i32 to index
      %get3A_1405 = arith.constant 0 : index
      %get3A_1406 = tpu.vector_load %arg12[%get3A_1404, %get3A_1405] {strides = array<i32>} : memref<128x128xf32, #tpu.memory_space<vmem>>, vector<1x16xf32>,
      %get3A_1407 = vector.shape_cast %get3A_1406 : vector<1x16xf32> to vector<16xf32>
      %get3A_1408 = arith.index_cast %add3A_1399 : i32 to index
      %get3A_1409 = arith.constant 0 : index
      %get3A_1410 = tpu.vector_load %arg13[%get3A_1408, %get3A_1409] {strides = array<i32>} : memref<128x128xf32, #tpu.memory_space<vmem>>, vector<1x16xf32>,
      %get3A_1411 = vector.shape_cast %get3A_1410 : vector<1x16xf32> to vector<16xf32>
      %add3A_1412 = arith.addf %get3A_1403, %get3A_1407 : vector<16xf32>
      %sub3A_1413 = arith.subf %add3A_1412, %get3A_1411 : vector<16xf32>
      %mul3A_1414 = arith.mulf %sub3A_1413, %sub3A_1413 : vector<16xf32>
      %get3A_1415 = arith.index_cast %add3A_1399 : i32 to index
      %get3A_1416 = arith.constant 16 : index
      %get3A_1417 = tpu.vector_load %arg11[%get3A_1415, %get3A_1416] {strides = array<i32>} : memref<128x128xf32, #tpu.memory_space<vmem>>, vector<1x16xf32>,
      %get3A_1418 = vector.shape_cast %get3A_1417 : vector<1x16xf32> to vector<16xf32>
      %get3A_1419 = arith.index_cast %add3A_1399 : i32 to index
      %get3A_1420 = arith.constant 16 : index
      %get3A_1421 = tpu.vector_load %arg12[%get3A_1419, %get3A_1420] {strides = array<i32>} : memref<128x128xf32, #tpu.memory_space<vmem>>, vector<1x16xf32>,
      %get3A_1422 = vector.shape_cast %get3A_1421 : vector<1x16xf32> to vector<16xf32>
      %get3A_1423 = arith.index_cast %add3A_1399 : i32 to index
      %get3A_1424 = arith.constant 16 : index
      %get3A_1425 = tpu.vector_load %arg13[%get3A_1423, %get3A_1424] {strides = array<i32>} : memref<128x128xf32, #tpu.memory_space<vmem>>, vector<1x16xf32>,
      %get3A_1426 = vector.shape_cast %get3A_1425 : vector<1x16xf32> to vector<16xf32>
      %add3A_1427 = arith.addf %get3A_1418, %get3A_1422 : vector<16xf32>
      %sub3A_1428 = arith.subf %add3A_1427, %get3A_1426 : vector<16xf32>
      %mul3A_1429 = arith.mulf %sub3A_1428, %sub3A_1428 : vector<16xf32>
      %add3A_1430 = arith.addf %mul3A_1414, %mul3A_1429 : vector<16xf32>
      %get3A_1431 = arith.index_cast %add3A_1399 : i32 to index
      %get3A_1432 = arith.constant 32 : index
      %get3A_1433 = tpu.vector_load %arg11[%get3A_1431, %get3A_1432] {strides = array<i32>} : memref<128x128xf32, #tpu.memory_space<vmem>>, vector<1x16xf32>,
      %get3A_1434 = vector.shape_cast %get3A_1433 : vector<1x16xf32> to vector<16xf32>
      %get3A_1435 = arith.index_cast %add3A_1399 : i32 to index
      %get3A_1436 = arith.constant 32 : index
      %get3A_1437 = tpu.vector_load %arg12[%get3A_1435, %get3A_1436] {strides = array<i32>} : memref<128x128xf32, #tpu.memory_space<vmem>>, vector<1x16xf32>,
      %get3A_1438 = vector.shape_cast %get3A_1437 : vector<1x16xf32> to vector<16xf32>
      %get3A_1439 = arith.index_cast %add3A_1399 : i32 to index
      %get3A_1440 = arith.constant 32 : index
      %get3A_1441 = tpu.vector_load %arg13[%get3A_1439, %get3A_1440] {strides = array<i32>} : memref<128x128xf32, #tpu.memory_space<vmem>>, vector<1x16xf32>,
      %get3A_1442 = vector.shape_cast %get3A_1441 : vector<1x16xf32> to vector<16xf32>
      %add3A_1443 = arith.addf %get3A_1434, %get3A_1438 : vector<16xf32>
      %sub3A_1444 = arith.subf %add3A_1443, %get3A_1442 : vector<16xf32>
      %mul3A_1445 = arith.mulf %sub3A_1444, %sub3A_1444 : vector<16xf32>
      %add3A_1446 = arith.addf %add3A_1430, %mul3A_1445 : vector<16xf32>
      %get3A_1447 = arith.index_cast %add3A_1399 : i32 to index
      %get3A_1448 = arith.constant 48 : index
      %get3A_1449 = tpu.vector_load %arg11[%get3A_1447, %get3A_1448] {strides = array<i32>} : memref<128x128xf32, #tpu.memory_space<vmem>>, vector<1x16xf32>,
      %get3A_1450 = vector.shape_cast %get3A_1449 : vector<1x16xf32> to vector<16xf32>
      %get3A_1451 = arith.index_cast %add3A_1399 : i32 to index
      %get3A_1452 = arith.constant 48 : index
      %get3A_1453 = tpu.vector_load %arg12[%get3A_1451, %get3A_1452] {strides = array<i32>} : memref<128x128xf32, #tpu.memory_space<vmem>>, vector<1x16xf32>,
      %get3A_1454 = vector.shape_cast %get3A_1453 : vector<1x16xf32> to vector<16xf32>
      %get3A_1455 = arith.index_cast %add3A_1399 : i32 to index
      %get3A_1456 = arith.constant 48 : index
      %get3A_1457 = tpu.vector_load %arg13[%get3A_1455, %get3A_1456] {strides = array<i32>} : memref<128x128xf32, #tpu.memory_space<vmem>>, vector<1x16xf32>,
      %get3A_1458 = vector.shape_cast %get3A_1457 : vector<1x16xf32> to vector<16xf32>
      %add3A_1459 = arith.addf %get3A_1450, %get3A_1454 : vector<16xf32>
      %sub3A_1460 = arith.subf %add3A_1459, %get3A_1458 : vector<16xf32>
      %mul3A_1461 = arith.mulf %sub3A_1460, %sub3A_1460 : vector<16xf32>
      %add3A_1462 = arith.addf %add3A_1446, %mul3A_1461 : vector<16xf32>
      %get3A_1463 = arith.index_cast %add3A_1399 : i32 to index
      %get3A_1464 = arith.constant 64 : index
      %get3A_1465 = tpu.vector_load %arg11[%get3A_1463, %get3A_1464] {strides = array<i32>} : memref<128x128xf32, #tpu.memory_space<vmem>>, vector<1x16xf32>,
      %get3A_1466 = vector.shape_cast %get3A_1465 : vector<1x16xf32> to vector<16xf32>
      %get3A_1467 = arith.index_cast %add3A_1399 : i32 to index
      %get3A_1468 = arith.constant 64 : index
      %get3A_1469 = tpu.vector_load %arg12[%get3A_1467, %get3A_1468] {strides = array<i32>} : memref<128x128xf32, #tpu.memory_space<vmem>>, vector<1x16xf32>,
      %get3A_1470 = vector.shape_cast %get3A_1469 : vector<1x16xf32> to vector<16xf32>
      %get3A_1471 = arith.index_cast %add3A_1399 : i32 to index
      %get3A_1472 = arith.constant 64 : index
      %get3A_1473 = tpu.vector_load %arg13[%get3A_1471, %get3A_1472] {strides = array<i32>} : memref<128x128xf32, #tpu.memory_space<vmem>>, vector<1x16xf32>,
      %get3A_1474 = vector.shape_cast %get3A_1473 : vector<1x16xf32> to vector<16xf32>
      %add3A_1475 = arith.addf %get3A_1466, %get3A_1470 : vector<16xf32>
      %sub3A_1476 = arith.subf %add3A_1475, %get3A_1474 : vector<16xf32>
      %mul3A_1477 = arith.mulf %sub3A_1476, %sub3A_1476 : vector<16xf32>
      %add3A_1478 = arith.addf %add3A_1462, %mul3A_1477 : vector<16xf32>
      %get3A_1479 = arith.index_cast %add3A_1399 : i32 to index
      %get3A_1480 = arith.constant 80 : index
      %get3A_1481 = tpu.vector_load %arg11[%get3A_1479, %get3A_1480] {strides = array<i32>} : memref<128x128xf32, #tpu.memory_space<vmem>>, vector<1x16xf32>,
      %get3A_1482 = vector.shape_cast %get3A_1481 : vector<1x16xf32> to vector<16xf32>
      %get3A_1483 = arith.index_cast %add3A_1399 : i32 to index
      %get3A_1484 = arith.constant 80 : index
      %get3A_1485 = tpu.vector_load %arg12[%get3A_1483, %get3A_1484] {strides = array<i32>} : memref<128x128xf32, #tpu.memory_space<vmem>>, vector<1x16xf32>,
      %get3A_1486 = vector.shape_cast %get3A_1485 : vector<1x16xf32> to vector<16xf32>
      %get3A_1487 = arith.index_cast %add3A_1399 : i32 to index
      %get3A_1488 = arith.constant 80 : index
      %get3A_1489 = tpu.vector_load %arg13[%get3A_1487, %get3A_1488] {strides = array<i32>} : memref<128x128xf32, #tpu.memory_space<vmem>>, vector<1x16xf32>,
      %get3A_1490 = vector.shape_cast %get3A_1489 : vector<1x16xf32> to vector<16xf32>
      %add3A_1491 = arith.addf %get3A_1482, %get3A_1486 : vector<16xf32>
      %sub3A_1492 = arith.subf %add3A_1491, %get3A_1490 : vector<16xf32>
      %mul3A_1493 = arith.mulf %sub3A_1492, %sub3A_1492 : vector<16xf32>
      %add3A_1494 = arith.addf %add3A_1478, %mul3A_1493 : vector<16xf32>
      %get3A_1495 = arith.index_cast %add3A_1399 : i32 to index
      %get3A_1496 = arith.constant 96 : index
      %get3A_1497 = tpu.vector_load %arg11[%get3A_1495, %get3A_1496] {strides = array<i32>} : memref<128x128xf32, #tpu.memory_space<vmem>>, vector<1x16xf32>,
      %get3A_1498 = vector.shape_cast %get3A_1497 : vector<1x16xf32> to vector<16xf32>
      %get3A_1499 = arith.index_cast %add3A_1399 : i32 to index
      %get3A_1500 = arith.constant 96 : index
      %get3A_1501 = tpu.vector_load %arg12[%get3A_1499, %get3A_1500] {strides = array<i32>} : memref<128x128xf32, #tpu.memory_space<vmem>>, vector<1x16xf32>,
      %get3A_1502 = vector.shape_cast %get3A_1501 : vector<1x16xf32> to vector<16xf32>
      %get3A_1503 = arith.index_cast %add3A_1399 : i32 to index
      %get3A_1504 = arith.constant 96 : index
      %get3A_1505 = tpu.vector_load %arg13[%get3A_1503, %get3A_1504] {strides = array<i32>} : memref<128x128xf32, #tpu.memory_space<vmem>>, vector<1x16xf32>,
      %get3A_1506 = vector.shape_cast %get3A_1505 : vector<1x16xf32> to vector<16xf32>
      %add3A_1507 = arith.addf %get3A_1498, %get3A_1502 : vector<16xf32>
      %sub3A_1508 = arith.subf %add3A_1507, %get3A_1506 : vector<16xf32>
      %mul3A_1509 = arith.mulf %sub3A_1508, %sub3A_1508 : vector<16xf32>
      %add3A_1510 = arith.addf %add3A_1494, %mul3A_1509 : vector<16xf32>
      %get3A_1511 = arith.index_cast %add3A_1399 : i32 to index
      %get3A_1512 = arith.constant 112 : index
      %get3A_1513 = tpu.vector_load %arg11[%get3A_1511, %get3A_1512] {strides = array<i32>} : memref<128x128xf32, #tpu.memory_space<vmem>>, vector<1x16xf32>,
      %get3A_1514 = vector.shape_cast %get3A_1513 : vector<1x16xf32> to vector<16xf32>
      %get3A_1515 = arith.index_cast %add3A_1399 : i32 to index
      %get3A_1516 = arith.constant 112 : index
      %get3A_1517 = tpu.vector_load %arg12[%get3A_1515, %get3A_1516] {strides = array<i32>} : memref<128x128xf32, #tpu.memory_space<vmem>>, vector<1x16xf32>,
      %get3A_1518 = vector.shape_cast %get3A_1517 : vector<1x16xf32> to vector<16xf32>
      %get3A_1519 = arith.index_cast %add3A_1399 : i32 to index
      %get3A_1520 = arith.constant 112 : index
      %get3A_1521 = tpu.vector_load %arg13[%get3A_1519, %get3A_1520] {strides = array<i32>} : memref<128x128xf32, #tpu.memory_space<vmem>>, vector<1x16xf32>,
      %get3A_1522 = vector.shape_cast %get3A_1521 : vector<1x16xf32> to vector<16xf32>
      %add3A_1523 = arith.addf %get3A_1514, %get3A_1518 : vector<16xf32>
      %sub3A_1524 = arith.subf %add3A_1523, %get3A_1522 : vector<16xf32>
      %mul3A_1525 = arith.mulf %sub3A_1524, %sub3A_1524 : vector<16xf32>
      %add3A_1526 = arith.addf %add3A_1510, %mul3A_1525 : vector<16xf32>
      %swap3A_1527 = arith.constant 9 : i32
      %swap3A_1528 = arith.index_cast %swap3A_1527 : i32 to index
      %swap3A_1529 = arith.constant 0 : index
      %swap3A_1530 = tpu.vector_load %arg15[%swap3A_1528, %swap3A_1529] {strides = array<i32>} : memref<32x32xf32, #tpu.memory_space<vmem>>, vector<1x16xf32>,
      %swap3A_1531 = vector.shape_cast %swap3A_1530 : vector<1x16xf32> to vector<16xf32>
      %swap3A_1532 = vector.shape_cast %add3A_1526 : vector<16xf32> to vector<1x16xf32>
      tpu.vector_store %arg15[%swap3A_1528, %swap3A_1529], %swap3A_1532 {strides = array<i32>} : memref<32x32xf32, #tpu.memory_space<vmem>>, vector<1x16xf32>,
      %swap3A_1533 = arith.constant 9 : i32
      %swap3A_1534 = arith.index_cast %swap3A_1533 : i32 to index
      %swap3A_1535 = arith.constant 16 : index
      %swap3A_1536 = tpu.vector_load %arg15[%swap3A_1534, %swap3A_1535] {strides = array<i32>} : memref<32x32xf32, #tpu.memory_space<vmem>>, vector<1x16xf32>,
      %swap3A_1537 = vector.shape_cast %swap3A_1536 : vector<1x16xf32> to vector<16xf32>
      %swap3A_1538 = vector.shape_cast %add3A_1526 : vector<16xf32> to vector<1x16xf32>
      tpu.vector_store %arg15[%swap3A_1534, %swap3A_1535], %swap3A_1538 {strides = array<i32>} : memref<32x32xf32, #tpu.memory_space<vmem>>, vector<1x16xf32>,
      %get3A_1539 = arith.constant 9 : i32
      %get3A_1540 = arith.index_cast %get3A_1539 : i32 to index
      %get3A_1541 = arith.constant 8 : index
      %get3A_1542 = tpu.vector_load %arg15[%get3A_1540, %get3A_1541] {strides = array<i32>} : memref<32x32xf32, #tpu.memory_space<vmem>>, vector<1x16xf32>,
      %get3A_1543 = vector.shape_cast %get3A_1542 : vector<1x16xf32> to vector<16xf32>
      %add3A_1544 = arith.addf %add3A_1526, %get3A_1543 : vector<16xf32>
      %select_n3A_1545 = arith.select %lt3A_23, %add3A_1395, %add3A_1544 : vector<16xi1>, vector<16xf32>
      %mul3A_1546 = arith.constant 16 : i32
      %mul3A_1547 = arith.muli %scan3A_54, %mul3A_1546 : i32
      %add3A_1548 = arith.constant 5 : i32
      %add3A_1549 = arith.addi %mul3A_1547, %add3A_1548 : i32
      %get3A_1550 = arith.index_cast %add3A_1549 : i32 to index
      %get3A_1551 = arith.constant 0 : index
      %get3A_1552 = tpu.vector_load %arg11[%get3A_1550, %get3A_1551] {strides = array<i32>} : memref<128x128xf32, #tpu.memory_space<vmem>>, vector<1x16xf32>,
      %get3A_1553 = vector.shape_cast %get3A_1552 : vector<1x16xf32> to vector<16xf32>
      %get3A_1554 = arith.index_cast %add3A_1549 : i32 to index
      %get3A_1555 = arith.constant 0 : index
      %get3A_1556 = tpu.vector_load %arg12[%get3A_1554, %get3A_1555] {strides = array<i32>} : memref<128x128xf32, #tpu.memory_space<vmem>>, vector<1x16xf32>,
      %get3A_1557 = vector.shape_cast %get3A_1556 : vector<1x16xf32> to vector<16xf32>
      %get3A_1558 = arith.index_cast %add3A_1549 : i32 to index
      %get3A_1559 = arith.constant 0 : index
      %get3A_1560 = tpu.vector_load %arg13[%get3A_1558, %get3A_1559] {strides = array<i32>} : memref<128x128xf32, #tpu.memory_space<vmem>>, vector<1x16xf32>,
      %get3A_1561 = vector.shape_cast %get3A_1560 : vector<1x16xf32> to vector<16xf32>
      %add3A_1562 = arith.addf %get3A_1553, %get3A_1557 : vector<16xf32>
      %sub3A_1563 = arith.subf %add3A_1562, %get3A_1561 : vector<16xf32>
      %mul3A_1564 = arith.mulf %sub3A_1563, %sub3A_1563 : vector<16xf32>
      %get3A_1565 = arith.index_cast %add3A_1549 : i32 to index
      %get3A_1566 = arith.constant 16 : index
      %get3A_1567 = tpu.vector_load %arg11[%get3A_1565, %get3A_1566] {strides = array<i32>} : memref<128x128xf32, #tpu.memory_space<vmem>>, vector<1x16xf32>,
      %get3A_1568 = vector.shape_cast %get3A_1567 : vector<1x16xf32> to vector<16xf32>
      %get3A_1569 = arith.index_cast %add3A_1549 : i32 to index
      %get3A_1570 = arith.constant 16 : index
      %get3A_1571 = tpu.vector_load %arg12[%get3A_1569, %get3A_1570] {strides = array<i32>} : memref<128x128xf32, #tpu.memory_space<vmem>>, vector<1x16xf32>,
      %get3A_1572 = vector.shape_cast %get3A_1571 : vector<1x16xf32> to vector<16xf32>
      %get3A_1573 = arith.index_cast %add3A_1549 : i32 to index
      %get3A_1574 = arith.constant 16 : index
      %get3A_1575 = tpu.vector_load %arg13[%get3A_1573, %get3A_1574] {strides = array<i32>} : memref<128x128xf32, #tpu.memory_space<vmem>>, vector<1x16xf32>,
      %get3A_1576 = vector.shape_cast %get3A_1575 : vector<1x16xf32> to vector<16xf32>
      %add3A_1577 = arith.addf %get3A_1568, %get3A_1572 : vector<16xf32>
      %sub3A_1578 = arith.subf %add3A_1577, %get3A_1576 : vector<16xf32>
      %mul3A_1579 = arith.mulf %sub3A_1578, %sub3A_1578 : vector<16xf32>
      %add3A_1580 = arith.addf %mul3A_1564, %mul3A_1579 : vector<16xf32>
      %get3A_1581 = arith.index_cast %add3A_1549 : i32 to index
      %get3A_1582 = arith.constant 32 : index
      %get3A_1583 = tpu.vector_load %arg11[%get3A_1581, %get3A_1582] {strides = array<i32>} : memref<128x128xf32, #tpu.memory_space<vmem>>, vector<1x16xf32>,
      %get3A_1584 = vector.shape_cast %get3A_1583 : vector<1x16xf32> to vector<16xf32>
      %get3A_1585 = arith.index_cast %add3A_1549 : i32 to index
      %get3A_1586 = arith.constant 32 : index
      %get3A_1587 = tpu.vector_load %arg12[%get3A_1585, %get3A_1586] {strides = array<i32>} : memref<128x128xf32, #tpu.memory_space<vmem>>, vector<1x16xf32>,
      %get3A_1588 = vector.shape_cast %get3A_1587 : vector<1x16xf32> to vector<16xf32>
      %get3A_1589 = arith.index_cast %add3A_1549 : i32 to index
      %get3A_1590 = arith.constant 32 : index
      %get3A_1591 = tpu.vector_load %arg13[%get3A_1589, %get3A_1590] {strides = array<i32>} : memref<128x128xf32, #tpu.memory_space<vmem>>, vector<1x16xf32>,
      %get3A_1592 = vector.shape_cast %get3A_1591 : vector<1x16xf32> to vector<16xf32>
      %add3A_1593 = arith.addf %get3A_1584, %get3A_1588 : vector<16xf32>
      %sub3A_1594 = arith.subf %add3A_1593, %get3A_1592 : vector<16xf32>
      %mul3A_1595 = arith.mulf %sub3A_1594, %sub3A_1594 : vector<16xf32>
      %add3A_1596 = arith.addf %add3A_1580, %mul3A_1595 : vector<16xf32>
      %get3A_1597 = arith.index_cast %add3A_1549 : i32 to index
      %get3A_1598 = arith.constant 48 : index
      %get3A_1599 = tpu.vector_load %arg11[%get3A_1597, %get3A_1598] {strides = array<i32>} : memref<128x128xf32, #tpu.memory_space<vmem>>, vector<1x16xf32>,
      %get3A_1600 = vector.shape_cast %get3A_1599 : vector<1x16xf32> to vector<16xf32>
      %get3A_1601 = arith.index_cast %add3A_1549 : i32 to index
      %get3A_1602 = arith.constant 48 : index
      %get3A_1603 = tpu.vector_load %arg12[%get3A_1601, %get3A_1602] {strides = array<i32>} : memref<128x128xf32, #tpu.memory_space<vmem>>, vector<1x16xf32>,
      %get3A_1604 = vector.shape_cast %get3A_1603 : vector<1x16xf32> to vector<16xf32>
      %get3A_1605 = arith.index_cast %add3A_1549 : i32 to index
      %get3A_1606 = arith.constant 48 : index
      %get3A_1607 = tpu.vector_load %arg13[%get3A_1605, %get3A_1606] {strides = array<i32>} : memref<128x128xf32, #tpu.memory_space<vmem>>, vector<1x16xf32>,
      %get3A_1608 = vector.shape_cast %get3A_1607 : vector<1x16xf32> to vector<16xf32>
      %add3A_1609 = arith.addf %get3A_1600, %get3A_1604 : vector<16xf32>
      %sub3A_1610 = arith.subf %add3A_1609, %get3A_1608 : vector<16xf32>
      %mul3A_1611 = arith.mulf %sub3A_1610, %sub3A_1610 : vector<16xf32>
      %add3A_1612 = arith.addf %add3A_1596, %mul3A_1611 : vector<16xf32>
      %get3A_1613 = arith.index_cast %add3A_1549 : i32 to index
      %get3A_1614 = arith.constant 64 : index
      %get3A_1615 = tpu.vector_load %arg11[%get3A_1613, %get3A_1614] {strides = array<i32>} : memref<128x128xf32, #tpu.memory_space<vmem>>, vector<1x16xf32>,
      %get3A_1616 = vector.shape_cast %get3A_1615 : vector<1x16xf32> to vector<16xf32>
      %get3A_1617 = arith.index_cast %add3A_1549 : i32 to index
      %get3A_1618 = arith.constant 64 : index
      %get3A_1619 = tpu.vector_load %arg12[%get3A_1617, %get3A_1618] {strides = array<i32>} : memref<128x128xf32, #tpu.memory_space<vmem>>, vector<1x16xf32>,
      %get3A_1620 = vector.shape_cast %get3A_1619 : vector<1x16xf32> to vector<16xf32>
      %get3A_1621 = arith.index_cast %add3A_1549 : i32 to index
      %get3A_1622 = arith.constant 64 : index
      %get3A_1623 = tpu.vector_load %arg13[%get3A_1621, %get3A_1622] {strides = array<i32>} : memref<128x128xf32, #tpu.memory_space<vmem>>, vector<1x16xf32>,
      %get3A_1624 = vector.shape_cast %get3A_1623 : vector<1x16xf32> to vector<16xf32>
      %add3A_1625 = arith.addf %get3A_1616, %get3A_1620 : vector<16xf32>
      %sub3A_1626 = arith.subf %add3A_1625, %get3A_1624 : vector<16xf32>
      %mul3A_1627 = arith.mulf %sub3A_1626, %sub3A_1626 : vector<16xf32>
      %add3A_1628 = arith.addf %add3A_1612, %mul3A_1627 : vector<16xf32>
      %get3A_1629 = arith.index_cast %add3A_1549 : i32 to index
      %get3A_1630 = arith.constant 80 : index
      %get3A_1631 = tpu.vector_load %arg11[%get3A_1629, %get3A_1630] {strides = array<i32>} : memref<128x128xf32, #tpu.memory_space<vmem>>, vector<1x16xf32>,
      %get3A_1632 = vector.shape_cast %get3A_1631 : vector<1x16xf32> to vector<16xf32>
      %get3A_1633 = arith.index_cast %add3A_1549 : i32 to index
      %get3A_1634 = arith.constant 80 : index
      %get3A_1635 = tpu.vector_load %arg12[%get3A_1633, %get3A_1634] {strides = array<i32>} : memref<128x128xf32, #tpu.memory_space<vmem>>, vector<1x16xf32>,
      %get3A_1636 = vector.shape_cast %get3A_1635 : vector<1x16xf32> to vector<16xf32>
      %get3A_1637 = arith.index_cast %add3A_1549 : i32 to index
      %get3A_1638 = arith.constant 80 : index
      %get3A_1639 = tpu.vector_load %arg13[%get3A_1637, %get3A_1638] {strides = array<i32>} : memref<128x128xf32, #tpu.memory_space<vmem>>, vector<1x16xf32>,
      %get3A_1640 = vector.shape_cast %get3A_1639 : vector<1x16xf32> to vector<16xf32>
      %add3A_1641 = arith.addf %get3A_1632, %get3A_1636 : vector<16xf32>
      %sub3A_1642 = arith.subf %add3A_1641, %get3A_1640 : vector<16xf32>
      %mul3A_1643 = arith.mulf %sub3A_1642, %sub3A_1642 : vector<16xf32>
      %add3A_1644 = arith.addf %add3A_1628, %mul3A_1643 : vector<16xf32>
      %get3A_1645 = arith.index_cast %add3A_1549 : i32 to index
      %get3A_1646 = arith.constant 96 : index
      %get3A_1647 = tpu.vector_load %arg11[%get3A_1645, %get3A_1646] {strides = array<i32>} : memref<128x128xf32, #tpu.memory_space<vmem>>, vector<1x16xf32>,
      %get3A_1648 = vector.shape_cast %get3A_1647 : vector<1x16xf32> to vector<16xf32>
      %get3A_1649 = arith.index_cast %add3A_1549 : i32 to index
      %get3A_1650 = arith.constant 96 : index
      %get3A_1651 = tpu.vector_load %arg12[%get3A_1649, %get3A_1650] {strides = array<i32>} : memref<128x128xf32, #tpu.memory_space<vmem>>, vector<1x16xf32>,
      %get3A_1652 = vector.shape_cast %get3A_1651 : vector<1x16xf32> to vector<16xf32>
      %get3A_1653 = arith.index_cast %add3A_1549 : i32 to index
      %get3A_1654 = arith.constant 96 : index
      %get3A_1655 = tpu.vector_load %arg13[%get3A_1653, %get3A_1654] {strides = array<i32>} : memref<128x128xf32, #tpu.memory_space<vmem>>, vector<1x16xf32>,
      %get3A_1656 = vector.shape_cast %get3A_1655 : vector<1x16xf32> to vector<16xf32>
      %add3A_1657 = arith.addf %get3A_1648, %get3A_1652 : vector<16xf32>
      %sub3A_1658 = arith.subf %add3A_1657, %get3A_1656 : vector<16xf32>
      %mul3A_1659 = arith.mulf %sub3A_1658, %sub3A_1658 : vector<16xf32>
      %add3A_1660 = arith.addf %add3A_1644, %mul3A_1659 : vector<16xf32>
      %get3A_1661 = arith.index_cast %add3A_1549 : i32 to index
      %get3A_1662 = arith.constant 112 : index
      %get3A_1663 = tpu.vector_load %arg11[%get3A_1661, %get3A_1662] {strides = array<i32>} : memref<128x128xf32, #tpu.memory_space<vmem>>, vector<1x16xf32>,
      %get3A_1664 = vector.shape_cast %get3A_1663 : vector<1x16xf32> to vector<16xf32>
      %get3A_1665 = arith.index_cast %add3A_1549 : i32 to index
      %get3A_1666 = arith.constant 112 : index
      %get3A_1667 = tpu.vector_load %arg12[%get3A_1665, %get3A_1666] {strides = array<i32>} : memref<128x128xf32, #tpu.memory_space<vmem>>, vector<1x16xf32>,
      %get3A_1668 = vector.shape_cast %get3A_1667 : vector<1x16xf32> to vector<16xf32>
      %get3A_1669 = arith.index_cast %add3A_1549 : i32 to index
      %get3A_1670 = arith.constant 112 : index
      %get3A_1671 = tpu.vector_load %arg13[%get3A_1669, %get3A_1670] {strides = array<i32>} : memref<128x128xf32, #tpu.memory_space<vmem>>, vector<1x16xf32>,
      %get3A_1672 = vector.shape_cast %get3A_1671 : vector<1x16xf32> to vector<16xf32>
      %add3A_1673 = arith.addf %get3A_1664, %get3A_1668 : vector<16xf32>
      %sub3A_1674 = arith.subf %add3A_1673, %get3A_1672 : vector<16xf32>
      %mul3A_1675 = arith.mulf %sub3A_1674, %sub3A_1674 : vector<16xf32>
      %add3A_1676 = arith.addf %add3A_1660, %mul3A_1675 : vector<16xf32>
      %swap3A_1677 = arith.constant 10 : i32
      %swap3A_1678 = arith.index_cast %swap3A_1677 : i32 to index
      %swap3A_1679 = arith.constant 0 : index
      %swap3A_1680 = tpu.vector_load %arg15[%swap3A_1678, %swap3A_1679] {strides = array<i32>} : memref<32x32xf32, #tpu.memory_space<vmem>>, vector<1x16xf32>,
      %swap3A_1681 = vector.shape_cast %swap3A_1680 : vector<1x16xf32> to vector<16xf32>
      %swap3A_1682 = vector.shape_cast %add3A_1676 : vector<16xf32> to vector<1x16xf32>
      tpu.vector_store %arg15[%swap3A_1678, %swap3A_1679], %swap3A_1682 {strides = array<i32>} : memref<32x32xf32, #tpu.memory_space<vmem>>, vector<1x16xf32>,
      %swap3A_1683 = arith.constant 10 : i32
      %swap3A_1684 = arith.index_cast %swap3A_1683 : i32 to index
      %swap3A_1685 = arith.constant 16 : index
      %swap3A_1686 = tpu.vector_load %arg15[%swap3A_1684, %swap3A_1685] {strides = array<i32>} : memref<32x32xf32, #tpu.memory_space<vmem>>, vector<1x16xf32>,
      %swap3A_1687 = vector.shape_cast %swap3A_1686 : vector<1x16xf32> to vector<16xf32>
      %swap3A_1688 = vector.shape_cast %add3A_1676 : vector<16xf32> to vector<1x16xf32>
      tpu.vector_store %arg15[%swap3A_1684, %swap3A_1685], %swap3A_1688 {strides = array<i32>} : memref<32x32xf32, #tpu.memory_space<vmem>>, vector<1x16xf32>,
      %get3A_1689 = arith.constant 10 : i32
      %get3A_1690 = arith.index_cast %get3A_1689 : i32 to index
      %get3A_1691 = arith.constant 8 : index
      %get3A_1692 = tpu.vector_load %arg15[%get3A_1690, %get3A_1691] {strides = array<i32>} : memref<32x32xf32, #tpu.memory_space<vmem>>, vector<1x16xf32>,
      %get3A_1693 = vector.shape_cast %get3A_1692 : vector<1x16xf32> to vector<16xf32>
      %add3A_1694 = arith.addf %add3A_1676, %get3A_1693 : vector<16xf32>
      %mul3A_1695 = arith.constant 16 : i32
      %mul3A_1696 = arith.muli %scan3A_54, %mul3A_1695 : i32
      %add3A_1697 = arith.constant 13 : i32
      %add3A_1698 = arith.addi %mul3A_1696, %add3A_1697 : i32
      %get3A_1699 = arith.index_cast %add3A_1698 : i32 to index
      %get3A_1700 = arith.constant 0 : index
      %get3A_1701 = tpu.vector_load %arg11[%get3A_1699, %get3A_1700] {strides = array<i32>} : memref<128x128xf32, #tpu.memory_space<vmem>>, vector<1x16xf32>,
      %get3A_1702 = vector.shape_cast %get3A_1701 : vector<1x16xf32> to vector<16xf32>
      %get3A_1703 = arith.index_cast %add3A_1698 : i32 to index
      %get3A_1704 = arith.constant 0 : index
      %get3A_1705 = tpu.vector_load %arg12[%get3A_1703, %get3A_1704] {strides = array<i32>} : memref<128x128xf32, #tpu.memory_space<vmem>>, vector<1x16xf32>,
      %get3A_1706 = vector.shape_cast %get3A_1705 : vector<1x16xf32> to vector<16xf32>
      %get3A_1707 = arith.index_cast %add3A_1698 : i32 to index
      %get3A_1708 = arith.constant 0 : index
      %get3A_1709 = tpu.vector_load %arg13[%get3A_1707, %get3A_1708] {strides = array<i32>} : memref<128x128xf32, #tpu.memory_space<vmem>>, vector<1x16xf32>,
      %get3A_1710 = vector.shape_cast %get3A_1709 : vector<1x16xf32> to vector<16xf32>
      %add3A_1711 = arith.addf %get3A_1702, %get3A_1706 : vector<16xf32>
      %sub3A_1712 = arith.subf %add3A_1711, %get3A_1710 : vector<16xf32>
      %mul3A_1713 = arith.mulf %sub3A_1712, %sub3A_1712 : vector<16xf32>
      %get3A_1714 = arith.index_cast %add3A_1698 : i32 to index
      %get3A_1715 = arith.constant 16 : index
      %get3A_1716 = tpu.vector_load %arg11[%get3A_1714, %get3A_1715] {strides = array<i32>} : memref<128x128xf32, #tpu.memory_space<vmem>>, vector<1x16xf32>,
      %get3A_1717 = vector.shape_cast %get3A_1716 : vector<1x16xf32> to vector<16xf32>
      %get3A_1718 = arith.index_cast %add3A_1698 : i32 to index
      %get3A_1719 = arith.constant 16 : index
      %get3A_1720 = tpu.vector_load %arg12[%get3A_1718, %get3A_1719] {strides = array<i32>} : memref<128x128xf32, #tpu.memory_space<vmem>>, vector<1x16xf32>,
      %get3A_1721 = vector.shape_cast %get3A_1720 : vector<1x16xf32> to vector<16xf32>
      %get3A_1722 = arith.index_cast %add3A_1698 : i32 to index
      %get3A_1723 = arith.constant 16 : index
      %get3A_1724 = tpu.vector_load %arg13[%get3A_1722, %get3A_1723] {strides = array<i32>} : memref<128x128xf32, #tpu.memory_space<vmem>>, vector<1x16xf32>,
      %get3A_1725 = vector.shape_cast %get3A_1724 : vector<1x16xf32> to vector<16xf32>
      %add3A_1726 = arith.addf %get3A_1717, %get3A_1721 : vector<16xf32>
      %sub3A_1727 = arith.subf %add3A_1726, %get3A_1725 : vector<16xf32>
      %mul3A_1728 = arith.mulf %sub3A_1727, %sub3A_1727 : vector<16xf32>
      %add3A_1729 = arith.addf %mul3A_1713, %mul3A_1728 : vector<16xf32>
      %get3A_1730 = arith.index_cast %add3A_1698 : i32 to index
      %get3A_1731 = arith.constant 32 : index
      %get3A_1732 = tpu.vector_load %arg11[%get3A_1730, %get3A_1731] {strides = array<i32>} : memref<128x128xf32, #tpu.memory_space<vmem>>, vector<1x16xf32>,
      %get3A_1733 = vector.shape_cast %get3A_1732 : vector<1x16xf32> to vector<16xf32>
      %get3A_1734 = arith.index_cast %add3A_1698 : i32 to index
      %get3A_1735 = arith.constant 32 : index
      %get3A_1736 = tpu.vector_load %arg12[%get3A_1734, %get3A_1735] {strides = array<i32>} : memref<128x128xf32, #tpu.memory_space<vmem>>, vector<1x16xf32>,
      %get3A_1737 = vector.shape_cast %get3A_1736 : vector<1x16xf32> to vector<16xf32>
      %get3A_1738 = arith.index_cast %add3A_1698 : i32 to index
      %get3A_1739 = arith.constant 32 : index
      %get3A_1740 = tpu.vector_load %arg13[%get3A_1738, %get3A_1739] {strides = array<i32>} : memref<128x128xf32, #tpu.memory_space<vmem>>, vector<1x16xf32>,
      %get3A_1741 = vector.shape_cast %get3A_1740 : vector<1x16xf32> to vector<16xf32>
      %add3A_1742 = arith.addf %get3A_1733, %get3A_1737 : vector<16xf32>
      %sub3A_1743 = arith.subf %add3A_1742, %get3A_1741 : vector<16xf32>
      %mul3A_1744 = arith.mulf %sub3A_1743, %sub3A_1743 : vector<16xf32>
      %add3A_1745 = arith.addf %add3A_1729, %mul3A_1744 : vector<16xf32>
      %get3A_1746 = arith.index_cast %add3A_1698 : i32 to index
      %get3A_1747 = arith.constant 48 : index
      %get3A_1748 = tpu.vector_load %arg11[%get3A_1746, %get3A_1747] {strides = array<i32>} : memref<128x128xf32, #tpu.memory_space<vmem>>, vector<1x16xf32>,
      %get3A_1749 = vector.shape_cast %get3A_1748 : vector<1x16xf32> to vector<16xf32>
      %get3A_1750 = arith.index_cast %add3A_1698 : i32 to index
      %get3A_1751 = arith.constant 48 : index
      %get3A_1752 = tpu.vector_load %arg12[%get3A_1750, %get3A_1751] {strides = array<i32>} : memref<128x128xf32, #tpu.memory_space<vmem>>, vector<1x16xf32>,
      %get3A_1753 = vector.shape_cast %get3A_1752 : vector<1x16xf32> to vector<16xf32>
      %get3A_1754 = arith.index_cast %add3A_1698 : i32 to index
      %get3A_1755 = arith.constant 48 : index
      %get3A_1756 = tpu.vector_load %arg13[%get3A_1754, %get3A_1755] {strides = array<i32>} : memref<128x128xf32, #tpu.memory_space<vmem>>, vector<1x16xf32>,
      %get3A_1757 = vector.shape_cast %get3A_1756 : vector<1x16xf32> to vector<16xf32>
      %add3A_1758 = arith.addf %get3A_1749, %get3A_1753 : vector<16xf32>
      %sub3A_1759 = arith.subf %add3A_1758, %get3A_1757 : vector<16xf32>
      %mul3A_1760 = arith.mulf %sub3A_1759, %sub3A_1759 : vector<16xf32>
      %add3A_1761 = arith.addf %add3A_1745, %mul3A_1760 : vector<16xf32>
      %get3A_1762 = arith.index_cast %add3A_1698 : i32 to index
      %get3A_1763 = arith.constant 64 : index
      %get3A_1764 = tpu.vector_load %arg11[%get3A_1762, %get3A_1763] {strides = array<i32>} : memref<128x128xf32, #tpu.memory_space<vmem>>, vector<1x16xf32>,
      %get3A_1765 = vector.shape_cast %get3A_1764 : vector<1x16xf32> to vector<16xf32>
      %get3A_1766 = arith.index_cast %add3A_1698 : i32 to index
      %get3A_1767 = arith.constant 64 : index
      %get3A_1768 = tpu.vector_load %arg12[%get3A_1766, %get3A_1767] {strides = array<i32>} : memref<128x128xf32, #tpu.memory_space<vmem>>, vector<1x16xf32>,
      %get3A_1769 = vector.shape_cast %get3A_1768 : vector<1x16xf32> to vector<16xf32>
      %get3A_1770 = arith.index_cast %add3A_1698 : i32 to index
      %get3A_1771 = arith.constant 64 : index
      %get3A_1772 = tpu.vector_load %arg13[%get3A_1770, %get3A_1771] {strides = array<i32>} : memref<128x128xf32, #tpu.memory_space<vmem>>, vector<1x16xf32>,
      %get3A_1773 = vector.shape_cast %get3A_1772 : vector<1x16xf32> to vector<16xf32>
      %add3A_1774 = arith.addf %get3A_1765, %get3A_1769 : vector<16xf32>
      %sub3A_1775 = arith.subf %add3A_1774, %get3A_1773 : vector<16xf32>
      %mul3A_1776 = arith.mulf %sub3A_1775, %sub3A_1775 : vector<16xf32>
      %add3A_1777 = arith.addf %add3A_1761, %mul3A_1776 : vector<16xf32>
      %get3A_1778 = arith.index_cast %add3A_1698 : i32 to index
      %get3A_1779 = arith.constant 80 : index
      %get3A_1780 = tpu.vector_load %arg11[%get3A_1778, %get3A_1779] {strides = array<i32>} : memref<128x128xf32, #tpu.memory_space<vmem>>, vector<1x16xf32>,
      %get3A_1781 = vector.shape_cast %get3A_1780 : vector<1x16xf32> to vector<16xf32>
      %get3A_1782 = arith.index_cast %add3A_1698 : i32 to index
      %get3A_1783 = arith.constant 80 : index
      %get3A_1784 = tpu.vector_load %arg12[%get3A_1782, %get3A_1783] {strides = array<i32>} : memref<128x128xf32, #tpu.memory_space<vmem>>, vector<1x16xf32>,
      %get3A_1785 = vector.shape_cast %get3A_1784 : vector<1x16xf32> to vector<16xf32>
      %get3A_1786 = arith.index_cast %add3A_1698 : i32 to index
      %get3A_1787 = arith.constant 80 : index
      %get3A_1788 = tpu.vector_load %arg13[%get3A_1786, %get3A_1787] {strides = array<i32>} : memref<128x128xf32, #tpu.memory_space<vmem>>, vector<1x16xf32>,
      %get3A_1789 = vector.shape_cast %get3A_1788 : vector<1x16xf32> to vector<16xf32>
      %add3A_1790 = arith.addf %get3A_1781, %get3A_1785 : vector<16xf32>
      %sub3A_1791 = arith.subf %add3A_1790, %get3A_1789 : vector<16xf32>
      %mul3A_1792 = arith.mulf %sub3A_1791, %sub3A_1791 : vector<16xf32>
      %add3A_1793 = arith.addf %add3A_1777, %mul3A_1792 : vector<16xf32>
      %get3A_1794 = arith.index_cast %add3A_1698 : i32 to index
      %get3A_1795 = arith.constant 96 : index
      %get3A_1796 = tpu.vector_load %arg11[%get3A_1794, %get3A_1795] {strides = array<i32>} : memref<128x128xf32, #tpu.memory_space<vmem>>, vector<1x16xf32>,
      %get3A_1797 = vector.shape_cast %get3A_1796 : vector<1x16xf32> to vector<16xf32>
      %get3A_1798 = arith.index_cast %add3A_1698 : i32 to index
      %get3A_1799 = arith.constant 96 : index
      %get3A_1800 = tpu.vector_load %arg12[%get3A_1798, %get3A_1799] {strides = array<i32>} : memref<128x128xf32, #tpu.memory_space<vmem>>, vector<1x16xf32>,
      %get3A_1801 = vector.shape_cast %get3A_1800 : vector<1x16xf32> to vector<16xf32>
      %get3A_1802 = arith.index_cast %add3A_1698 : i32 to index
      %get3A_1803 = arith.constant 96 : index
      %get3A_1804 = tpu.vector_load %arg13[%get3A_1802, %get3A_1803] {strides = array<i32>} : memref<128x128xf32, #tpu.memory_space<vmem>>, vector<1x16xf32>,
      %get3A_1805 = vector.shape_cast %get3A_1804 : vector<1x16xf32> to vector<16xf32>
      %add3A_1806 = arith.addf %get3A_1797, %get3A_1801 : vector<16xf32>
      %sub3A_1807 = arith.subf %add3A_1806, %get3A_1805 : vector<16xf32>
      %mul3A_1808 = arith.mulf %sub3A_1807, %sub3A_1807 : vector<16xf32>
      %add3A_1809 = arith.addf %add3A_1793, %mul3A_1808 : vector<16xf32>
      %get3A_1810 = arith.index_cast %add3A_1698 : i32 to index
      %get3A_1811 = arith.constant 112 : index
      %get3A_1812 = tpu.vector_load %arg11[%get3A_1810, %get3A_1811] {strides = array<i32>} : memref<128x128xf32, #tpu.memory_space<vmem>>, vector<1x16xf32>,
      %get3A_1813 = vector.shape_cast %get3A_1812 : vector<1x16xf32> to vector<16xf32>
      %get3A_1814 = arith.index_cast %add3A_1698 : i32 to index
      %get3A_1815 = arith.constant 112 : index
      %get3A_1816 = tpu.vector_load %arg12[%get3A_1814, %get3A_1815] {strides = array<i32>} : memref<128x128xf32, #tpu.memory_space<vmem>>, vector<1x16xf32>,
      %get3A_1817 = vector.shape_cast %get3A_1816 : vector<1x16xf32> to vector<16xf32>
      %get3A_1818 = arith.index_cast %add3A_1698 : i32 to index
      %get3A_1819 = arith.constant 112 : index
      %get3A_1820 = tpu.vector_load %arg13[%get3A_1818, %get3A_1819] {strides = array<i32>} : memref<128x128xf32, #tpu.memory_space<vmem>>, vector<1x16xf32>,
      %get3A_1821 = vector.shape_cast %get3A_1820 : vector<1x16xf32> to vector<16xf32>
      %add3A_1822 = arith.addf %get3A_1813, %get3A_1817 : vector<16xf32>
      %sub3A_1823 = arith.subf %add3A_1822, %get3A_1821 : vector<16xf32>
      %mul3A_1824 = arith.mulf %sub3A_1823, %sub3A_1823 : vector<16xf32>
      %add3A_1825 = arith.addf %add3A_1809, %mul3A_1824 : vector<16xf32>
      %swap3A_1826 = arith.constant 11 : i32
      %swap3A_1827 = arith.index_cast %swap3A_1826 : i32 to index
      %swap3A_1828 = arith.constant 0 : index
      %swap3A_1829 = tpu.vector_load %arg15[%swap3A_1827, %swap3A_1828] {strides = array<i32>} : memref<32x32xf32, #tpu.memory_space<vmem>>, vector<1x16xf32>,
      %swap3A_1830 = vector.shape_cast %swap3A_1829 : vector<1x16xf32> to vector<16xf32>
      %swap3A_1831 = vector.shape_cast %add3A_1825 : vector<16xf32> to vector<1x16xf32>
      tpu.vector_store %arg15[%swap3A_1827, %swap3A_1828], %swap3A_1831 {strides = array<i32>} : memref<32x32xf32, #tpu.memory_space<vmem>>, vector<1x16xf32>,
      %swap3A_1832 = arith.constant 11 : i32
      %swap3A_1833 = arith.index_cast %swap3A_1832 : i32 to index
      %swap3A_1834 = arith.constant 16 : index
      %swap3A_1835 = tpu.vector_load %arg15[%swap3A_1833, %swap3A_1834] {strides = array<i32>} : memref<32x32xf32, #tpu.memory_space<vmem>>, vector<1x16xf32>,
      %swap3A_1836 = vector.shape_cast %swap3A_1835 : vector<1x16xf32> to vector<16xf32>
      %swap3A_1837 = vector.shape_cast %add3A_1825 : vector<16xf32> to vector<1x16xf32>
      tpu.vector_store %arg15[%swap3A_1833, %swap3A_1834], %swap3A_1837 {strides = array<i32>} : memref<32x32xf32, #tpu.memory_space<vmem>>, vector<1x16xf32>,
      %get3A_1838 = arith.constant 11 : i32
      %get3A_1839 = arith.index_cast %get3A_1838 : i32 to index
      %get3A_1840 = arith.constant 8 : index
      %get3A_1841 = tpu.vector_load %arg15[%get3A_1839, %get3A_1840] {strides = array<i32>} : memref<32x32xf32, #tpu.memory_space<vmem>>, vector<1x16xf32>,
      %get3A_1842 = vector.shape_cast %get3A_1841 : vector<1x16xf32> to vector<16xf32>
      %add3A_1843 = arith.addf %add3A_1825, %get3A_1842 : vector<16xf32>
      %select_n3A_1844 = arith.select %lt3A_23, %add3A_1694, %add3A_1843 : vector<16xi1>, vector<16xf32>
      %mul3A_1845 = arith.constant 16 : i32
      %mul3A_1846 = arith.muli %scan3A_54, %mul3A_1845 : i32
      %add3A_1847 = arith.constant 3 : i32
      %add3A_1848 = arith.addi %mul3A_1846, %add3A_1847 : i32
      %get3A_1849 = arith.index_cast %add3A_1848 : i32 to index
      %get3A_1850 = arith.constant 0 : index
      %get3A_1851 = tpu.vector_load %arg11[%get3A_1849, %get3A_1850] {strides = array<i32>} : memref<128x128xf32, #tpu.memory_space<vmem>>, vector<1x16xf32>,
      %get3A_1852 = vector.shape_cast %get3A_1851 : vector<1x16xf32> to vector<16xf32>
      %get3A_1853 = arith.index_cast %add3A_1848 : i32 to index
      %get3A_1854 = arith.constant 0 : index
      %get3A_1855 = tpu.vector_load %arg12[%get3A_1853, %get3A_1854] {strides = array<i32>} : memref<128x128xf32, #tpu.memory_space<vmem>>, vector<1x16xf32>,
      %get3A_1856 = vector.shape_cast %get3A_1855 : vector<1x16xf32> to vector<16xf32>
      %get3A_1857 = arith.index_cast %add3A_1848 : i32 to index
      %get3A_1858 = arith.constant 0 : index
      %get3A_1859 = tpu.vector_load %arg13[%get3A_1857, %get3A_1858] {strides = array<i32>} : memref<128x128xf32, #tpu.memory_space<vmem>>, vector<1x16xf32>,
      %get3A_1860 = vector.shape_cast %get3A_1859 : vector<1x16xf32> to vector<16xf32>
      %add3A_1861 = arith.addf %get3A_1852, %get3A_1856 : vector<16xf32>
      %sub3A_1862 = arith.subf %add3A_1861, %get3A_1860 : vector<16xf32>
      %mul3A_1863 = arith.mulf %sub3A_1862, %sub3A_1862 : vector<16xf32>
      %get3A_1864 = arith.index_cast %add3A_1848 : i32 to index
      %get3A_1865 = arith.constant 16 : index
      %get3A_1866 = tpu.vector_load %arg11[%get3A_1864, %get3A_1865] {strides = array<i32>} : memref<128x128xf32, #tpu.memory_space<vmem>>, vector<1x16xf32>,
      %get3A_1867 = vector.shape_cast %get3A_1866 : vector<1x16xf32> to vector<16xf32>
      %get3A_1868 = arith.index_cast %add3A_1848 : i32 to index
      %get3A_1869 = arith.constant 16 : index
      %get3A_1870 = tpu.vector_load %arg12[%get3A_1868, %get3A_1869] {strides = array<i32>} : memref<128x128xf32, #tpu.memory_space<vmem>>, vector<1x16xf32>,
      %get3A_1871 = vector.shape_cast %get3A_1870 : vector<1x16xf32> to vector<16xf32>
      %get3A_1872 = arith.index_cast %add3A_1848 : i32 to index
      %get3A_1873 = arith.constant 16 : index
      %get3A_1874 = tpu.vector_load %arg13[%get3A_1872, %get3A_1873] {strides = array<i32>} : memref<128x128xf32, #tpu.memory_space<vmem>>, vector<1x16xf32>,
      %get3A_1875 = vector.shape_cast %get3A_1874 : vector<1x16xf32> to vector<16xf32>
      %add3A_1876 = arith.addf %get3A_1867, %get3A_1871 : vector<16xf32>
      %sub3A_1877 = arith.subf %add3A_1876, %get3A_1875 : vector<16xf32>
      %mul3A_1878 = arith.mulf %sub3A_1877, %sub3A_1877 : vector<16xf32>
      %add3A_1879 = arith.addf %mul3A_1863, %mul3A_1878 : vector<16xf32>
      %get3A_1880 = arith.index_cast %add3A_1848 : i32 to index
      %get3A_1881 = arith.constant 32 : index
      %get3A_1882 = tpu.vector_load %arg11[%get3A_1880, %get3A_1881] {strides = array<i32>} : memref<128x128xf32, #tpu.memory_space<vmem>>, vector<1x16xf32>,
      %get3A_1883 = vector.shape_cast %get3A_1882 : vector<1x16xf32> to vector<16xf32>
      %get3A_1884 = arith.index_cast %add3A_1848 : i32 to index
      %get3A_1885 = arith.constant 32 : index
      %get3A_1886 = tpu.vector_load %arg12[%get3A_1884, %get3A_1885] {strides = array<i32>} : memref<128x128xf32, #tpu.memory_space<vmem>>, vector<1x16xf32>,
      %get3A_1887 = vector.shape_cast %get3A_1886 : vector<1x16xf32> to vector<16xf32>
      %get3A_1888 = arith.index_cast %add3A_1848 : i32 to index
      %get3A_1889 = arith.constant 32 : index
      %get3A_1890 = tpu.vector_load %arg13[%get3A_1888, %get3A_1889] {strides = array<i32>} : memref<128x128xf32, #tpu.memory_space<vmem>>, vector<1x16xf32>,
      %get3A_1891 = vector.shape_cast %get3A_1890 : vector<1x16xf32> to vector<16xf32>
      %add3A_1892 = arith.addf %get3A_1883, %get3A_1887 : vector<16xf32>
      %sub3A_1893 = arith.subf %add3A_1892, %get3A_1891 : vector<16xf32>
      %mul3A_1894 = arith.mulf %sub3A_1893, %sub3A_1893 : vector<16xf32>
      %add3A_1895 = arith.addf %add3A_1879, %mul3A_1894 : vector<16xf32>
      %get3A_1896 = arith.index_cast %add3A_1848 : i32 to index
      %get3A_1897 = arith.constant 48 : index
      %get3A_1898 = tpu.vector_load %arg11[%get3A_1896, %get3A_1897] {strides = array<i32>} : memref<128x128xf32, #tpu.memory_space<vmem>>, vector<1x16xf32>,
      %get3A_1899 = vector.shape_cast %get3A_1898 : vector<1x16xf32> to vector<16xf32>
      %get3A_1900 = arith.index_cast %add3A_1848 : i32 to index
      %get3A_1901 = arith.constant 48 : index
      %get3A_1902 = tpu.vector_load %arg12[%get3A_1900, %get3A_1901] {strides = array<i32>} : memref<128x128xf32, #tpu.memory_space<vmem>>, vector<1x16xf32>,
      %get3A_1903 = vector.shape_cast %get3A_1902 : vector<1x16xf32> to vector<16xf32>
      %get3A_1904 = arith.index_cast %add3A_1848 : i32 to index
      %get3A_1905 = arith.constant 48 : index
      %get3A_1906 = tpu.vector_load %arg13[%get3A_1904, %get3A_1905] {strides = array<i32>} : memref<128x128xf32, #tpu.memory_space<vmem>>, vector<1x16xf32>,
      %get3A_1907 = vector.shape_cast %get3A_1906 : vector<1x16xf32> to vector<16xf32>
      %add3A_1908 = arith.addf %get3A_1899, %get3A_1903 : vector<16xf32>
      %sub3A_1909 = arith.subf %add3A_1908, %get3A_1907 : vector<16xf32>
      %mul3A_1910 = arith.mulf %sub3A_1909, %sub3A_1909 : vector<16xf32>
      %add3A_1911 = arith.addf %add3A_1895, %mul3A_1910 : vector<16xf32>
      %get3A_1912 = arith.index_cast %add3A_1848 : i32 to index
      %get3A_1913 = arith.constant 64 : index
      %get3A_1914 = tpu.vector_load %arg11[%get3A_1912, %get3A_1913] {strides = array<i32>} : memref<128x128xf32, #tpu.memory_space<vmem>>, vector<1x16xf32>,
      %get3A_1915 = vector.shape_cast %get3A_1914 : vector<1x16xf32> to vector<16xf32>
      %get3A_1916 = arith.index_cast %add3A_1848 : i32 to index
      %get3A_1917 = arith.constant 64 : index
      %get3A_1918 = tpu.vector_load %arg12[%get3A_1916, %get3A_1917] {strides = array<i32>} : memref<128x128xf32, #tpu.memory_space<vmem>>, vector<1x16xf32>,
      %get3A_1919 = vector.shape_cast %get3A_1918 : vector<1x16xf32> to vector<16xf32>
      %get3A_1920 = arith.index_cast %add3A_1848 : i32 to index
      %get3A_1921 = arith.constant 64 : index
      %get3A_1922 = tpu.vector_load %arg13[%get3A_1920, %get3A_1921] {strides = array<i32>} : memref<128x128xf32, #tpu.memory_space<vmem>>, vector<1x16xf32>,
      %get3A_1923 = vector.shape_cast %get3A_1922 : vector<1x16xf32> to vector<16xf32>
      %add3A_1924 = arith.addf %get3A_1915, %get3A_1919 : vector<16xf32>
      %sub3A_1925 = arith.subf %add3A_1924, %get3A_1923 : vector<16xf32>
      %mul3A_1926 = arith.mulf %sub3A_1925, %sub3A_1925 : vector<16xf32>
      %add3A_1927 = arith.addf %add3A_1911, %mul3A_1926 : vector<16xf32>
      %get3A_1928 = arith.index_cast %add3A_1848 : i32 to index
      %get3A_1929 = arith.constant 80 : index
      %get3A_1930 = tpu.vector_load %arg11[%get3A_1928, %get3A_1929] {strides = array<i32>} : memref<128x128xf32, #tpu.memory_space<vmem>>, vector<1x16xf32>,
      %get3A_1931 = vector.shape_cast %get3A_1930 : vector<1x16xf32> to vector<16xf32>
      %get3A_1932 = arith.index_cast %add3A_1848 : i32 to index
      %get3A_1933 = arith.constant 80 : index
      %get3A_1934 = tpu.vector_load %arg12[%get3A_1932, %get3A_1933] {strides = array<i32>} : memref<128x128xf32, #tpu.memory_space<vmem>>, vector<1x16xf32>,
      %get3A_1935 = vector.shape_cast %get3A_1934 : vector<1x16xf32> to vector<16xf32>
      %get3A_1936 = arith.index_cast %add3A_1848 : i32 to index
      %get3A_1937 = arith.constant 80 : index
      %get3A_1938 = tpu.vector_load %arg13[%get3A_1936, %get3A_1937] {strides = array<i32>} : memref<128x128xf32, #tpu.memory_space<vmem>>, vector<1x16xf32>,
      %get3A_1939 = vector.shape_cast %get3A_1938 : vector<1x16xf32> to vector<16xf32>
      %add3A_1940 = arith.addf %get3A_1931, %get3A_1935 : vector<16xf32>
      %sub3A_1941 = arith.subf %add3A_1940, %get3A_1939 : vector<16xf32>
      %mul3A_1942 = arith.mulf %sub3A_1941, %sub3A_1941 : vector<16xf32>
      %add3A_1943 = arith.addf %add3A_1927, %mul3A_1942 : vector<16xf32>
      %get3A_1944 = arith.index_cast %add3A_1848 : i32 to index
      %get3A_1945 = arith.constant 96 : index
      %get3A_1946 = tpu.vector_load %arg11[%get3A_1944, %get3A_1945] {strides = array<i32>} : memref<128x128xf32, #tpu.memory_space<vmem>>, vector<1x16xf32>,
      %get3A_1947 = vector.shape_cast %get3A_1946 : vector<1x16xf32> to vector<16xf32>
      %get3A_1948 = arith.index_cast %add3A_1848 : i32 to index
      %get3A_1949 = arith.constant 96 : index
      %get3A_1950 = tpu.vector_load %arg12[%get3A_1948, %get3A_1949] {strides = array<i32>} : memref<128x128xf32, #tpu.memory_space<vmem>>, vector<1x16xf32>,
      %get3A_1951 = vector.shape_cast %get3A_1950 : vector<1x16xf32> to vector<16xf32>
      %get3A_1952 = arith.index_cast %add3A_1848 : i32 to index
      %get3A_1953 = arith.constant 96 : index
      %get3A_1954 = tpu.vector_load %arg13[%get3A_1952, %get3A_1953] {strides = array<i32>} : memref<128x128xf32, #tpu.memory_space<vmem>>, vector<1x16xf32>,
      %get3A_1955 = vector.shape_cast %get3A_1954 : vector<1x16xf32> to vector<16xf32>
      %add3A_1956 = arith.addf %get3A_1947, %get3A_1951 : vector<16xf32>
      %sub3A_1957 = arith.subf %add3A_1956, %get3A_1955 : vector<16xf32>
      %mul3A_1958 = arith.mulf %sub3A_1957, %sub3A_1957 : vector<16xf32>
      %add3A_1959 = arith.addf %add3A_1943, %mul3A_1958 : vector<16xf32>
      %get3A_1960 = arith.index_cast %add3A_1848 : i32 to index
      %get3A_1961 = arith.constant 112 : index
      %get3A_1962 = tpu.vector_load %arg11[%get3A_1960, %get3A_1961] {strides = array<i32>} : memref<128x128xf32, #tpu.memory_space<vmem>>, vector<1x16xf32>,
      %get3A_1963 = vector.shape_cast %get3A_1962 : vector<1x16xf32> to vector<16xf32>
      %get3A_1964 = arith.index_cast %add3A_1848 : i32 to index
      %get3A_1965 = arith.constant 112 : index
      %get3A_1966 = tpu.vector_load %arg12[%get3A_1964, %get3A_1965] {strides = array<i32>} : memref<128x128xf32, #tpu.memory_space<vmem>>, vector<1x16xf32>,
      %get3A_1967 = vector.shape_cast %get3A_1966 : vector<1x16xf32> to vector<16xf32>
      %get3A_1968 = arith.index_cast %add3A_1848 : i32 to index
      %get3A_1969 = arith.constant 112 : index
      %get3A_1970 = tpu.vector_load %arg13[%get3A_1968, %get3A_1969] {strides = array<i32>} : memref<128x128xf32, #tpu.memory_space<vmem>>, vector<1x16xf32>,
      %get3A_1971 = vector.shape_cast %get3A_1970 : vector<1x16xf32> to vector<16xf32>
      %add3A_1972 = arith.addf %get3A_1963, %get3A_1967 : vector<16xf32>
      %sub3A_1973 = arith.subf %add3A_1972, %get3A_1971 : vector<16xf32>
      %mul3A_1974 = arith.mulf %sub3A_1973, %sub3A_1973 : vector<16xf32>
      %add3A_1975 = arith.addf %add3A_1959, %mul3A_1974 : vector<16xf32>
      %swap3A_1976 = arith.constant 12 : i32
      %swap3A_1977 = arith.index_cast %swap3A_1976 : i32 to index
      %swap3A_1978 = arith.constant 0 : index
      %swap3A_1979 = tpu.vector_load %arg15[%swap3A_1977, %swap3A_1978] {strides = array<i32>} : memref<32x32xf32, #tpu.memory_space<vmem>>, vector<1x16xf32>,
      %swap3A_1980 = vector.shape_cast %swap3A_1979 : vector<1x16xf32> to vector<16xf32>
      %swap3A_1981 = vector.shape_cast %add3A_1975 : vector<16xf32> to vector<1x16xf32>
      tpu.vector_store %arg15[%swap3A_1977, %swap3A_1978], %swap3A_1981 {strides = array<i32>} : memref<32x32xf32, #tpu.memory_space<vmem>>, vector<1x16xf32>,
      %swap3A_1982 = arith.constant 12 : i32
      %swap3A_1983 = arith.index_cast %swap3A_1982 : i32 to index
      %swap3A_1984 = arith.constant 16 : index
      %swap3A_1985 = tpu.vector_load %arg15[%swap3A_1983, %swap3A_1984] {strides = array<i32>} : memref<32x32xf32, #tpu.memory_space<vmem>>, vector<1x16xf32>,
      %swap3A_1986 = vector.shape_cast %swap3A_1985 : vector<1x16xf32> to vector<16xf32>
      %swap3A_1987 = vector.shape_cast %add3A_1975 : vector<16xf32> to vector<1x16xf32>
      tpu.vector_store %arg15[%swap3A_1983, %swap3A_1984], %swap3A_1987 {strides = array<i32>} : memref<32x32xf32, #tpu.memory_space<vmem>>, vector<1x16xf32>,
      %get3A_1988 = arith.constant 12 : i32
      %get3A_1989 = arith.index_cast %get3A_1988 : i32 to index
      %get3A_1990 = arith.constant 8 : index
      %get3A_1991 = tpu.vector_load %arg15[%get3A_1989, %get3A_1990] {strides = array<i32>} : memref<32x32xf32, #tpu.memory_space<vmem>>, vector<1x16xf32>,
      %get3A_1992 = vector.shape_cast %get3A_1991 : vector<1x16xf32> to vector<16xf32>
      %add3A_1993 = arith.addf %add3A_1975, %get3A_1992 : vector<16xf32>
      %mul3A_1994 = arith.constant 16 : i32
      %mul3A_1995 = arith.muli %scan3A_54, %mul3A_1994 : i32
      %add3A_1996 = arith.constant 11 : i32
      %add3A_1997 = arith.addi %mul3A_1995, %add3A_1996 : i32
      %get3A_1998 = arith.index_cast %add3A_1997 : i32 to index
      %get3A_1999 = arith.constant 0 : index
      %get3A_2000 = tpu.vector_load %arg11[%get3A_1998, %get3A_1999] {strides = array<i32>} : memref<128x128xf32, #tpu.memory_space<vmem>>, vector<1x16xf32>,
      %get3A_2001 = vector.shape_cast %get3A_2000 : vector<1x16xf32> to vector<16xf32>
      %get3A_2002 = arith.index_cast %add3A_1997 : i32 to index
      %get3A_2003 = arith.constant 0 : index
      %get3A_2004 = tpu.vector_load %arg12[%get3A_2002, %get3A_2003] {strides = array<i32>} : memref<128x128xf32, #tpu.memory_space<vmem>>, vector<1x16xf32>,
      %get3A_2005 = vector.shape_cast %get3A_2004 : vector<1x16xf32> to vector<16xf32>
      %get3A_2006 = arith.index_cast %add3A_1997 : i32 to index
      %get3A_2007 = arith.constant 0 : index
      %get3A_2008 = tpu.vector_load %arg13[%get3A_2006, %get3A_2007] {strides = array<i32>} : memref<128x128xf32, #tpu.memory_space<vmem>>, vector<1x16xf32>,
      %get3A_2009 = vector.shape_cast %get3A_2008 : vector<1x16xf32> to vector<16xf32>
      %add3A_2010 = arith.addf %get3A_2001, %get3A_2005 : vector<16xf32>
      %sub3A_2011 = arith.subf %add3A_2010, %get3A_2009 : vector<16xf32>
      %mul3A_2012 = arith.mulf %sub3A_2011, %sub3A_2011 : vector<16xf32>
      %get3A_2013 = arith.index_cast %add3A_1997 : i32 to index
      %get3A_2014 = arith.constant 16 : index
      %get3A_2015 = tpu.vector_load %arg11[%get3A_2013, %get3A_2014] {strides = array<i32>} : memref<128x128xf32, #tpu.memory_space<vmem>>, vector<1x16xf32>,
      %get3A_2016 = vector.shape_cast %get3A_2015 : vector<1x16xf32> to vector<16xf32>
      %get3A_2017 = arith.index_cast %add3A_1997 : i32 to index
      %get3A_2018 = arith.constant 16 : index
      %get3A_2019 = tpu.vector_load %arg12[%get3A_2017, %get3A_2018] {strides = array<i32>} : memref<128x128xf32, #tpu.memory_space<vmem>>, vector<1x16xf32>,
      %get3A_2020 = vector.shape_cast %get3A_2019 : vector<1x16xf32> to vector<16xf32>
      %get3A_2021 = arith.index_cast %add3A_1997 : i32 to index
      %get3A_2022 = arith.constant 16 : index
      %get3A_2023 = tpu.vector_load %arg13[%get3A_2021, %get3A_2022] {strides = array<i32>} : memref<128x128xf32, #tpu.memory_space<vmem>>, vector<1x16xf32>,
      %get3A_2024 = vector.shape_cast %get3A_2023 : vector<1x16xf32> to vector<16xf32>
      %add3A_2025 = arith.addf %get3A_2016, %get3A_2020 : vector<16xf32>
      %sub3A_2026 = arith.subf %add3A_2025, %get3A_2024 : vector<16xf32>
      %mul3A_2027 = arith.mulf %sub3A_2026, %sub3A_2026 : vector<16xf32>
      %add3A_2028 = arith.addf %mul3A_2012, %mul3A_2027 : vector<16xf32>
      %get3A_2029 = arith.index_cast %add3A_1997 : i32 to index
      %get3A_2030 = arith.constant 32 : index
      %get3A_2031 = tpu.vector_load %arg11[%get3A_2029, %get3A_2030] {strides = array<i32>} : memref<128x128xf32, #tpu.memory_space<vmem>>, vector<1x16xf32>,
      %get3A_2032 = vector.shape_cast %get3A_2031 : vector<1x16xf32> to vector<16xf32>
      %get3A_2033 = arith.index_cast %add3A_1997 : i32 to index
      %get3A_2034 = arith.constant 32 : index
      %get3A_2035 = tpu.vector_load %arg12[%get3A_2033, %get3A_2034] {strides = array<i32>} : memref<128x128xf32, #tpu.memory_space<vmem>>, vector<1x16xf32>,
      %get3A_2036 = vector.shape_cast %get3A_2035 : vector<1x16xf32> to vector<16xf32>
      %get3A_2037 = arith.index_cast %add3A_1997 : i32 to index
      %get3A_2038 = arith.constant 32 : index
      %get3A_2039 = tpu.vector_load %arg13[%get3A_2037, %get3A_2038] {strides = array<i32>} : memref<128x128xf32, #tpu.memory_space<vmem>>, vector<1x16xf32>,
      %get3A_2040 = vector.shape_cast %get3A_2039 : vector<1x16xf32> to vector<16xf32>
      %add3A_2041 = arith.addf %get3A_2032, %get3A_2036 : vector<16xf32>
      %sub3A_2042 = arith.subf %add3A_2041, %get3A_2040 : vector<16xf32>
      %mul3A_2043 = arith.mulf %sub3A_2042, %sub3A_2042 : vector<16xf32>
      %add3A_2044 = arith.addf %add3A_2028, %mul3A_2043 : vector<16xf32>
      %get3A_2045 = arith.index_cast %add3A_1997 : i32 to index
      %get3A_2046 = arith.constant 48 : index
      %get3A_2047 = tpu.vector_load %arg11[%get3A_2045, %get3A_2046] {strides = array<i32>} : memref<128x128xf32, #tpu.memory_space<vmem>>, vector<1x16xf32>,
      %get3A_2048 = vector.shape_cast %get3A_2047 : vector<1x16xf32> to vector<16xf32>
      %get3A_2049 = arith.index_cast %add3A_1997 : i32 to index
      %get3A_2050 = arith.constant 48 : index
      %get3A_2051 = tpu.vector_load %arg12[%get3A_2049, %get3A_2050] {strides = array<i32>} : memref<128x128xf32, #tpu.memory_space<vmem>>, vector<1x16xf32>,
      %get3A_2052 = vector.shape_cast %get3A_2051 : vector<1x16xf32> to vector<16xf32>
      %get3A_2053 = arith.index_cast %add3A_1997 : i32 to index
      %get3A_2054 = arith.constant 48 : index
      %get3A_2055 = tpu.vector_load %arg13[%get3A_2053, %get3A_2054] {strides = array<i32>} : memref<128x128xf32, #tpu.memory_space<vmem>>, vector<1x16xf32>,
      %get3A_2056 = vector.shape_cast %get3A_2055 : vector<1x16xf32> to vector<16xf32>
      %add3A_2057 = arith.addf %get3A_2048, %get3A_2052 : vector<16xf32>
      %sub3A_2058 = arith.subf %add3A_2057, %get3A_2056 : vector<16xf32>
      %mul3A_2059 = arith.mulf %sub3A_2058, %sub3A_2058 : vector<16xf32>
      %add3A_2060 = arith.addf %add3A_2044, %mul3A_2059 : vector<16xf32>
      %get3A_2061 = arith.index_cast %add3A_1997 : i32 to index
      %get3A_2062 = arith.constant 64 : index
      %get3A_2063 = tpu.vector_load %arg11[%get3A_2061, %get3A_2062] {strides = array<i32>} : memref<128x128xf32, #tpu.memory_space<vmem>>, vector<1x16xf32>,
      %get3A_2064 = vector.shape_cast %get3A_2063 : vector<1x16xf32> to vector<16xf32>
      %get3A_2065 = arith.index_cast %add3A_1997 : i32 to index
      %get3A_2066 = arith.constant 64 : index
      %get3A_2067 = tpu.vector_load %arg12[%get3A_2065, %get3A_2066] {strides = array<i32>} : memref<128x128xf32, #tpu.memory_space<vmem>>, vector<1x16xf32>,
      %get3A_2068 = vector.shape_cast %get3A_2067 : vector<1x16xf32> to vector<16xf32>
      %get3A_2069 = arith.index_cast %add3A_1997 : i32 to index
      %get3A_2070 = arith.constant 64 : index
      %get3A_2071 = tpu.vector_load %arg13[%get3A_2069, %get3A_2070] {strides = array<i32>} : memref<128x128xf32, #tpu.memory_space<vmem>>, vector<1x16xf32>,
      %get3A_2072 = vector.shape_cast %get3A_2071 : vector<1x16xf32> to vector<16xf32>
      %add3A_2073 = arith.addf %get3A_2064, %get3A_2068 : vector<16xf32>
      %sub3A_2074 = arith.subf %add3A_2073, %get3A_2072 : vector<16xf32>
      %mul3A_2075 = arith.mulf %sub3A_2074, %sub3A_2074 : vector<16xf32>
      %add3A_2076 = arith.addf %add3A_2060, %mul3A_2075 : vector<16xf32>
      %get3A_2077 = arith.index_cast %add3A_1997 : i32 to index
      %get3A_2078 = arith.constant 80 : index
      %get3A_2079 = tpu.vector_load %arg11[%get3A_2077, %get3A_2078] {strides = array<i32>} : memref<128x128xf32, #tpu.memory_space<vmem>>, vector<1x16xf32>,
      %get3A_2080 = vector.shape_cast %get3A_2079 : vector<1x16xf32> to vector<16xf32>
      %get3A_2081 = arith.index_cast %add3A_1997 : i32 to index
      %get3A_2082 = arith.constant 80 : index
      %get3A_2083 = tpu.vector_load %arg12[%get3A_2081, %get3A_2082] {strides = array<i32>} : memref<128x128xf32, #tpu.memory_space<vmem>>, vector<1x16xf32>,
      %get3A_2084 = vector.shape_cast %get3A_2083 : vector<1x16xf32> to vector<16xf32>
      %get3A_2085 = arith.index_cast %add3A_1997 : i32 to index
      %get3A_2086 = arith.constant 80 : index
      %get3A_2087 = tpu.vector_load %arg13[%get3A_2085, %get3A_2086] {strides = array<i32>} : memref<128x128xf32, #tpu.memory_space<vmem>>, vector<1x16xf32>,
      %get3A_2088 = vector.shape_cast %get3A_2087 : vector<1x16xf32> to vector<16xf32>
      %add3A_2089 = arith.addf %get3A_2080, %get3A_2084 : vector<16xf32>
      %sub3A_2090 = arith.subf %add3A_2089, %get3A_2088 : vector<16xf32>
      %mul3A_2091 = arith.mulf %sub3A_2090, %sub3A_2090 : vector<16xf32>
      %add3A_2092 = arith.addf %add3A_2076, %mul3A_2091 : vector<16xf32>
      %get3A_2093 = arith.index_cast %add3A_1997 : i32 to index
      %get3A_2094 = arith.constant 96 : index
      %get3A_2095 = tpu.vector_load %arg11[%get3A_2093, %get3A_2094] {strides = array<i32>} : memref<128x128xf32, #tpu.memory_space<vmem>>, vector<1x16xf32>,
      %get3A_2096 = vector.shape_cast %get3A_2095 : vector<1x16xf32> to vector<16xf32>
      %get3A_2097 = arith.index_cast %add3A_1997 : i32 to index
      %get3A_2098 = arith.constant 96 : index
      %get3A_2099 = tpu.vector_load %arg12[%get3A_2097, %get3A_2098] {strides = array<i32>} : memref<128x128xf32, #tpu.memory_space<vmem>>, vector<1x16xf32>,
      %get3A_2100 = vector.shape_cast %get3A_2099 : vector<1x16xf32> to vector<16xf32>
      %get3A_2101 = arith.index_cast %add3A_1997 : i32 to index
      %get3A_2102 = arith.constant 96 : index
      %get3A_2103 = tpu.vector_load %arg13[%get3A_2101, %get3A_2102] {strides = array<i32>} : memref<128x128xf32, #tpu.memory_space<vmem>>, vector<1x16xf32>,
      %get3A_2104 = vector.shape_cast %get3A_2103 : vector<1x16xf32> to vector<16xf32>
      %add3A_2105 = arith.addf %get3A_2096, %get3A_2100 : vector<16xf32>
      %sub3A_2106 = arith.subf %add3A_2105, %get3A_2104 : vector<16xf32>
      %mul3A_2107 = arith.mulf %sub3A_2106, %sub3A_2106 : vector<16xf32>
      %add3A_2108 = arith.addf %add3A_2092, %mul3A_2107 : vector<16xf32>
      %get3A_2109 = arith.index_cast %add3A_1997 : i32 to index
      %get3A_2110 = arith.constant 112 : index
      %get3A_2111 = tpu.vector_load %arg11[%get3A_2109, %get3A_2110] {strides = array<i32>} : memref<128x128xf32, #tpu.memory_space<vmem>>, vector<1x16xf32>,
      %get3A_2112 = vector.shape_cast %get3A_2111 : vector<1x16xf32> to vector<16xf32>
      %get3A_2113 = arith.index_cast %add3A_1997 : i32 to index
      %get3A_2114 = arith.constant 112 : index
      %get3A_2115 = tpu.vector_load %arg12[%get3A_2113, %get3A_2114] {strides = array<i32>} : memref<128x128xf32, #tpu.memory_space<vmem>>, vector<1x16xf32>,
      %get3A_2116 = vector.shape_cast %get3A_2115 : vector<1x16xf32> to vector<16xf32>
      %get3A_2117 = arith.index_cast %add3A_1997 : i32 to index
      %get3A_2118 = arith.constant 112 : index
      %get3A_2119 = tpu.vector_load %arg13[%get3A_2117, %get3A_2118] {strides = array<i32>} : memref<128x128xf32, #tpu.memory_space<vmem>>, vector<1x16xf32>,
      %get3A_2120 = vector.shape_cast %get3A_2119 : vector<1x16xf32> to vector<16xf32>
      %add3A_2121 = arith.addf %get3A_2112, %get3A_2116 : vector<16xf32>
      %sub3A_2122 = arith.subf %add3A_2121, %get3A_2120 : vector<16xf32>
      %mul3A_2123 = arith.mulf %sub3A_2122, %sub3A_2122 : vector<16xf32>
      %add3A_2124 = arith.addf %add3A_2108, %mul3A_2123 : vector<16xf32>
      %swap3A_2125 = arith.constant 13 : i32
      %swap3A_2126 = arith.index_cast %swap3A_2125 : i32 to index
      %swap3A_2127 = arith.constant 0 : index
      %swap3A_2128 = tpu.vector_load %arg15[%swap3A_2126, %swap3A_2127] {strides = array<i32>} : memref<32x32xf32, #tpu.memory_space<vmem>>, vector<1x16xf32>,
      %swap3A_2129 = vector.shape_cast %swap3A_2128 : vector<1x16xf32> to vector<16xf32>
      %swap3A_2130 = vector.shape_cast %add3A_2124 : vector<16xf32> to vector<1x16xf32>
      tpu.vector_store %arg15[%swap3A_2126, %swap3A_2127], %swap3A_2130 {strides = array<i32>} : memref<32x32xf32, #tpu.memory_space<vmem>>, vector<1x16xf32>,
      %swap3A_2131 = arith.constant 13 : i32
      %swap3A_2132 = arith.index_cast %swap3A_2131 : i32 to index
      %swap3A_2133 = arith.constant 16 : index
      %swap3A_2134 = tpu.vector_load %arg15[%swap3A_2132, %swap3A_2133] {strides = array<i32>} : memref<32x32xf32, #tpu.memory_space<vmem>>, vector<1x16xf32>,
      %swap3A_2135 = vector.shape_cast %swap3A_2134 : vector<1x16xf32> to vector<16xf32>
      %swap3A_2136 = vector.shape_cast %add3A_2124 : vector<16xf32> to vector<1x16xf32>
      tpu.vector_store %arg15[%swap3A_2132, %swap3A_2133], %swap3A_2136 {strides = array<i32>} : memref<32x32xf32, #tpu.memory_space<vmem>>, vector<1x16xf32>,
      %get3A_2137 = arith.constant 13 : i32
      %get3A_2138 = arith.index_cast %get3A_2137 : i32 to index
      %get3A_2139 = arith.constant 8 : index
      %get3A_2140 = tpu.vector_load %arg15[%get3A_2138, %get3A_2139] {strides = array<i32>} : memref<32x32xf32, #tpu.memory_space<vmem>>, vector<1x16xf32>,
      %get3A_2141 = vector.shape_cast %get3A_2140 : vector<1x16xf32> to vector<16xf32>
      %add3A_2142 = arith.addf %add3A_2124, %get3A_2141 : vector<16xf32>
      %select_n3A_2143 = arith.select %lt3A_23, %add3A_1993, %add3A_2142 : vector<16xi1>, vector<16xf32>
      %mul3A_2144 = arith.constant 16 : i32
      %mul3A_2145 = arith.muli %scan3A_54, %mul3A_2144 : i32
      %add3A_2146 = arith.constant 7 : i32
      %add3A_2147 = arith.addi %mul3A_2145, %add3A_2146 : i32
      %get3A_2148 = arith.index_cast %add3A_2147 : i32 to index
      %get3A_2149 = arith.constant 0 : index
      %get3A_2150 = tpu.vector_load %arg11[%get3A_2148, %get3A_2149] {strides = array<i32>} : memref<128x128xf32, #tpu.memory_space<vmem>>, vector<1x16xf32>,
      %get3A_2151 = vector.shape_cast %get3A_2150 : vector<1x16xf32> to vector<16xf32>
      %get3A_2152 = arith.index_cast %add3A_2147 : i32 to index
      %get3A_2153 = arith.constant 0 : index
      %get3A_2154 = tpu.vector_load %arg12[%get3A_2152, %get3A_2153] {strides = array<i32>} : memref<128x128xf32, #tpu.memory_space<vmem>>, vector<1x16xf32>,
      %get3A_2155 = vector.shape_cast %get3A_2154 : vector<1x16xf32> to vector<16xf32>
      %get3A_2156 = arith.index_cast %add3A_2147 : i32 to index
      %get3A_2157 = arith.constant 0 : index
      %get3A_2158 = tpu.vector_load %arg13[%get3A_2156, %get3A_2157] {strides = array<i32>} : memref<128x128xf32, #tpu.memory_space<vmem>>, vector<1x16xf32>,
      %get3A_2159 = vector.shape_cast %get3A_2158 : vector<1x16xf32> to vector<16xf32>
      %add3A_2160 = arith.addf %get3A_2151, %get3A_2155 : vector<16xf32>
      %sub3A_2161 = arith.subf %add3A_2160, %get3A_2159 : vector<16xf32>
      %mul3A_2162 = arith.mulf %sub3A_2161, %sub3A_2161 : vector<16xf32>
      %get3A_2163 = arith.index_cast %add3A_2147 : i32 to index
      %get3A_2164 = arith.constant 16 : index
      %get3A_2165 = tpu.vector_load %arg11[%get3A_2163, %get3A_2164] {strides = array<i32>} : memref<128x128xf32, #tpu.memory_space<vmem>>, vector<1x16xf32>,
      %get3A_2166 = vector.shape_cast %get3A_2165 : vector<1x16xf32> to vector<16xf32>
      %get3A_2167 = arith.index_cast %add3A_2147 : i32 to index
      %get3A_2168 = arith.constant 16 : index
      %get3A_2169 = tpu.vector_load %arg12[%get3A_2167, %get3A_2168] {strides = array<i32>} : memref<128x128xf32, #tpu.memory_space<vmem>>, vector<1x16xf32>,
      %get3A_2170 = vector.shape_cast %get3A_2169 : vector<1x16xf32> to vector<16xf32>
      %get3A_2171 = arith.index_cast %add3A_2147 : i32 to index
      %get3A_2172 = arith.constant 16 : index
      %get3A_2173 = tpu.vector_load %arg13[%get3A_2171, %get3A_2172] {strides = array<i32>} : memref<128x128xf32, #tpu.memory_space<vmem>>, vector<1x16xf32>,
      %get3A_2174 = vector.shape_cast %get3A_2173 : vector<1x16xf32> to vector<16xf32>
      %add3A_2175 = arith.addf %get3A_2166, %get3A_2170 : vector<16xf32>
      %sub3A_2176 = arith.subf %add3A_2175, %get3A_2174 : vector<16xf32>
      %mul3A_2177 = arith.mulf %sub3A_2176, %sub3A_2176 : vector<16xf32>
      %add3A_2178 = arith.addf %mul3A_2162, %mul3A_2177 : vector<16xf32>
      %get3A_2179 = arith.index_cast %add3A_2147 : i32 to index
      %get3A_2180 = arith.constant 32 : index
      %get3A_2181 = tpu.vector_load %arg11[%get3A_2179, %get3A_2180] {strides = array<i32>} : memref<128x128xf32, #tpu.memory_space<vmem>>, vector<1x16xf32>,
      %get3A_2182 = vector.shape_cast %get3A_2181 : vector<1x16xf32> to vector<16xf32>
      %get3A_2183 = arith.index_cast %add3A_2147 : i32 to index
      %get3A_2184 = arith.constant 32 : index
      %get3A_2185 = tpu.vector_load %arg12[%get3A_2183, %get3A_2184] {strides = array<i32>} : memref<128x128xf32, #tpu.memory_space<vmem>>, vector<1x16xf32>,
      %get3A_2186 = vector.shape_cast %get3A_2185 : vector<1x16xf32> to vector<16xf32>
      %get3A_2187 = arith.index_cast %add3A_2147 : i32 to index
      %get3A_2188 = arith.constant 32 : index
      %get3A_2189 = tpu.vector_load %arg13[%get3A_2187, %get3A_2188] {strides = array<i32>} : memref<128x128xf32, #tpu.memory_space<vmem>>, vector<1x16xf32>,
      %get3A_2190 = vector.shape_cast %get3A_2189 : vector<1x16xf32> to vector<16xf32>
      %add3A_2191 = arith.addf %get3A_2182, %get3A_2186 : vector<16xf32>
      %sub3A_2192 = arith.subf %add3A_2191, %get3A_2190 : vector<16xf32>
      %mul3A_2193 = arith.mulf %sub3A_2192, %sub3A_2192 : vector<16xf32>
      %add3A_2194 = arith.addf %add3A_2178, %mul3A_2193 : vector<16xf32>
      %get3A_2195 = arith.index_cast %add3A_2147 : i32 to index
      %get3A_2196 = arith.constant 48 : index
      %get3A_2197 = tpu.vector_load %arg11[%get3A_2195, %get3A_2196] {strides = array<i32>} : memref<128x128xf32, #tpu.memory_space<vmem>>, vector<1x16xf32>,
      %get3A_2198 = vector.shape_cast %get3A_2197 : vector<1x16xf32> to vector<16xf32>
      %get3A_2199 = arith.index_cast %add3A_2147 : i32 to index
      %get3A_2200 = arith.constant 48 : index
      %get3A_2201 = tpu.vector_load %arg12[%get3A_2199, %get3A_2200] {strides = array<i32>} : memref<128x128xf32, #tpu.memory_space<vmem>>, vector<1x16xf32>,
      %get3A_2202 = vector.shape_cast %get3A_2201 : vector<1x16xf32> to vector<16xf32>
      %get3A_2203 = arith.index_cast %add3A_2147 : i32 to index
      %get3A_2204 = arith.constant 48 : index
      %get3A_2205 = tpu.vector_load %arg13[%get3A_2203, %get3A_2204] {strides = array<i32>} : memref<128x128xf32, #tpu.memory_space<vmem>>, vector<1x16xf32>,
      %get3A_2206 = vector.shape_cast %get3A_2205 : vector<1x16xf32> to vector<16xf32>
      %add3A_2207 = arith.addf %get3A_2198, %get3A_2202 : vector<16xf32>
      %sub3A_2208 = arith.subf %add3A_2207, %get3A_2206 : vector<16xf32>
      %mul3A_2209 = arith.mulf %sub3A_2208, %sub3A_2208 : vector<16xf32>
      %add3A_2210 = arith.addf %add3A_2194, %mul3A_2209 : vector<16xf32>
      %get3A_2211 = arith.index_cast %add3A_2147 : i32 to index
      %get3A_2212 = arith.constant 64 : index
      %get3A_2213 = tpu.vector_load %arg11[%get3A_2211, %get3A_2212] {strides = array<i32>} : memref<128x128xf32, #tpu.memory_space<vmem>>, vector<1x16xf32>,
      %get3A_2214 = vector.shape_cast %get3A_2213 : vector<1x16xf32> to vector<16xf32>
      %get3A_2215 = arith.index_cast %add3A_2147 : i32 to index
      %get3A_2216 = arith.constant 64 : index
      %get3A_2217 = tpu.vector_load %arg12[%get3A_2215, %get3A_2216] {strides = array<i32>} : memref<128x128xf32, #tpu.memory_space<vmem>>, vector<1x16xf32>,
      %get3A_2218 = vector.shape_cast %get3A_2217 : vector<1x16xf32> to vector<16xf32>
      %get3A_2219 = arith.index_cast %add3A_2147 : i32 to index
      %get3A_2220 = arith.constant 64 : index
      %get3A_2221 = tpu.vector_load %arg13[%get3A_2219, %get3A_2220] {strides = array<i32>} : memref<128x128xf32, #tpu.memory_space<vmem>>, vector<1x16xf32>,
      %get3A_2222 = vector.shape_cast %get3A_2221 : vector<1x16xf32> to vector<16xf32>
      %add3A_2223 = arith.addf %get3A_2214, %get3A_2218 : vector<16xf32>
      %sub3A_2224 = arith.subf %add3A_2223, %get3A_2222 : vector<16xf32>
      %mul3A_2225 = arith.mulf %sub3A_2224, %sub3A_2224 : vector<16xf32>
      %add3A_2226 = arith.addf %add3A_2210, %mul3A_2225 : vector<16xf32>
      %get3A_2227 = arith.index_cast %add3A_2147 : i32 to index
      %get3A_2228 = arith.constant 80 : index
      %get3A_2229 = tpu.vector_load %arg11[%get3A_2227, %get3A_2228] {strides = array<i32>} : memref<128x128xf32, #tpu.memory_space<vmem>>, vector<1x16xf32>,
      %get3A_2230 = vector.shape_cast %get3A_2229 : vector<1x16xf32> to vector<16xf32>
      %get3A_2231 = arith.index_cast %add3A_2147 : i32 to index
      %get3A_2232 = arith.constant 80 : index
      %get3A_2233 = tpu.vector_load %arg12[%get3A_2231, %get3A_2232] {strides = array<i32>} : memref<128x128xf32, #tpu.memory_space<vmem>>, vector<1x16xf32>,
      %get3A_2234 = vector.shape_cast %get3A_2233 : vector<1x16xf32> to vector<16xf32>
      %get3A_2235 = arith.index_cast %add3A_2147 : i32 to index
      %get3A_2236 = arith.constant 80 : index
      %get3A_2237 = tpu.vector_load %arg13[%get3A_2235, %get3A_2236] {strides = array<i32>} : memref<128x128xf32, #tpu.memory_space<vmem>>, vector<1x16xf32>,
      %get3A_2238 = vector.shape_cast %get3A_2237 : vector<1x16xf32> to vector<16xf32>
      %add3A_2239 = arith.addf %get3A_2230, %get3A_2234 : vector<16xf32>
      %sub3A_2240 = arith.subf %add3A_2239, %get3A_2238 : vector<16xf32>
      %mul3A_2241 = arith.mulf %sub3A_2240, %sub3A_2240 : vector<16xf32>
      %add3A_2242 = arith.addf %add3A_2226, %mul3A_2241 : vector<16xf32>
      %get3A_2243 = arith.index_cast %add3A_2147 : i32 to index
      %get3A_2244 = arith.constant 96 : index
      %get3A_2245 = tpu.vector_load %arg11[%get3A_2243, %get3A_2244] {strides = array<i32>} : memref<128x128xf32, #tpu.memory_space<vmem>>, vector<1x16xf32>,
      %get3A_2246 = vector.shape_cast %get3A_2245 : vector<1x16xf32> to vector<16xf32>
      %get3A_2247 = arith.index_cast %add3A_2147 : i32 to index
      %get3A_2248 = arith.constant 96 : index
      %get3A_2249 = tpu.vector_load %arg12[%get3A_2247, %get3A_2248] {strides = array<i32>} : memref<128x128xf32, #tpu.memory_space<vmem>>, vector<1x16xf32>,
      %get3A_2250 = vector.shape_cast %get3A_2249 : vector<1x16xf32> to vector<16xf32>
      %get3A_2251 = arith.index_cast %add3A_2147 : i32 to index
      %get3A_2252 = arith.constant 96 : index
      %get3A_2253 = tpu.vector_load %arg13[%get3A_2251, %get3A_2252] {strides = array<i32>} : memref<128x128xf32, #tpu.memory_space<vmem>>, vector<1x16xf32>,
      %get3A_2254 = vector.shape_cast %get3A_2253 : vector<1x16xf32> to vector<16xf32>
      %add3A_2255 = arith.addf %get3A_2246, %get3A_2250 : vector<16xf32>
      %sub3A_2256 = arith.subf %add3A_2255, %get3A_2254 : vector<16xf32>
      %mul3A_2257 = arith.mulf %sub3A_2256, %sub3A_2256 : vector<16xf32>
      %add3A_2258 = arith.addf %add3A_2242, %mul3A_2257 : vector<16xf32>
      %get3A_2259 = arith.index_cast %add3A_2147 : i32 to index
      %get3A_2260 = arith.constant 112 : index
      %get3A_2261 = tpu.vector_load %arg11[%get3A_2259, %get3A_2260] {strides = array<i32>} : memref<128x128xf32, #tpu.memory_space<vmem>>, vector<1x16xf32>,
      %get3A_2262 = vector.shape_cast %get3A_2261 : vector<1x16xf32> to vector<16xf32>
      %get3A_2263 = arith.index_cast %add3A_2147 : i32 to index
      %get3A_2264 = arith.constant 112 : index
      %get3A_2265 = tpu.vector_load %arg12[%get3A_2263, %get3A_2264] {strides = array<i32>} : memref<128x128xf32, #tpu.memory_space<vmem>>, vector<1x16xf32>,
      %get3A_2266 = vector.shape_cast %get3A_2265 : vector<1x16xf32> to vector<16xf32>
      %get3A_2267 = arith.index_cast %add3A_2147 : i32 to index
      %get3A_2268 = arith.constant 112 : index
      %get3A_2269 = tpu.vector_load %arg13[%get3A_2267, %get3A_2268] {strides = array<i32>} : memref<128x128xf32, #tpu.memory_space<vmem>>, vector<1x16xf32>,
      %get3A_2270 = vector.shape_cast %get3A_2269 : vector<1x16xf32> to vector<16xf32>
      %add3A_2271 = arith.addf %get3A_2262, %get3A_2266 : vector<16xf32>
      %sub3A_2272 = arith.subf %add3A_2271, %get3A_2270 : vector<16xf32>
      %mul3A_2273 = arith.mulf %sub3A_2272, %sub3A_2272 : vector<16xf32>
      %add3A_2274 = arith.addf %add3A_2258, %mul3A_2273 : vector<16xf32>
      %swap3A_2275 = arith.constant 14 : i32
      %swap3A_2276 = arith.index_cast %swap3A_2275 : i32 to index
      %swap3A_2277 = arith.constant 0 : index
      %swap3A_2278 = tpu.vector_load %arg15[%swap3A_2276, %swap3A_2277] {strides = array<i32>} : memref<32x32xf32, #tpu.memory_space<vmem>>, vector<1x16xf32>,
      %swap3A_2279 = vector.shape_cast %swap3A_2278 : vector<1x16xf32> to vector<16xf32>
      %swap3A_2280 = vector.shape_cast %add3A_2274 : vector<16xf32> to vector<1x16xf32>
      tpu.vector_store %arg15[%swap3A_2276, %swap3A_2277], %swap3A_2280 {strides = array<i32>} : memref<32x32xf32, #tpu.memory_space<vmem>>, vector<1x16xf32>,
      %swap3A_2281 = arith.constant 14 : i32
      %swap3A_2282 = arith.index_cast %swap3A_2281 : i32 to index
      %swap3A_2283 = arith.constant 16 : index
      %swap3A_2284 = tpu.vector_load %arg15[%swap3A_2282, %swap3A_2283] {strides = array<i32>} : memref<32x32xf32, #tpu.memory_space<vmem>>, vector<1x16xf32>,
      %swap3A_2285 = vector.shape_cast %swap3A_2284 : vector<1x16xf32> to vector<16xf32>
      %swap3A_2286 = vector.shape_cast %add3A_2274 : vector<16xf32> to vector<1x16xf32>
      tpu.vector_store %arg15[%swap3A_2282, %swap3A_2283], %swap3A_2286 {strides = array<i32>} : memref<32x32xf32, #tpu.memory_space<vmem>>, vector<1x16xf32>,
      %get3A_2287 = arith.constant 14 : i32
      %get3A_2288 = arith.index_cast %get3A_2287 : i32 to index
      %get3A_2289 = arith.constant 8 : index
      %get3A_2290 = tpu.vector_load %arg15[%get3A_2288, %get3A_2289] {strides = array<i32>} : memref<32x32xf32, #tpu.memory_space<vmem>>, vector<1x16xf32>,
      %get3A_2291 = vector.shape_cast %get3A_2290 : vector<1x16xf32> to vector<16xf32>
      %add3A_2292 = arith.addf %add3A_2274, %get3A_2291 : vector<16xf32>
      %mul3A_2293 = arith.constant 16 : i32
      %mul3A_2294 = arith.muli %scan3A_54, %mul3A_2293 : i32
      %add3A_2295 = arith.constant 15 : i32
      %add3A_2296 = arith.addi %mul3A_2294, %add3A_2295 : i32
      %get3A_2297 = arith.index_cast %add3A_2296 : i32 to index
      %get3A_2298 = arith.constant 0 : index
      %get3A_2299 = tpu.vector_load %arg11[%get3A_2297, %get3A_2298] {strides = array<i32>} : memref<128x128xf32, #tpu.memory_space<vmem>>, vector<1x16xf32>,
      %get3A_2300 = vector.shape_cast %get3A_2299 : vector<1x16xf32> to vector<16xf32>
      %get3A_2301 = arith.index_cast %add3A_2296 : i32 to index
      %get3A_2302 = arith.constant 0 : index
      %get3A_2303 = tpu.vector_load %arg12[%get3A_2301, %get3A_2302] {strides = array<i32>} : memref<128x128xf32, #tpu.memory_space<vmem>>, vector<1x16xf32>,
      %get3A_2304 = vector.shape_cast %get3A_2303 : vector<1x16xf32> to vector<16xf32>
      %get3A_2305 = arith.index_cast %add3A_2296 : i32 to index
      %get3A_2306 = arith.constant 0 : index
      %get3A_2307 = tpu.vector_load %arg13[%get3A_2305, %get3A_2306] {strides = array<i32>} : memref<128x128xf32, #tpu.memory_space<vmem>>, vector<1x16xf32>,
      %get3A_2308 = vector.shape_cast %get3A_2307 : vector<1x16xf32> to vector<16xf32>
      %add3A_2309 = arith.addf %get3A_2300, %get3A_2304 : vector<16xf32>
      %sub3A_2310 = arith.subf %add3A_2309, %get3A_2308 : vector<16xf32>
      %mul3A_2311 = arith.mulf %sub3A_2310, %sub3A_2310 : vector<16xf32>
      %get3A_2312 = arith.index_cast %add3A_2296 : i32 to index
      %get3A_2313 = arith.constant 16 : index
      %get3A_2314 = tpu.vector_load %arg11[%get3A_2312, %get3A_2313] {strides = array<i32>} : memref<128x128xf32, #tpu.memory_space<vmem>>, vector<1x16xf32>,
      %get3A_2315 = vector.shape_cast %get3A_2314 : vector<1x16xf32> to vector<16xf32>
      %get3A_2316 = arith.index_cast %add3A_2296 : i32 to index
      %get3A_2317 = arith.constant 16 : index
      %get3A_2318 = tpu.vector_load %arg12[%get3A_2316, %get3A_2317] {strides = array<i32>} : memref<128x128xf32, #tpu.memory_space<vmem>>, vector<1x16xf32>,
      %get3A_2319 = vector.shape_cast %get3A_2318 : vector<1x16xf32> to vector<16xf32>
      %get3A_2320 = arith.index_cast %add3A_2296 : i32 to index
      %get3A_2321 = arith.constant 16 : index
      %get3A_2322 = tpu.vector_load %arg13[%get3A_2320, %get3A_2321] {strides = array<i32>} : memref<128x128xf32, #tpu.memory_space<vmem>>, vector<1x16xf32>,
      %get3A_2323 = vector.shape_cast %get3A_2322 : vector<1x16xf32> to vector<16xf32>
      %add3A_2324 = arith.addf %get3A_2315, %get3A_2319 : vector<16xf32>
      %sub3A_2325 = arith.subf %add3A_2324, %get3A_2323 : vector<16xf32>
      %mul3A_2326 = arith.mulf %sub3A_2325, %sub3A_2325 : vector<16xf32>
      %add3A_2327 = arith.addf %mul3A_2311, %mul3A_2326 : vector<16xf32>
      %get3A_2328 = arith.index_cast %add3A_2296 : i32 to index
      %get3A_2329 = arith.constant 32 : index
      %get3A_2330 = tpu.vector_load %arg11[%get3A_2328, %get3A_2329] {strides = array<i32>} : memref<128x128xf32, #tpu.memory_space<vmem>>, vector<1x16xf32>,
      %get3A_2331 = vector.shape_cast %get3A_2330 : vector<1x16xf32> to vector<16xf32>
      %get3A_2332 = arith.index_cast %add3A_2296 : i32 to index
      %get3A_2333 = arith.constant 32 : index
      %get3A_2334 = tpu.vector_load %arg12[%get3A_2332, %get3A_2333] {strides = array<i32>} : memref<128x128xf32, #tpu.memory_space<vmem>>, vector<1x16xf32>,
      %get3A_2335 = vector.shape_cast %get3A_2334 : vector<1x16xf32> to vector<16xf32>
      %get3A_2336 = arith.index_cast %add3A_2296 : i32 to index
      %get3A_2337 = arith.constant 32 : index
      %get3A_2338 = tpu.vector_load %arg13[%get3A_2336, %get3A_2337] {strides = array<i32>} : memref<128x128xf32, #tpu.memory_space<vmem>>, vector<1x16xf32>,
      %get3A_2339 = vector.shape_cast %get3A_2338 : vector<1x16xf32> to vector<16xf32>
      %add3A_2340 = arith.addf %get3A_2331, %get3A_2335 : vector<16xf32>
      %sub3A_2341 = arith.subf %add3A_2340, %get3A_2339 : vector<16xf32>
      %mul3A_2342 = arith.mulf %sub3A_2341, %sub3A_2341 : vector<16xf32>
      %add3A_2343 = arith.addf %add3A_2327, %mul3A_2342 : vector<16xf32>
      %get3A_2344 = arith.index_cast %add3A_2296 : i32 to index
      %get3A_2345 = arith.constant 48 : index
      %get3A_2346 = tpu.vector_load %arg11[%get3A_2344, %get3A_2345] {strides = array<i32>} : memref<128x128xf32, #tpu.memory_space<vmem>>, vector<1x16xf32>,
      %get3A_2347 = vector.shape_cast %get3A_2346 : vector<1x16xf32> to vector<16xf32>
      %get3A_2348 = arith.index_cast %add3A_2296 : i32 to index
      %get3A_2349 = arith.constant 48 : index
      %get3A_2350 = tpu.vector_load %arg12[%get3A_2348, %get3A_2349] {strides = array<i32>} : memref<128x128xf32, #tpu.memory_space<vmem>>, vector<1x16xf32>,
      %get3A_2351 = vector.shape_cast %get3A_2350 : vector<1x16xf32> to vector<16xf32>
      %get3A_2352 = arith.index_cast %add3A_2296 : i32 to index
      %get3A_2353 = arith.constant 48 : index
      %get3A_2354 = tpu.vector_load %arg13[%get3A_2352, %get3A_2353] {strides = array<i32>} : memref<128x128xf32, #tpu.memory_space<vmem>>, vector<1x16xf32>,
      %get3A_2355 = vector.shape_cast %get3A_2354 : vector<1x16xf32> to vector<16xf32>
      %add3A_2356 = arith.addf %get3A_2347, %get3A_2351 : vector<16xf32>
      %sub3A_2357 = arith.subf %add3A_2356, %get3A_2355 : vector<16xf32>
      %mul3A_2358 = arith.mulf %sub3A_2357, %sub3A_2357 : vector<16xf32>
      %add3A_2359 = arith.addf %add3A_2343, %mul3A_2358 : vector<16xf32>
      %get3A_2360 = arith.index_cast %add3A_2296 : i32 to index
      %get3A_2361 = arith.constant 64 : index
      %get3A_2362 = tpu.vector_load %arg11[%get3A_2360, %get3A_2361] {strides = array<i32>} : memref<128x128xf32, #tpu.memory_space<vmem>>, vector<1x16xf32>,
      %get3A_2363 = vector.shape_cast %get3A_2362 : vector<1x16xf32> to vector<16xf32>
      %get3A_2364 = arith.index_cast %add3A_2296 : i32 to index
      %get3A_2365 = arith.constant 64 : index
      %get3A_2366 = tpu.vector_load %arg12[%get3A_2364, %get3A_2365] {strides = array<i32>} : memref<128x128xf32, #tpu.memory_space<vmem>>, vector<1x16xf32>,
      %get3A_2367 = vector.shape_cast %get3A_2366 : vector<1x16xf32> to vector<16xf32>
      %get3A_2368 = arith.index_cast %add3A_2296 : i32 to index
      %get3A_2369 = arith.constant 64 : index
      %get3A_2370 = tpu.vector_load %arg13[%get3A_2368, %get3A_2369] {strides = array<i32>} : memref<128x128xf32, #tpu.memory_space<vmem>>, vector<1x16xf32>,
      %get3A_2371 = vector.shape_cast %get3A_2370 : vector<1x16xf32> to vector<16xf32>
      %add3A_2372 = arith.addf %get3A_2363, %get3A_2367 : vector<16xf32>
      %sub3A_2373 = arith.subf %add3A_2372, %get3A_2371 : vector<16xf32>
      %mul3A_2374 = arith.mulf %sub3A_2373, %sub3A_2373 : vector<16xf32>
      %add3A_2375 = arith.addf %add3A_2359, %mul3A_2374 : vector<16xf32>
      %get3A_2376 = arith.index_cast %add3A_2296 : i32 to index
      %get3A_2377 = arith.constant 80 : index
      %get3A_2378 = tpu.vector_load %arg11[%get3A_2376, %get3A_2377] {strides = array<i32>} : memref<128x128xf32, #tpu.memory_space<vmem>>, vector<1x16xf32>,
      %get3A_2379 = vector.shape_cast %get3A_2378 : vector<1x16xf32> to vector<16xf32>
      %get3A_2380 = arith.index_cast %add3A_2296 : i32 to index
      %get3A_2381 = arith.constant 80 : index
      %get3A_2382 = tpu.vector_load %arg12[%get3A_2380, %get3A_2381] {strides = array<i32>} : memref<128x128xf32, #tpu.memory_space<vmem>>, vector<1x16xf32>,
      %get3A_2383 = vector.shape_cast %get3A_2382 : vector<1x16xf32> to vector<16xf32>
      %get3A_2384 = arith.index_cast %add3A_2296 : i32 to index
      %get3A_2385 = arith.constant 80 : index
      %get3A_2386 = tpu.vector_load %arg13[%get3A_2384, %get3A_2385] {strides = array<i32>} : memref<128x128xf32, #tpu.memory_space<vmem>>, vector<1x16xf32>,
      %get3A_2387 = vector.shape_cast %get3A_2386 : vector<1x16xf32> to vector<16xf32>
      %add3A_2388 = arith.addf %get3A_2379, %get3A_2383 : vector<16xf32>
      %sub3A_2389 = arith.subf %add3A_2388, %get3A_2387 : vector<16xf32>
      %mul3A_2390 = arith.mulf %sub3A_2389, %sub3A_2389 : vector<16xf32>
      %add3A_2391 = arith.addf %add3A_2375, %mul3A_2390 : vector<16xf32>
      %get3A_2392 = arith.index_cast %add3A_2296 : i32 to index
      %get3A_2393 = arith.constant 96 : index
      %get3A_2394 = tpu.vector_load %arg11[%get3A_2392, %get3A_2393] {strides = array<i32>} : memref<128x128xf32, #tpu.memory_space<vmem>>, vector<1x16xf32>,
      %get3A_2395 = vector.shape_cast %get3A_2394 : vector<1x16xf32> to vector<16xf32>
      %get3A_2396 = arith.index_cast %add3A_2296 : i32 to index
      %get3A_2397 = arith.constant 96 : index
      %get3A_2398 = tpu.vector_load %arg12[%get3A_2396, %get3A_2397] {strides = array<i32>} : memref<128x128xf32, #tpu.memory_space<vmem>>, vector<1x16xf32>,
      %get3A_2399 = vector.shape_cast %get3A_2398 : vector<1x16xf32> to vector<16xf32>
      %get3A_2400 = arith.index_cast %add3A_2296 : i32 to index
      %get3A_2401 = arith.constant 96 : index
      %get3A_2402 = tpu.vector_load %arg13[%get3A_2400, %get3A_2401] {strides = array<i32>} : memref<128x128xf32, #tpu.memory_space<vmem>>, vector<1x16xf32>,
      %get3A_2403 = vector.shape_cast %get3A_2402 : vector<1x16xf32> to vector<16xf32>
      %add3A_2404 = arith.addf %get3A_2395, %get3A_2399 : vector<16xf32>
      %sub3A_2405 = arith.subf %add3A_2404, %get3A_2403 : vector<16xf32>
      %mul3A_2406 = arith.mulf %sub3A_2405, %sub3A_2405 : vector<16xf32>
      %add3A_2407 = arith.addf %add3A_2391, %mul3A_2406 : vector<16xf32>
      %get3A_2408 = arith.index_cast %add3A_2296 : i32 to index
      %get3A_2409 = arith.constant 112 : index
      %get3A_2410 = tpu.vector_load %arg11[%get3A_2408, %get3A_2409] {strides = array<i32>} : memref<128x128xf32, #tpu.memory_space<vmem>>, vector<1x16xf32>,
      %get3A_2411 = vector.shape_cast %get3A_2410 : vector<1x16xf32> to vector<16xf32>
      %get3A_2412 = arith.index_cast %add3A_2296 : i32 to index
      %get3A_2413 = arith.constant 112 : index
      %get3A_2414 = tpu.vector_load %arg12[%get3A_2412, %get3A_2413] {strides = array<i32>} : memref<128x128xf32, #tpu.memory_space<vmem>>, vector<1x16xf32>,
      %get3A_2415 = vector.shape_cast %get3A_2414 : vector<1x16xf32> to vector<16xf32>
      %get3A_2416 = arith.index_cast %add3A_2296 : i32 to index
      %get3A_2417 = arith.constant 112 : index
      %get3A_2418 = tpu.vector_load %arg13[%get3A_2416, %get3A_2417] {strides = array<i32>} : memref<128x128xf32, #tpu.memory_space<vmem>>, vector<1x16xf32>,
      %get3A_2419 = vector.shape_cast %get3A_2418 : vector<1x16xf32> to vector<16xf32>
      %add3A_2420 = arith.addf %get3A_2411, %get3A_2415 : vector<16xf32>
      %sub3A_2421 = arith.subf %add3A_2420, %get3A_2419 : vector<16xf32>
      %mul3A_2422 = arith.mulf %sub3A_2421, %sub3A_2421 : vector<16xf32>
      %add3A_2423 = arith.addf %add3A_2407, %mul3A_2422 : vector<16xf32>
      %swap3A_2424 = arith.constant 15 : i32
      %swap3A_2425 = arith.index_cast %swap3A_2424 : i32 to index
      %swap3A_2426 = arith.constant 0 : index
      %swap3A_2427 = tpu.vector_load %arg15[%swap3A_2425, %swap3A_2426] {strides = array<i32>} : memref<32x32xf32, #tpu.memory_space<vmem>>, vector<1x16xf32>,
      %swap3A_2428 = vector.shape_cast %swap3A_2427 : vector<1x16xf32> to vector<16xf32>
      %swap3A_2429 = vector.shape_cast %add3A_2423 : vector<16xf32> to vector<1x16xf32>
      tpu.vector_store %arg15[%swap3A_2425, %swap3A_2426], %swap3A_2429 {strides = array<i32>} : memref<32x32xf32, #tpu.memory_space<vmem>>, vector<1x16xf32>,
      %swap3A_2430 = arith.constant 15 : i32
      %swap3A_2431 = arith.index_cast %swap3A_2430 : i32 to index
      %swap3A_2432 = arith.constant 16 : index
      %swap3A_2433 = tpu.vector_load %arg15[%swap3A_2431, %swap3A_2432] {strides = array<i32>} : memref<32x32xf32, #tpu.memory_space<vmem>>, vector<1x16xf32>,
      %swap3A_2434 = vector.shape_cast %swap3A_2433 : vector<1x16xf32> to vector<16xf32>
      %swap3A_2435 = vector.shape_cast %add3A_2423 : vector<16xf32> to vector<1x16xf32>
      tpu.vector_store %arg15[%swap3A_2431, %swap3A_2432], %swap3A_2435 {strides = array<i32>} : memref<32x32xf32, #tpu.memory_space<vmem>>, vector<1x16xf32>,
      %get3A_2436 = arith.constant 15 : i32
      %get3A_2437 = arith.index_cast %get3A_2436 : i32 to index
      %get3A_2438 = arith.constant 8 : index
      %get3A_2439 = tpu.vector_load %arg15[%get3A_2437, %get3A_2438] {strides = array<i32>} : memref<32x32xf32, #tpu.memory_space<vmem>>, vector<1x16xf32>,
      %get3A_2440 = vector.shape_cast %get3A_2439 : vector<1x16xf32> to vector<16xf32>
      %add3A_2441 = arith.addf %add3A_2423, %get3A_2440 : vector<16xf32>
      %select_n3A_2442 = arith.select %lt3A_23, %add3A_2292, %add3A_2441 : vector<16xi1>, vector<16xf32>
      %swap3A_2443 = arith.constant 16 : i32
      %swap3A_2444 = arith.index_cast %swap3A_2443 : i32 to index
      %swap3A_2445 = arith.constant 0 : index
      %swap3A_2446 = tpu.vector_load %arg15[%swap3A_2444, %swap3A_2445] {strides = array<i32>} : memref<32x32xf32, #tpu.memory_space<vmem>>, vector<1x16xf32>,
      %swap3A_2447 = vector.shape_cast %swap3A_2446 : vector<1x16xf32> to vector<16xf32>
      %swap3A_2448 = vector.shape_cast %select_n3A : vector<16xf32> to vector<1x16xf32>
      tpu.vector_store %arg15[%swap3A_2444, %swap3A_2445], %swap3A_2448 {strides = array<i32>} : memref<32x32xf32, #tpu.memory_space<vmem>>, vector<1x16xf32>,
      %swap3A_2449 = arith.constant 16 : i32
      %swap3A_2450 = arith.index_cast %swap3A_2449 : i32 to index
      %swap3A_2451 = arith.constant 16 : index
      %swap3A_2452 = tpu.vector_load %arg15[%swap3A_2450, %swap3A_2451] {strides = array<i32>} : memref<32x32xf32, #tpu.memory_space<vmem>>, vector<1x16xf32>,
      %swap3A_2453 = vector.shape_cast %swap3A_2452 : vector<1x16xf32> to vector<16xf32>
      %swap3A_2454 = vector.shape_cast %select_n3A : vector<16xf32> to vector<1x16xf32>
      tpu.vector_store %arg15[%swap3A_2450, %swap3A_2451], %swap3A_2454 {strides = array<i32>} : memref<32x32xf32, #tpu.memory_space<vmem>>, vector<1x16xf32>,
      %get3A_2455 = arith.constant 16 : i32
      %get3A_2456 = arith.index_cast %get3A_2455 : i32 to index
      %get3A_2457 = arith.constant 4 : index
      %get3A_2458 = tpu.vector_load %arg15[%get3A_2456, %get3A_2457] {strides = array<i32>} : memref<32x32xf32, #tpu.memory_space<vmem>>, vector<1x16xf32>,
      %get3A_2459 = vector.shape_cast %get3A_2458 : vector<1x16xf32> to vector<16xf32>
      %add3A_2460 = arith.addf %select_n3A, %get3A_2459 : vector<16xf32>
      %swap3A_2461 = arith.constant 17 : i32
      %swap3A_2462 = arith.index_cast %swap3A_2461 : i32 to index
      %swap3A_2463 = arith.constant 0 : index
      %swap3A_2464 = tpu.vector_load %arg15[%swap3A_2462, %swap3A_2463] {strides = array<i32>} : memref<32x32xf32, #tpu.memory_space<vmem>>, vector<1x16xf32>,
      %swap3A_2465 = vector.shape_cast %swap3A_2464 : vector<1x16xf32> to vector<16xf32>
      %swap3A_2466 = vector.shape_cast %select_n3A_648 : vector<16xf32> to vector<1x16xf32>
      tpu.vector_store %arg15[%swap3A_2462, %swap3A_2463], %swap3A_2466 {strides = array<i32>} : memref<32x32xf32, #tpu.memory_space<vmem>>, vector<1x16xf32>,
      %swap3A_2467 = arith.constant 17 : i32
      %swap3A_2468 = arith.index_cast %swap3A_2467 : i32 to index
      %swap3A_2469 = arith.constant 16 : index
      %swap3A_2470 = tpu.vector_load %arg15[%swap3A_2468, %swap3A_2469] {strides = array<i32>} : memref<32x32xf32, #tpu.memory_space<vmem>>, vector<1x16xf32>,
      %swap3A_2471 = vector.shape_cast %swap3A_2470 : vector<1x16xf32> to vector<16xf32>
      %swap3A_2472 = vector.shape_cast %select_n3A_648 : vector<16xf32> to vector<1x16xf32>
      tpu.vector_store %arg15[%swap3A_2468, %swap3A_2469], %swap3A_2472 {strides = array<i32>} : memref<32x32xf32, #tpu.memory_space<vmem>>, vector<1x16xf32>,
      %get3A_2473 = arith.constant 17 : i32
      %get3A_2474 = arith.index_cast %get3A_2473 : i32 to index
      %get3A_2475 = arith.constant 12 : index
      %get3A_2476 = tpu.vector_load %arg15[%get3A_2474, %get3A_2475] {strides = array<i32>} : memref<32x32xf32, #tpu.memory_space<vmem>>, vector<1x16xf32>,
      %get3A_2477 = vector.shape_cast %get3A_2476 : vector<1x16xf32> to vector<16xf32>
      %add3A_2478 = arith.addf %select_n3A_648, %get3A_2477 : vector<16xf32>
      %select_n3A_2479 = arith.select %eq3A_27, %add3A_2460, %add3A_2478 : vector<16xi1>, vector<16xf32>
      %swap3A_2480 = arith.constant 18 : i32
      %swap3A_2481 = arith.index_cast %swap3A_2480 : i32 to index
      %swap3A_2482 = arith.constant 0 : index
      %swap3A_2483 = tpu.vector_load %arg15[%swap3A_2481, %swap3A_2482] {strides = array<i32>} : memref<32x32xf32, #tpu.memory_space<vmem>>, vector<1x16xf32>,
      %swap3A_2484 = vector.shape_cast %swap3A_2483 : vector<1x16xf32> to vector<16xf32>
      %swap3A_2485 = vector.shape_cast %select_n3A_947 : vector<16xf32> to vector<1x16xf32>
      tpu.vector_store %arg15[%swap3A_2481, %swap3A_2482], %swap3A_2485 {strides = array<i32>} : memref<32x32xf32, #tpu.memory_space<vmem>>, vector<1x16xf32>,
      %swap3A_2486 = arith.constant 18 : i32
      %swap3A_2487 = arith.index_cast %swap3A_2486 : i32 to index
      %swap3A_2488 = arith.constant 16 : index
      %swap3A_2489 = tpu.vector_load %arg15[%swap3A_2487, %swap3A_2488] {strides = array<i32>} : memref<32x32xf32, #tpu.memory_space<vmem>>, vector<1x16xf32>,
      %swap3A_2490 = vector.shape_cast %swap3A_2489 : vector<1x16xf32> to vector<16xf32>
      %swap3A_2491 = vector.shape_cast %select_n3A_947 : vector<16xf32> to vector<1x16xf32>
      tpu.vector_store %arg15[%swap3A_2487, %swap3A_2488], %swap3A_2491 {strides = array<i32>} : memref<32x32xf32, #tpu.memory_space<vmem>>, vector<1x16xf32>,
      %get3A_2492 = arith.constant 18 : i32
      %get3A_2493 = arith.index_cast %get3A_2492 : i32 to index
      %get3A_2494 = arith.constant 4 : index
      %get3A_2495 = tpu.vector_load %arg15[%get3A_2493, %get3A_2494] {strides = array<i32>} : memref<32x32xf32, #tpu.memory_space<vmem>>, vector<1x16xf32>,
      %get3A_2496 = vector.shape_cast %get3A_2495 : vector<1x16xf32> to vector<16xf32>
      %add3A_2497 = arith.addf %select_n3A_947, %get3A_2496 : vector<16xf32>
      %swap3A_2498 = arith.constant 19 : i32
      %swap3A_2499 = arith.index_cast %swap3A_2498 : i32 to index
      %swap3A_2500 = arith.constant 0 : index
      %swap3A_2501 = tpu.vector_load %arg15[%swap3A_2499, %swap3A_2500] {strides = array<i32>} : memref<32x32xf32, #tpu.memory_space<vmem>>, vector<1x16xf32>,
      %swap3A_2502 = vector.shape_cast %swap3A_2501 : vector<1x16xf32> to vector<16xf32>
      %swap3A_2503 = vector.shape_cast %select_n3A_1246 : vector<16xf32> to vector<1x16xf32>
      tpu.vector_store %arg15[%swap3A_2499, %swap3A_2500], %swap3A_2503 {strides = array<i32>} : memref<32x32xf32, #tpu.memory_space<vmem>>, vector<1x16xf32>,
      %swap3A_2504 = arith.constant 19 : i32
      %swap3A_2505 = arith.index_cast %swap3A_2504 : i32 to index
      %swap3A_2506 = arith.constant 16 : index
      %swap3A_2507 = tpu.vector_load %arg15[%swap3A_2505, %swap3A_2506] {strides = array<i32>} : memref<32x32xf32, #tpu.memory_space<vmem>>, vector<1x16xf32>,
      %swap3A_2508 = vector.shape_cast %swap3A_2507 : vector<1x16xf32> to vector<16xf32>
      %swap3A_2509 = vector.shape_cast %select_n3A_1246 : vector<16xf32> to vector<1x16xf32>
      tpu.vector_store %arg15[%swap3A_2505, %swap3A_2506], %swap3A_2509 {strides = array<i32>} : memref<32x32xf32, #tpu.memory_space<vmem>>, vector<1x16xf32>,
      %get3A_2510 = arith.constant 19 : i32
      %get3A_2511 = arith.index_cast %get3A_2510 : i32 to index
      %get3A_2512 = arith.constant 12 : index
      %get3A_2513 = tpu.vector_load %arg15[%get3A_2511, %get3A_2512] {strides = array<i32>} : memref<32x32xf32, #tpu.memory_space<vmem>>, vector<1x16xf32>,
      %get3A_2514 = vector.shape_cast %get3A_2513 : vector<1x16xf32> to vector<16xf32>
      %add3A_2515 = arith.addf %select_n3A_1246, %get3A_2514 : vector<16xf32>
      %select_n3A_2516 = arith.select %eq3A_27, %add3A_2497, %add3A_2515 : vector<16xi1>, vector<16xf32>
      %swap3A_2517 = arith.constant 20 : i32
      %swap3A_2518 = arith.index_cast %swap3A_2517 : i32 to index
      %swap3A_2519 = arith.constant 0 : index
      %swap3A_2520 = tpu.vector_load %arg15[%swap3A_2518, %swap3A_2519] {strides = array<i32>} : memref<32x32xf32, #tpu.memory_space<vmem>>, vector<1x16xf32>,
      %swap3A_2521 = vector.shape_cast %swap3A_2520 : vector<1x16xf32> to vector<16xf32>
      %swap3A_2522 = vector.shape_cast %select_n3A_1545 : vector<16xf32> to vector<1x16xf32>
      tpu.vector_store %arg15[%swap3A_2518, %swap3A_2519], %swap3A_2522 {strides = array<i32>} : memref<32x32xf32, #tpu.memory_space<vmem>>, vector<1x16xf32>,
      %swap3A_2523 = arith.constant 20 : i32
      %swap3A_2524 = arith.index_cast %swap3A_2523 : i32 to index
      %swap3A_2525 = arith.constant 16 : index
      %swap3A_2526 = tpu.vector_load %arg15[%swap3A_2524, %swap3A_2525] {strides = array<i32>} : memref<32x32xf32, #tpu.memory_space<vmem>>, vector<1x16xf32>,
      %swap3A_2527 = vector.shape_cast %swap3A_2526 : vector<1x16xf32> to vector<16xf32>
      %swap3A_2528 = vector.shape_cast %select_n3A_1545 : vector<16xf32> to vector<1x16xf32>
      tpu.vector_store %arg15[%swap3A_2524, %swap3A_2525], %swap3A_2528 {strides = array<i32>} : memref<32x32xf32, #tpu.memory_space<vmem>>, vector<1x16xf32>,
      %get3A_2529 = arith.constant 20 : i32
      %get3A_2530 = arith.index_cast %get3A_2529 : i32 to index
      %get3A_2531 = arith.constant 4 : index
      %get3A_2532 = tpu.vector_load %arg15[%get3A_2530, %get3A_2531] {strides = array<i32>} : memref<32x32xf32, #tpu.memory_space<vmem>>, vector<1x16xf32>,
      %get3A_2533 = vector.shape_cast %get3A_2532 : vector<1x16xf32> to vector<16xf32>
      %add3A_2534 = arith.addf %select_n3A_1545, %get3A_2533 : vector<16xf32>
      %swap3A_2535 = arith.constant 21 : i32
      %swap3A_2536 = arith.index_cast %swap3A_2535 : i32 to index
      %swap3A_2537 = arith.constant 0 : index
      %swap3A_2538 = tpu.vector_load %arg15[%swap3A_2536, %swap3A_2537] {strides = array<i32>} : memref<32x32xf32, #tpu.memory_space<vmem>>, vector<1x16xf32>,
      %swap3A_2539 = vector.shape_cast %swap3A_2538 : vector<1x16xf32> to vector<16xf32>
      %swap3A_2540 = vector.shape_cast %select_n3A_1844 : vector<16xf32> to vector<1x16xf32>
      tpu.vector_store %arg15[%swap3A_2536, %swap3A_2537], %swap3A_2540 {strides = array<i32>} : memref<32x32xf32, #tpu.memory_space<vmem>>, vector<1x16xf32>,
      %swap3A_2541 = arith.constant 21 : i32
      %swap3A_2542 = arith.index_cast %swap3A_2541 : i32 to index
      %swap3A_2543 = arith.constant 16 : index
      %swap3A_2544 = tpu.vector_load %arg15[%swap3A_2542, %swap3A_2543] {strides = array<i32>} : memref<32x32xf32, #tpu.memory_space<vmem>>, vector<1x16xf32>,
      %swap3A_2545 = vector.shape_cast %swap3A_2544 : vector<1x16xf32> to vector<16xf32>
      %swap3A_2546 = vector.shape_cast %select_n3A_1844 : vector<16xf32> to vector<1x16xf32>
      tpu.vector_store %arg15[%swap3A_2542, %swap3A_2543], %swap3A_2546 {strides = array<i32>} : memref<32x32xf32, #tpu.memory_space<vmem>>, vector<1x16xf32>,
      %get3A_2547 = arith.constant 21 : i32
      %get3A_2548 = arith.index_cast %get3A_2547 : i32 to index
      %get3A_2549 = arith.constant 12 : index
      %get3A_2550 = tpu.vector_load %arg15[%get3A_2548, %get3A_2549] {strides = array<i32>} : memref<32x32xf32, #tpu.memory_space<vmem>>, vector<1x16xf32>,
      %get3A_2551 = vector.shape_cast %get3A_2550 : vector<1x16xf32> to vector<16xf32>
      %add3A_2552 = arith.addf %select_n3A_1844, %get3A_2551 : vector<16xf32>
      %select_n3A_2553 = arith.select %eq3A_27, %add3A_2534, %add3A_2552 : vector<16xi1>, vector<16xf32>
      %swap3A_2554 = arith.constant 22 : i32
      %swap3A_2555 = arith.index_cast %swap3A_2554 : i32 to index
      %swap3A_2556 = arith.constant 0 : index
      %swap3A_2557 = tpu.vector_load %arg15[%swap3A_2555, %swap3A_2556] {strides = array<i32>} : memref<32x32xf32, #tpu.memory_space<vmem>>, vector<1x16xf32>,
      %swap3A_2558 = vector.shape_cast %swap3A_2557 : vector<1x16xf32> to vector<16xf32>
      %swap3A_2559 = vector.shape_cast %select_n3A_2143 : vector<16xf32> to vector<1x16xf32>
      tpu.vector_store %arg15[%swap3A_2555, %swap3A_2556], %swap3A_2559 {strides = array<i32>} : memref<32x32xf32, #tpu.memory_space<vmem>>, vector<1x16xf32>,
      %swap3A_2560 = arith.constant 22 : i32
      %swap3A_2561 = arith.index_cast %swap3A_2560 : i32 to index
      %swap3A_2562 = arith.constant 16 : index
      %swap3A_2563 = tpu.vector_load %arg15[%swap3A_2561, %swap3A_2562] {strides = array<i32>} : memref<32x32xf32, #tpu.memory_space<vmem>>, vector<1x16xf32>,
      %swap3A_2564 = vector.shape_cast %swap3A_2563 : vector<1x16xf32> to vector<16xf32>
      %swap3A_2565 = vector.shape_cast %select_n3A_2143 : vector<16xf32> to vector<1x16xf32>
      tpu.vector_store %arg15[%swap3A_2561, %swap3A_2562], %swap3A_2565 {strides = array<i32>} : memref<32x32xf32, #tpu.memory_space<vmem>>, vector<1x16xf32>,
      %get3A_2566 = arith.constant 22 : i32
      %get3A_2567 = arith.index_cast %get3A_2566 : i32 to index
      %get3A_2568 = arith.constant 4 : index
      %get3A_2569 = tpu.vector_load %arg15[%get3A_2567, %get3A_2568] {strides = array<i32>} : memref<32x32xf32, #tpu.memory_space<vmem>>, vector<1x16xf32>,
      %get3A_2570 = vector.shape_cast %get3A_2569 : vector<1x16xf32> to vector<16xf32>
      %add3A_2571 = arith.addf %select_n3A_2143, %get3A_2570 : vector<16xf32>
      %swap3A_2572 = arith.constant 23 : i32
      %swap3A_2573 = arith.index_cast %swap3A_2572 : i32 to index
      %swap3A_2574 = arith.constant 0 : index
      %swap3A_2575 = tpu.vector_load %arg15[%swap3A_2573, %swap3A_2574] {strides = array<i32>} : memref<32x32xf32, #tpu.memory_space<vmem>>, vector<1x16xf32>,
      %swap3A_2576 = vector.shape_cast %swap3A_2575 : vector<1x16xf32> to vector<16xf32>
      %swap3A_2577 = vector.shape_cast %select_n3A_2442 : vector<16xf32> to vector<1x16xf32>
      tpu.vector_store %arg15[%swap3A_2573, %swap3A_2574], %swap3A_2577 {strides = array<i32>} : memref<32x32xf32, #tpu.memory_space<vmem>>, vector<1x16xf32>,
      %swap3A_2578 = arith.constant 23 : i32
      %swap3A_2579 = arith.index_cast %swap3A_2578 : i32 to index
      %swap3A_2580 = arith.constant 16 : index
      %swap3A_2581 = tpu.vector_load %arg15[%swap3A_2579, %swap3A_2580] {strides = array<i32>} : memref<32x32xf32, #tpu.memory_space<vmem>>, vector<1x16xf32>,
      %swap3A_2582 = vector.shape_cast %swap3A_2581 : vector<1x16xf32> to vector<16xf32>
      %swap3A_2583 = vector.shape_cast %select_n3A_2442 : vector<16xf32> to vector<1x16xf32>
      tpu.vector_store %arg15[%swap3A_2579, %swap3A_2580], %swap3A_2583 {strides = array<i32>} : memref<32x32xf32, #tpu.memory_space<vmem>>, vector<1x16xf32>,
      %get3A_2584 = arith.constant 23 : i32
      %get3A_2585 = arith.index_cast %get3A_2584 : i32 to index
      %get3A_2586 = arith.constant 12 : index
      %get3A_2587 = tpu.vector_load %arg15[%get3A_2585, %get3A_2586] {strides = array<i32>} : memref<32x32xf32, #tpu.memory_space<vmem>>, vector<1x16xf32>,
      %get3A_2588 = vector.shape_cast %get3A_2587 : vector<1x16xf32> to vector<16xf32>
      %add3A_2589 = arith.addf %select_n3A_2442, %get3A_2588 : vector<16xf32>
      %select_n3A_2590 = arith.select %eq3A_27, %add3A_2571, %add3A_2589 : vector<16xi1>, vector<16xf32>
      %swap3A_2591 = arith.constant 24 : i32
      %swap3A_2592 = arith.index_cast %swap3A_2591 : i32 to index
      %swap3A_2593 = arith.constant 0 : index
      %swap3A_2594 = tpu.vector_load %arg15[%swap3A_2592, %swap3A_2593] {strides = array<i32>} : memref<32x32xf32, #tpu.memory_space<vmem>>, vector<1x16xf32>,
      %swap3A_2595 = vector.shape_cast %swap3A_2594 : vector<1x16xf32> to vector<16xf32>
      %swap3A_2596 = vector.shape_cast %select_n3A_2479 : vector<16xf32> to vector<1x16xf32>
      tpu.vector_store %arg15[%swap3A_2592, %swap3A_2593], %swap3A_2596 {strides = array<i32>} : memref<32x32xf32, #tpu.memory_space<vmem>>, vector<1x16xf32>,
      %swap3A_2597 = arith.constant 24 : i32
      %swap3A_2598 = arith.index_cast %swap3A_2597 : i32 to index
      %swap3A_2599 = arith.constant 16 : index
      %swap3A_2600 = tpu.vector_load %arg15[%swap3A_2598, %swap3A_2599] {strides = array<i32>} : memref<32x32xf32, #tpu.memory_space<vmem>>, vector<1x16xf32>,
      %swap3A_2601 = vector.shape_cast %swap3A_2600 : vector<1x16xf32> to vector<16xf32>
      %swap3A_2602 = vector.shape_cast %select_n3A_2479 : vector<16xf32> to vector<1x16xf32>
      tpu.vector_store %arg15[%swap3A_2598, %swap3A_2599], %swap3A_2602 {strides = array<i32>} : memref<32x32xf32, #tpu.memory_space<vmem>>, vector<1x16xf32>,
      %get3A_2603 = arith.constant 24 : i32
      %get3A_2604 = arith.index_cast %get3A_2603 : i32 to index
      %get3A_2605 = arith.constant 2 : index
      %get3A_2606 = tpu.vector_load %arg15[%get3A_2604, %get3A_2605] {strides = array<i32>} : memref<32x32xf32, #tpu.memory_space<vmem>>, vector<1x16xf32>,
      %get3A_2607 = vector.shape_cast %get3A_2606 : vector<1x16xf32> to vector<16xf32>
      %add3A_2608 = arith.addf %select_n3A_2479, %get3A_2607 : vector<16xf32>
      %swap3A_2609 = arith.constant 25 : i32
      %swap3A_2610 = arith.index_cast %swap3A_2609 : i32 to index
      %swap3A_2611 = arith.constant 0 : index
      %swap3A_2612 = tpu.vector_load %arg15[%swap3A_2610, %swap3A_2611] {strides = array<i32>} : memref<32x32xf32, #tpu.memory_space<vmem>>, vector<1x16xf32>,
      %swap3A_2613 = vector.shape_cast %swap3A_2612 : vector<1x16xf32> to vector<16xf32>
      %swap3A_2614 = vector.shape_cast %select_n3A_2516 : vector<16xf32> to vector<1x16xf32>
      tpu.vector_store %arg15[%swap3A_2610, %swap3A_2611], %swap3A_2614 {strides = array<i32>} : memref<32x32xf32, #tpu.memory_space<vmem>>, vector<1x16xf32>,
      %swap3A_2615 = arith.constant 25 : i32
      %swap3A_2616 = arith.index_cast %swap3A_2615 : i32 to index
      %swap3A_2617 = arith.constant 16 : index
      %swap3A_2618 = tpu.vector_load %arg15[%swap3A_2616, %swap3A_2617] {strides = array<i32>} : memref<32x32xf32, #tpu.memory_space<vmem>>, vector<1x16xf32>,
      %swap3A_2619 = vector.shape_cast %swap3A_2618 : vector<1x16xf32> to vector<16xf32>
      %swap3A_2620 = vector.shape_cast %select_n3A_2516 : vector<16xf32> to vector<1x16xf32>
      tpu.vector_store %arg15[%swap3A_2616, %swap3A_2617], %swap3A_2620 {strides = array<i32>} : memref<32x32xf32, #tpu.memory_space<vmem>>, vector<1x16xf32>,
      %get3A_2621 = arith.constant 25 : i32
      %get3A_2622 = arith.index_cast %get3A_2621 : i32 to index
      %get3A_2623 = arith.constant 14 : index
      %get3A_2624 = tpu.vector_load %arg15[%get3A_2622, %get3A_2623] {strides = array<i32>} : memref<32x32xf32, #tpu.memory_space<vmem>>, vector<1x16xf32>,
      %get3A_2625 = vector.shape_cast %get3A_2624 : vector<1x16xf32> to vector<16xf32>
      %add3A_2626 = arith.addf %select_n3A_2516, %get3A_2625 : vector<16xf32>
      %select_n3A_2627 = arith.select %eq3A_33, %add3A_2608, %add3A_2626 : vector<16xi1>, vector<16xf32>
      %swap3A_2628 = arith.constant 26 : i32
      %swap3A_2629 = arith.index_cast %swap3A_2628 : i32 to index
      %swap3A_2630 = arith.constant 0 : index
      %swap3A_2631 = tpu.vector_load %arg15[%swap3A_2629, %swap3A_2630] {strides = array<i32>} : memref<32x32xf32, #tpu.memory_space<vmem>>, vector<1x16xf32>,
      %swap3A_2632 = vector.shape_cast %swap3A_2631 : vector<1x16xf32> to vector<16xf32>
      %swap3A_2633 = vector.shape_cast %select_n3A_2553 : vector<16xf32> to vector<1x16xf32>
      tpu.vector_store %arg15[%swap3A_2629, %swap3A_2630], %swap3A_2633 {strides = array<i32>} : memref<32x32xf32, #tpu.memory_space<vmem>>, vector<1x16xf32>,
      %swap3A_2634 = arith.constant 26 : i32
      %swap3A_2635 = arith.index_cast %swap3A_2634 : i32 to index
      %swap3A_2636 = arith.constant 16 : index
      %swap3A_2637 = tpu.vector_load %arg15[%swap3A_2635, %swap3A_2636] {strides = array<i32>} : memref<32x32xf32, #tpu.memory_space<vmem>>, vector<1x16xf32>,
      %swap3A_2638 = vector.shape_cast %swap3A_2637 : vector<1x16xf32> to vector<16xf32>
      %swap3A_2639 = vector.shape_cast %select_n3A_2553 : vector<16xf32> to vector<1x16xf32>
      tpu.vector_store %arg15[%swap3A_2635, %swap3A_2636], %swap3A_2639 {strides = array<i32>} : memref<32x32xf32, #tpu.memory_space<vmem>>, vector<1x16xf32>,
      %get3A_2640 = arith.constant 26 : i32
      %get3A_2641 = arith.index_cast %get3A_2640 : i32 to index
      %get3A_2642 = arith.constant 2 : index
      %get3A_2643 = tpu.vector_load %arg15[%get3A_2641, %get3A_2642] {strides = array<i32>} : memref<32x32xf32, #tpu.memory_space<vmem>>, vector<1x16xf32>,
      %get3A_2644 = vector.shape_cast %get3A_2643 : vector<1x16xf32> to vector<16xf32>
      %add3A_2645 = arith.addf %select_n3A_2553, %get3A_2644 : vector<16xf32>
      %swap3A_2646 = arith.constant 27 : i32
      %swap3A_2647 = arith.index_cast %swap3A_2646 : i32 to index
      %swap3A_2648 = arith.constant 0 : index
      %swap3A_2649 = tpu.vector_load %arg15[%swap3A_2647, %swap3A_2648] {strides = array<i32>} : memref<32x32xf32, #tpu.memory_space<vmem>>, vector<1x16xf32>,
      %swap3A_2650 = vector.shape_cast %swap3A_2649 : vector<1x16xf32> to vector<16xf32>
      %swap3A_2651 = vector.shape_cast %select_n3A_2590 : vector<16xf32> to vector<1x16xf32>
      tpu.vector_store %arg15[%swap3A_2647, %swap3A_2648], %swap3A_2651 {strides = array<i32>} : memref<32x32xf32, #tpu.memory_space<vmem>>, vector<1x16xf32>,
      %swap3A_2652 = arith.constant 27 : i32
      %swap3A_2653 = arith.index_cast %swap3A_2652 : i32 to index
      %swap3A_2654 = arith.constant 16 : index
      %swap3A_2655 = tpu.vector_load %arg15[%swap3A_2653, %swap3A_2654] {strides = array<i32>} : memref<32x32xf32, #tpu.memory_space<vmem>>, vector<1x16xf32>,
      %swap3A_2656 = vector.shape_cast %swap3A_2655 : vector<1x16xf32> to vector<16xf32>
      %swap3A_2657 = vector.shape_cast %select_n3A_2590 : vector<16xf32> to vector<1x16xf32>
      tpu.vector_store %arg15[%swap3A_2653, %swap3A_2654], %swap3A_2657 {strides = array<i32>} : memref<32x32xf32, #tpu.memory_space<vmem>>, vector<1x16xf32>,
      %get3A_2658 = arith.constant 27 : i32
      %get3A_2659 = arith.index_cast %get3A_2658 : i32 to index
      %get3A_2660 = arith.constant 14 : index
      %get3A_2661 = tpu.vector_load %arg15[%get3A_2659, %get3A_2660] {strides = array<i32>} : memref<32x32xf32, #tpu.memory_space<vmem>>, vector<1x16xf32>,
      %get3A_2662 = vector.shape_cast %get3A_2661 : vector<1x16xf32> to vector<16xf32>
      %add3A_2663 = arith.addf %select_n3A_2590, %get3A_2662 : vector<16xf32>
      %select_n3A_2664 = arith.select %eq3A_33, %add3A_2645, %add3A_2663 : vector<16xi1>, vector<16xf32>
      %swap3A_2665 = arith.constant 28 : i32
      %swap3A_2666 = arith.index_cast %swap3A_2665 : i32 to index
      %swap3A_2667 = arith.constant 0 : index
      %swap3A_2668 = tpu.vector_load %arg15[%swap3A_2666, %swap3A_2667] {strides = array<i32>} : memref<32x32xf32, #tpu.memory_space<vmem>>, vector<1x16xf32>,
      %swap3A_2669 = vector.shape_cast %swap3A_2668 : vector<1x16xf32> to vector<16xf32>
      %swap3A_2670 = vector.shape_cast %select_n3A_2627 : vector<16xf32> to vector<1x16xf32>
      tpu.vector_store %arg15[%swap3A_2666, %swap3A_2667], %swap3A_2670 {strides = array<i32>} : memref<32x32xf32, #tpu.memory_space<vmem>>, vector<1x16xf32>,
      %swap3A_2671 = arith.constant 28 : i32
      %swap3A_2672 = arith.index_cast %swap3A_2671 : i32 to index
      %swap3A_2673 = arith.constant 16 : index
      %swap3A_2674 = tpu.vector_load %arg15[%swap3A_2672, %swap3A_2673] {strides = array<i32>} : memref<32x32xf32, #tpu.memory_space<vmem>>, vector<1x16xf32>,
      %swap3A_2675 = vector.shape_cast %swap3A_2674 : vector<1x16xf32> to vector<16xf32>
      %swap3A_2676 = vector.shape_cast %select_n3A_2627 : vector<16xf32> to vector<1x16xf32>
      tpu.vector_store %arg15[%swap3A_2672, %swap3A_2673], %swap3A_2676 {strides = array<i32>} : memref<32x32xf32, #tpu.memory_space<vmem>>, vector<1x16xf32>,
      %get3A_2677 = arith.constant 28 : i32
      %get3A_2678 = arith.index_cast %get3A_2677 : i32 to index
      %get3A_2679 = arith.constant 1 : index
      %get3A_2680 = tpu.vector_load %arg15[%get3A_2678, %get3A_2679] {strides = array<i32>} : memref<32x32xf32, #tpu.memory_space<vmem>>, vector<1x16xf32>,
      %get3A_2681 = vector.shape_cast %get3A_2680 : vector<1x16xf32> to vector<16xf32>
      %add3A_2682 = arith.addf %select_n3A_2627, %get3A_2681 : vector<16xf32>
      %swap3A_2683 = arith.constant 29 : i32
      %swap3A_2684 = arith.index_cast %swap3A_2683 : i32 to index
      %swap3A_2685 = arith.constant 0 : index
      %swap3A_2686 = tpu.vector_load %arg15[%swap3A_2684, %swap3A_2685] {strides = array<i32>} : memref<32x32xf32, #tpu.memory_space<vmem>>, vector<1x16xf32>,
      %swap3A_2687 = vector.shape_cast %swap3A_2686 : vector<1x16xf32> to vector<16xf32>
      %swap3A_2688 = vector.shape_cast %select_n3A_2664 : vector<16xf32> to vector<1x16xf32>
      tpu.vector_store %arg15[%swap3A_2684, %swap3A_2685], %swap3A_2688 {strides = array<i32>} : memref<32x32xf32, #tpu.memory_space<vmem>>, vector<1x16xf32>,
      %swap3A_2689 = arith.constant 29 : i32
      %swap3A_2690 = arith.index_cast %swap3A_2689 : i32 to index
      %swap3A_2691 = arith.constant 16 : index
      %swap3A_2692 = tpu.vector_load %arg15[%swap3A_2690, %swap3A_2691] {strides = array<i32>} : memref<32x32xf32, #tpu.memory_space<vmem>>, vector<1x16xf32>,
      %swap3A_2693 = vector.shape_cast %swap3A_2692 : vector<1x16xf32> to vector<16xf32>
      %swap3A_2694 = vector.shape_cast %select_n3A_2664 : vector<16xf32> to vector<1x16xf32>
      tpu.vector_store %arg15[%swap3A_2690, %swap3A_2691], %swap3A_2694 {strides = array<i32>} : memref<32x32xf32, #tpu.memory_space<vmem>>, vector<1x16xf32>,
      %get3A_2695 = arith.constant 29 : i32
      %get3A_2696 = arith.index_cast %get3A_2695 : i32 to index
      %get3A_2697 = arith.constant 15 : index
      %get3A_2698 = tpu.vector_load %arg15[%get3A_2696, %get3A_2697] {strides = array<i32>} : memref<32x32xf32, #tpu.memory_space<vmem>>, vector<1x16xf32>,
      %get3A_2699 = vector.shape_cast %get3A_2698 : vector<1x16xf32> to vector<16xf32>
      %add3A_2700 = arith.addf %select_n3A_2664, %get3A_2699 : vector<16xf32>
      %select_n3A_2701 = arith.select %eq3A_39, %add3A_2682, %add3A_2700 : vector<16xi1>, vector<16xf32>
      %add3A_2702 = arith.constant 9.99999996E-13 : f32
      %add3A_2703 = vector.broadcast %add3A_2702 : f32 to vector<16xf32>
      %add3A_2704 = arith.addf %select_n3A_2701, %add3A_2703 : vector<16xf32>
      %bitcast_convert_type3A = tpu.bitcast %add3A_2704 : vector<16xf32> -> vector<16xi32>
      %shift_right_logical3A = arith.constant 1 : i32
      %shift_right_logical3A_2705 = vector.broadcast %shift_right_logical3A : i32 to vector<16xi32>
      %shift_right_logical3A_2706 = arith.shrui %bitcast_convert_type3A, %shift_right_logical3A_2705 : vector<16xi32>
      %sub3A_2707 = arith.constant 1597463007 : i32
      %sub3A_2708 = vector.broadcast %sub3A_2707 : i32 to vector<16xi32>
      %sub3A_2709 = arith.subi %sub3A_2708, %shift_right_logical3A_2706 : vector<16xi32>
      %bitcast_convert_type3A_2710 = tpu.bitcast %sub3A_2709 : vector<16xi32> -> vector<16xf32>
      %mul3A_2711 = arith.constant 5.000000e-01 : f32
      %mul3A_2712 = vector.broadcast %mul3A_2711 : f32 to vector<16xf32>
      %mul3A_2713 = arith.mulf %mul3A_2712, %add3A_2704 : vector<16xf32>
      %mul3A_2714 = arith.mulf %mul3A_2713, %bitcast_convert_type3A_2710 : vector<16xf32>
      %mul3A_2715 = arith.mulf %mul3A_2714, %bitcast_convert_type3A_2710 : vector<16xf32>
      %sub3A_2716 = arith.constant 1.500000e+00 : f32
      %sub3A_2717 = vector.broadcast %sub3A_2716 : f32 to vector<16xf32>
      %sub3A_2718 = arith.subf %sub3A_2717, %mul3A_2715 : vector<16xf32>
      %mul3A_2719 = arith.mulf %bitcast_convert_type3A_2710, %sub3A_2718 : vector<16xf32>
      %mul3A_2720 = arith.constant 5.000000e-01 : f32
      %mul3A_2721 = vector.broadcast %mul3A_2720 : f32 to vector<16xf32>
      %mul3A_2722 = arith.mulf %mul3A_2721, %add3A_2704 : vector<16xf32>
      %mul3A_2723 = arith.mulf %mul3A_2722, %mul3A_2719 : vector<16xf32>
      %mul3A_2724 = arith.mulf %mul3A_2723, %mul3A_2719 : vector<16xf32>
      %sub3A_2725 = arith.constant 1.500000e+00 : f32
      %sub3A_2726 = vector.broadcast %sub3A_2725 : f32 to vector<16xf32>
      %sub3A_2727 = arith.subf %sub3A_2726, %mul3A_2724 : vector<16xf32>
      %mul3A_2728 = arith.mulf %mul3A_2719, %sub3A_2727 : vector<16xf32>
      %mul3A_2729 = arith.constant 5.000000e-01 : f32
      %mul3A_2730 = vector.broadcast %mul3A_2729 : f32 to vector<16xf32>
      %mul3A_2731 = arith.mulf %mul3A_2730, %add3A_2704 : vector<16xf32>
      %mul3A_2732 = arith.mulf %mul3A_2731, %mul3A_2728 : vector<16xf32>
      %mul3A_2733 = arith.mulf %mul3A_2732, %mul3A_2728 : vector<16xf32>
      %sub3A_2734 = arith.constant 1.500000e+00 : f32
      %sub3A_2735 = vector.broadcast %sub3A_2734 : f32 to vector<16xf32>
      %sub3A_2736 = arith.subf %sub3A_2735, %mul3A_2733 : vector<16xf32>
      %mul3A_2737 = arith.mulf %mul3A_2728, %sub3A_2736 : vector<16xf32>
      %mul3A_2738 = arith.mulf %add3A_2704, %mul3A_2737 : vector<16xf32>
      %neg3A = arith.constant 0.000000e+00 : f32
      %neg3A_2739 = vector.broadcast %neg3A : f32 to vector<16xf32>
      %neg3A_2740 = arith.subf %neg3A_2739, %mul3A_2738 : vector<16xf32>
      %mul3A_2741 = arith.constant 16 : i32
      %mul3A_2742 = arith.muli %scan3A_54, %mul3A_2741 : i32
      %swap3A_2743 = arith.index_cast %mul3A_2742 : i32 to index
      %swap3A_2744 = tpu.vector_load %arg14[%swap3A_2743] {strides = array<i32>} : memref<128xf32, #tpu.memory_space<vmem>>, vector<16xf32>,
      %swap3A_2745 = vector.shape_cast %swap3A_2744 : vector<16xf32> to vector<16xf32>
      %swap3A_2746 = vector.shape_cast %neg3A_2740 : vector<16xf32> to vector<16xf32>
      tpu.vector_store %arg14[%swap3A_2743], %swap3A_2746 {strides = array<i32>} : memref<128xf32, #tpu.memory_space<vmem>>, vector<16xf32>,
    }
    %scan3A_53 = arith.constant 8 : i32
    "tpu.region"() ({
      %run_scoped3A = tpu.sem_alloc : memref<!tpu.dma_semaphore, #tpu.memory_space<semaphore_mem>>
      %dma_start3A_54 = tpu.memref_slice %arg7[%multiple_of3A] : memref<4096xf32, #tpu.memory_space<hbm>> -> memref<128xf32, #tpu.memory_space<hbm>>
      %dma_start3A_55 = tpu.memref_slice %arg7[%multiple_of3A] : memref<4096xf32, #tpu.memory_space<hbm>> -> memref<128xf32, #tpu.memory_space<hbm>>
      tpu.enqueue_dma source(%arg14 : memref<128xf32, #tpu.memory_space<vmem>>) target(%dma_start3A_55 : memref<128xf32, #tpu.memory_space<hbm>>) target_semaphore(%run_scoped3A : memref<!tpu.dma_semaphore, #tpu.memory_space<semaphore_mem>>)
      %dma_wait3A_56 = tpu.memref_slice %arg7[%multiple_of3A] : memref<4096xf32, #tpu.memory_space<hbm>> -> memref<128xf32, #tpu.memory_space<hbm>>
      %dma_wait3A_57 = tpu.memref_slice %arg7[%multiple_of3A] : memref<4096xf32, #tpu.memory_space<hbm>> -> memref<128xf32, #tpu.memory_space<hbm>>
      tpu.wait_dma2 semaphore(%run_scoped3A : memref<!tpu.dma_semaphore, #tpu.memory_space<semaphore_mem>>) src(%arg14 : memref<128xf32, #tpu.memory_space<vmem>>) dst(%dma_wait3A_57 : memref<128xf32, #tpu.memory_space<hbm>>)
      tpu.yield
    }) : () -> ()
    return
  }
}

</mosaic_0001>

<sc_bundles>
// kernel: _sc_score.3.cloned.1.call-start
scs
__scs_entry_jumppad:
0x0: {  	(pc) =	sbr.rel $0x88, $3  }
0x1: {  	(tag) =	ssettag $0x0;
	lr =	simm.s32 $0x1  }
0x2: {  	[smem:$0x3F9C] =	sst lr;
	_ =	strace $0xD0000000  }
0x3: {  	_ = 	snop  }
0x4: {  	_ = 	snop  }
0x5: {  	_ = 	snop  }
0x6: {  	_ = 	snop  }
0x7: {  	_ = 	snop  }
__scs_overlays_trampoline_lowered:
0x8: {  	[smem:$0x3FAB] =	sst s0  }
0x9: {  	[smem:$0x3FAC] =	sst s1  }
0xa: {  	[smem:$0x3FAD] =	sst s2  }
0xb: {  	[smem:$0x3FAE] =	sst s3  }
0xc: {  	[smem:$0x3FAF] =	sst s4  }
0xd: {  	[smem:$0x3FB0] =	sst s5  }
0xe: {  	[smem:$0x3FB1] =	sst s6  }
0xf: {  	[smem:$0x3FB2] =	sst s7  }
0x10: {  	[smem:$0x3FB3] =	sst s8  }
0x11: {  	[smem:$0x3FB4] =	sst s9;
	s0 =	simm.s32 @!p0 $0x0  }
0x12: {  	s1 =	sld [smem:$0x3F9A];
	s0 =	simm.s32 @p0 $0x1  }
0x13: {  	[smem:$0x3FB5] =	sst s0;
	s0 =	simm.s32 @!p1 $0x0  }
0x14: {  	s2 =	sld [smem:$0x3F99];
	s0 =	simm.s32 @p1 $0x1  }
0x15: {  	[smem:$0x3FB6] =	sst s0;
	s0 =	simm.s32 @!p2 $0x0  }
0x16: {  	s3 =	sld [smem:$0x3FDB];
	s0 =	simm.s32 @p2 $0x1  }
0x17: {  	s4 =	simm.s32 $0x1BF5;
	[smem:$0x3FB8] =	sst s0  }
0x18: {  	s0 =	sld [smem:$0x3F9B];
	_ =	swait.ge [sflag:s4], $0x0  }
0x19: {  	s7 =	sld [smem:$0x3F9C]  }
0x1a: {  	s8 =	sadd.s32 $0xFFFFE003, lr  }
0x1b: {  	s9 =	sadd.s32 $0xFFFFFEF7, lr;
	s5 =	simm.s32 $0xFFFFFFFF;
	p2 =	slt.u32 s8, $0xFFFFF086  }
0x1c: {  	p1 =	slt.u32 s9, $0xF7A;
	s5 =	simm.s32 @!p2 $0x0  }
0x1d: {  	s5 =	simm.s32 @p1 $0x1;
	p0 =	seq.s32 s7, s2  }
0x1e: {  	s7 =	smul.u32 @!p0 $0xF7A, s2;
	p2 =	seq.s32 @!p0 s5, $0x0  }
0x1f: {  	s9 =	smul.u32 $0xF7A, s1;
	s8 =	simm.s32 @!p0 $0x1BF5;
	p2 =	por !p2, p0  }
0x20: {  	[sflag:s8] =	ssyncset.s32 @!p0 $0xFFFFF086;
	s6 =	sadd.s32 @!p0 s3, s7;
	s7 =	simm.s32 @!p0 $0x108  }
0x21: {  	s3 =	sadd.s32 s3, s9;
	s6 =	sadd.s32 @!p0 $0x88, s6;
	s7 =	simm.s32 @p2 $0x1082  }
0x22: {  	[simem:s7], [sflag:s8] =	dma.local @!p0 [hbm:s6], $0xF7A  }
0x23: {  	s9 =	sor.u32 $0xD0000000, s2;
	s6 =	simm.s32 $0x108;
	_ =	swait.ge @!p0 [sflag:s8], $0x0  }
0x24: {  	s3 =	sadd.s32 $0x88, s3;
	s6 =	simm.s32 @!p1 $0x1082;
	[sflag:s4] =	ssyncset.s32 $0xFFFFF086  }
0x25: {  	[simem:s6], [sflag:s4] =	dma.local [hbm:s3], $0xF7A  }
0x26: {  	[smem:$0x3F9C] =	sst s1;
	(tag) =	ssettag s2;
	_ =	strace s9  }
0x27: {  	s1 =	sld [smem:$0x3FAC]  }
0x28: {  	s2 =	sld [smem:$0x3FAD]  }
0x29: {  	s4 =	sld [smem:$0x3FAF]  }
0x2a: {  	p0 =	seq.s32 s5, $0x0;
	s5 =	sld [smem:$0x3FB0]  }
0x2b: {  	s6 =	sld [smem:$0x3FB1]  }
0x2c: {  	s7 =	sld [smem:$0x3FB2]  }
0x2d: {  	s3 =	simm.s32 $0x108;
	s8 =	sld [smem:$0x3FB3]  }
0x2e: {  	s3 =	simm.s32 @!p0 $0x1082;
	s9 =	sld [smem:$0x3FB4]  }
0x2f: {  	lr =	sadd.s32 s0, s3;
	s0 =	sld [smem:$0x3FAB]  }
0x30: {  	s3 =	sld [smem:$0x3FAE]  }
0x31: {  	[smem:$0x3FB7] =	sst s10  }
0x32: {  	s10 =	sld [smem:$0x3FB5];
	_ =	sdelay $0x3  }
0x33: {  	p0 =	seq.s32 s10, $0x1;
	s10 =	sld [smem:$0x3FB7];
	_ =	sdelay $0x3  }
0x34: {  	[smem:$0x3FB7] =	sst s10  }
0x35: {  	s10 =	sld [smem:$0x3FB6];
	_ =	sdelay $0x3  }
0x36: {  	p1 =	seq.s32 s10, $0x1;
	s10 =	sld [smem:$0x3FB7];
	_ =	sdelay $0x3  }
0x37: {  	[smem:$0x3FB7] =	sst s10  }
0x38: {  	s10 =	sld [smem:$0x3FB8]  }
0x39: {  	_ = 	snop;
	(pc) =	sbr.ind lr, $3  }
0x3a: {  	_ = 	snop  }
0x3b: {  	_ = 	snop  }
0x3c: {  	p2 =	seq.s32 s10, $0x1;
	s10 =	sld [smem:$0x3FB7]  }
0x3d: {  	_ =	shalt  }
0x3e: {  	_ =	shalt  }
0x3f: {  	_ =	shalt  }
0x40: {  	_ =	shalt  }
0x41: {  	_ =	shalt  }
0x42: {  	_ =	shalt  }
0x43: {  	_ =	shalt  }
0x44: {  	_ =	shalt  }
0x45: {  	_ =	shalt  }
0x46: {  	_ =	shalt  }
0x47: {  	_ =	shalt  }
0x48: {  	_ =	shalt  }
0x49: {  	_ =	shalt  }
0x4a: {  	_ =	shalt  }
0x4b: {  	_ =	shalt  }
0x4c: {  	_ =	shalt  }
0x4d: {  	_ =	shalt  }
0x4e: {  	_ =	shalt  }
0x4f: {  	_ =	shalt  }
0x50: {  	_ =	shalt  }
0x51: {  	_ =	shalt  }
0x52: {  	_ =	shalt  }
0x53: {  	_ =	shalt  }
0x54: {  	_ =	shalt  }
0x55: {  	_ =	shalt  }
0x56: {  	_ =	shalt  }
0x57: {  	_ =	shalt  }
0x58: {  	_ =	shalt  }
0x59: {  	_ =	shalt  }
0x5a: {  	_ =	shalt  }
0x5b: {  	_ =	shalt  }
0x5c: {  	_ =	shalt  }
0x5d: {  	_ =	shalt  }
0x5e: {  	_ =	shalt  }
0x5f: {  	_ =	shalt  }
0x60: {  	_ =	shalt  }
0x61: {  	_ =	shalt  }
0x62: {  	_ =	shalt  }
0x63: {  	_ =	shalt  }
0x64: {  	_ =	shalt  }
0x65: {  	_ =	shalt  }
0x66: {  	_ =	shalt  }
0x67: {  	_ =	shalt  }
0x68: {  	_ =	shalt  }
0x69: {  	_ =	shalt  }
0x6a: {  	_ =	shalt  }
0x6b: {  	_ =	shalt  }
0x6c: {  	_ =	shalt  }
0x6d: {  	_ =	shalt  }
0x6e: {  	_ =	shalt  }
0x6f: {  	_ =	shalt  }
0x70: {  	_ =	shalt  }
0x71: {  	_ =	shalt  }
0x72: {  	_ =	shalt  }
0x73: {  	_ =	shalt  }
0x74: {  	_ =	shalt  }
0x75: {  	_ =	shalt  }
0x76: {  	_ =	shalt  }
0x77: {  	_ =	shalt  }
0x78: {  	_ =	shalt  }
0x79: {  	_ =	shalt  }
0x7a: {  	_ =	shalt  }
0x7b: {  	_ =	shalt  }
0x7c: {  	_ =	shalt  }
0x7d: {  	_ =	shalt  }
0x7e: {  	_ =	shalt  }
0x7f: {  	_ =	shalt  }
0x80: {  	_ =	shalt  }
0x81: {  	_ =	shalt  }
0x82: {  	_ =	shalt  }
0x83: {  	_ =	shalt  }
0x84: {  	_ =	shalt  }
0x85: {  	_ =	shalt  }
0x86: {  	_ =	shalt  }
0x87: {  	_ =	shalt  }
.Lfunc_end0:
.L_simem_size_0:
called_computation_lowered:
.L_overlay_start_0:
0x88: {  	s2 =	sld [smem:$0x3FD9]  }
0x89: {  	s3 =	sld [smem:$0x3FFE];
	_ =	sdelay $0x1  }
0x8a: {  	s1 =	srdreg.scid  }
0x8b: {  	s0 =	sand.u32 $0x1, s1  }
0x8c: {  	s18 =	sshll.u32 s0, $0xA;
	s2 =	sadd.s32 s3, s2  }
0x8d: {  	s2 =	sadd.s32 s2, s18  }
0x8e: {  	[smem:$0x3FC3] =	sst s2  }
0x8f: {  	_ = 	snop  }
0x90: {  	s2 =	sld [smem:$0x3FC9]  }
0x91: {  	s19 =	sld [smem:$0x3FC8]  }
0x92: {  	s4 =	sld [smem:$0x3FC7]  }
0x93: {  	s5 =	sld [smem:$0x3FC6]  }
0x94: {  	s6 =	sld [smem:$0x3FC5]  }
0x95: {  	s7 =	sld [smem:$0x3FD0];
	(tm) =	ssettm $0x1  }
0x96: {  	s8 =	sld [smem:$0x3FFB];
	_ =	sdelay $0x3  }
0x97: {  	_ =	strace s8  }
0x98: {  	s8 =	sld [smem:$0x3FFC];
	_ =	sdelay $0x3  }
0x99: {  	_ =	strace s8  }
0x9a: {  	s8 =	sld [smem:$0x3FFD];
	_ =	sdelay $0x3  }
0x9b: {  	_ =	strace s8  }
0x9c: {  	_ =	strace $0x8FFFFFFF  }
0x9d: {  	s20 =	sld [smem:$0x3FDB];
	_ =	sdelay $0x1  }
0x9e: {  	s9 =	simm.s32 $_scs_section_size  }
0x9f: {  	s10 =	simm.s32 $_size__tile_overlayer_lowered;
	s11 =	simm.s32 $_tile_overlayer_lowered  }
0xa0: {  	s23 =	simm.s32 $0x1BFF;
	s22 =	sshll.u32 s11, $0x1;
	s8 =	sadd.s32 s9, s20  }
0xa1: {  	s12 =	simm.s32 $0x0;
	s21 =	sshll.u32 s10, $0x1;
	s10 =	sadd.s32 s22, s8  }
0xa2: {  	[timem:s12], [sflag:s23] =	dma.local [hbm:s10], s21  }
0xa3: {  	_ =	swait.ge [sflag:s23], s21  }
0xa4: {  	s9 =	ssub.s32 $0x0, s21;
	[sflag:s23] =	ssyncset.done $0x0  }
0xa5: {  	[sflag:s23] =	ssyncadd.s32 s9;
	_ =	sdelay $0x1  }
0xa6: {  	s24 =	simm.s32 $0x1B8B  }
0xa7: {  	_ =	swait.ge [sflag:s24], $0x1  }
0xa8: {  	[sflag:s24] =	ssyncset.done $0x0  }
0xa9: {  	s25 =	simm.s32 $0x1B8E;
	[sflag:s24] =	ssyncadd.s32 $0xFFFFFFFF  }
0xaa: {  	s26 =	simm.s32 $execute0_lowered;
	[smem:$0x3FD2] =	sst s25  }
0xab: {  	s9 =	sshll.u32 s26, $0x1;
	_ =	strace $0x80000046;
	[dreg:$0x1] =	wrdreg $0xFFFFFFFF  }
0xac: {  	s28 =	simm.s32 $_size_execute0_lowered;
	s8 =	sadd.s32 s8, s9;
	[dreg:$0x0] =	wrdreg $0x0  }
0xad: {  	s9 =	sshll.u32 s28, $0x1;
	[dreg:$0x2] =	wrdreg s8  }
0xae: {  	[dreg:$0x3] =	wrdreg s9  }
0xaf: {  	[dreg:$0x4] =	wrdreg $0xC0  }
0xb0: {  	_ =	task [dreg:s12], $0x5FFFF  }
0xb1: {  	[dreg:$0x1] =	wrdreg $0xFFFFFFFF  }
0xb2: {  	[dreg:$0x0] =	wrdreg $0x60  }
0xb3: {  	[dreg:$0x2] =	wrdreg s2  }
0xb4: {  	[dreg:$0x3] =	wrdreg s19  }
0xb5: {  	[dreg:$0x4] =	wrdreg s4  }
0xb6: {  	[dreg:$0x5] =	wrdreg s5  }
0xb7: {  	[dreg:$0x6] =	wrdreg s6  }
0xb8: {  	[dreg:$0x7] =	wrdreg s7  }
0xb9: {  	[dreg:$0x8] =	wrdreg $0x9  }
0xba: {  	_ =	task.clear_ibuf [dreg:s12], $0x9FFFF;
	_ =	strace $0x90000046  }
0xbb: {  	s29 =	simm.s32 $0x9;
	_ =	strace $0x80000048  }
0xbc: {  	_ =	swait.ge [sflag:s29], $0x1  }
0xbd: {  	[sflag:s29] =	ssyncadd.s32 $0xFFFFFFFF  }
0xbe: {  	_ =	strace $0x90000048  }
0xbf: {  	_ =	sfence  }
0xc0: {  	s30 =	sld [smem:$0x0];
	_ =	sdelay $0x2  }
0xc1: {  	s31 =	sshll.u32 s1, $0xD;
	s1 =	sshrl.u32 s1, $0x2  }
0xc2: {  	s3 =	sand.u32 $0x4000, s31;
	s1 =	sadd.s32 s1, s30  }
0xc3: {  	s0 =	sor.u32 s3, s0;
	s1 =	sshll.u32 s1, $0x11  }
0xc4: {  	s0 =	sor.u32 s1, s0  }
0xc5: {  	s0 =	sadd.s32 $0x8F2B, s0  }
0xc6: {  	[sflag:s0] =	ssyncadd.remote.s32 $0x1  }
0xc7: {  	_ =	sfence.sel $0xFFFF  }
0xc8: {  	[dreg:$0x0] =	wrdreg $0xFFFFFFFF;
	(pc) =	sbr.abs _section_cstart, $3  }
0xc9: {  	[dreg:$0x1] =	wrdreg $0xFFFFFFFF  }
0xca: {  	_ =	task.clear_ibuf [dreg:s12], $0x2FFFF;
	_ =	strace $0x9FFFFFFF  }
0xcb: {  	(tm) =	ssettm $0x7FFFFFFF  }
tec
execute0_lowered:
.L_overlay_start_1:
0x0: {  	(tag) =	ssettag $0x1  }
0x1: {  	s5 =	rddreg [dreg:$0x0]  }
0x2: {  	s6 =	rddreg [dreg:$0x1]  }
0x3: {  	s7 =	rddreg [dreg:$0x2]  }
0x4: {  	s1 =	rddreg [dreg:$0x3]  }
0x5: {  	s2 =	rddreg [dreg:$0x4]  }
0x6: {  	s8 =	rddreg [dreg:$0x5];
	s4 =	srdreg.scid  }
0x7: {  	s0 =	rddreg [dreg:$0x6];
	s3 =	simm.s32 $0x0;
	vm0 =	vcmask $0x2F20;
	vm1 =	vcmask $0xF00;
	s13 =	simm.s32 $0x180  }
0x8: {  	vm2 =	vcmask $0x300;
	s14 =	simm.s32 $0x4180;
	s15 =	simm.s32 $0x8180;
	s16 =	simm.s32 $0x1;
	vm0 =	vmor vm1, vm0;
	vm1 =	vcmask $0xB08  }
0x9: {  	vm3 =	vcmask $0x1710;
	s17 =	simm.s32 $0xC180;
	s18 =	simm.s32 $0x3;
	s19 =	simm.s32 $0x0;
	vm1 =	vmor vm2, vm1;
	vm2 =	vcmask $0x1310  }
0xa: {  	vm4 =	vcmask $0x700;
	s9 =	sand.u32 $0x1, s4;
	[smem:$0x7FF] =	sst s3;
	s4 =	stileid.u32;
	vm1 =	vmor vm1, vm2;
	vm2 =	vcmask $0x1B18  }
0xb: {  	vm6 =	vcmask $0x3B38;
	s10 =	ssub.s32 $0x2, s9;
	s12 =	sshll.u32 s4, $0x5;
	s9 =	sshll.u32 s9, $0x4;
	vm1 =	vmor vm1, vm2;
	vm2 =	vcmask $0x2320  }
0xc: {  	vm3 =	vmor vm4, vm3;
	_ =	strace $0x80000047;
	s11 =	sshrl.u32 s10, $0x1;
	s9 =	sor.u32 s9, s12;
	vm1 =	vmor vm1, vm2;
	vm2 =	vcmask $0x2B28  }
0xd: {  	vm4 =	vcmask $0x2720;
	s12 =	simm.s32 $0x2;
	s10 =	ssub.s32 s10, s11;
	s5 =	sadd.s32 s5, s9;
	vm1 =	vmor vm1, vm2;
	vm2 =	vcmask $0x3330  }
0xe: {  	vm3 =	vmor vm3, vm4;
	vm4 =	vcmask $0x3730;
	s6 =	sadd.s32 s6, s9;
	s7 =	sadd.s32 s7, s9;
	s8 =	sadd.s32 s8, s9;
	vm5 =	vmor vm1, vm2  }
0xf: {  	s11 =	simm.s32 $0x100;
	s9 =	smax.u32 s10, $0x1;
	s10 =	simm.s32 $0x80;
	vm1 =	vmor vm3, vm4;
	vm2 =	vmmov $0xff;
	vm3 =	vmor vm5, vm6  }
.LBB2_1:
0x10: {  	[tilespmem:s3], [sflag:$0x2] =	stream.linear.gather [hbm4b:s5+s3], $0x80, $0x38;
	[tilespmem:$0xD200] =	vst v63  }
0x11: {  	_ = 	snop  }
0x12: {  	[tilespmem:s10], [sflag:$0x2] =	stream.linear.gather [hbm4b:s6+s3], $0x80, $0x38;
	[tilespmem:$0xD200] =	vst v63  }
0x13: {  	_ = 	snop  }
0x14: {  	[tilespmem:s11], [sflag:$0x2] =	stream.linear.gather [hbm4b:s7+s3], $0x80, $0x38;
	[tilespmem:$0xD200] =	vst v63  }
0x15: {  	_ =	swait.ge [sflag:s12], $0x80  }
0x16: {  	[sflag:s12] =	ssyncset.done $0x0  }
0x17: {  	[sflag:s12] =	ssyncadd.s32 $0xFFFFFF80  }
0x18: {  	[tilespmem:s13], [sflag:$0x1] =	stream.indirect.gather [hbm4b:s1+s10], $0x80, s3, s10, $0xb8;
	[tilespmem:$0xD200] =	vst v63  }
0x19: {  	_ =	swait.ge [sflag:s12], $0x80  }
0x1a: {  	[sflag:s12] =	ssyncset.done $0x0  }
0x1b: {  	[sflag:s12] =	ssyncadd.s32 $0xFFFFFF80  }
0x1c: {  	[tilespmem:s14], [sflag:$0x1] =	stream.indirect.gather [hbm4b:s2+s10], $0x80, s10, s10, $0xb8;
	[tilespmem:$0xD200] =	vst v63  }
0x1d: {  	_ =	swait.ge [sflag:s12], $0x80  }
0x1e: {  	[sflag:s12] =	ssyncset.done $0x0  }
0x1f: {  	[sflag:s12] =	ssyncadd.s32 $0xFFFFFF80  }
0x20: {  	[tilespmem:s15], [sflag:$0x1] =	stream.indirect.gather [hbm4b:s1+s10], $0x80, s11, s10, $0xb8;
	[tilespmem:$0xD200] =	vst v63  }
0x21: {  	_ =	swait.ge [sflag:s16], $0x4000  }
0x22: {  	[sflag:s16] =	ssyncset.done $0x0  }
0x23: {  	[sflag:s16] =	ssyncadd.s32 $0xFFFFC000  }
0x24: {  	_ =	swait.ge [sflag:s16], $0x4000  }
0x25: {  	[sflag:s16] =	ssyncset.done $0x0  }
0x26: {  	[sflag:s16] =	ssyncadd.s32 $0xFFFFC000  }
0x27: {  	_ =	swait.ge [sflag:s16], $0x4000  }
0x28: {  	[sflag:s16] =	ssyncset.done $0x0  }
0x29: {  	s20 =	simm.s32 $0x0;
	[sflag:s16] =	ssyncadd.s32 $0xFFFFC000  }
.LBB2_2:
0x2a: {  	s21 =	sshll.u32 s20, $0xB  }
0x2b: {  	v0 =	vld [tilespmem:s21+$0x180]  }
0x2c: {  	v1 =	vld [tilespmem:s21+$0x4180]  }
0x2d: {  	v2 =	vld [tilespmem:s21+$0x8180]  }
0x2e: {  	v3 =	vld [tilespmem:s21+$0x190]  }
0x2f: {  	v4 =	vld [tilespmem:s21+$0x4190]  }
0x30: {  	v5 =	vld [tilespmem:s21+$0x8190]  }
0x31: {  	v6 =	vld [tilespmem:s21+$0x1A0]  }
0x32: {  	v7 =	vld [tilespmem:s21+$0x41A0]  }
0x33: {  	v8 =	vld [tilespmem:s21+$0x81A0]  }
0x34: {  	v9 =	vld [tilespmem:s21+$0x1B0]  }
0x35: {  	v10 =	vld [tilespmem:s21+$0x41B0]  }
0x36: {  	v11 =	vld [tilespmem:s21+$0x81B0]  }
0x37: {  	v12 =	vld [tilespmem:s21+$0x1C0]  }
0x38: {  	v46 =	vld [tilespmem:s21+$0x41C0]  }
0x39: {  	v47 =	vld [tilespmem:s21+$0x81C0]  }
0x3a: {  	v48 =	vld [tilespmem:s21+$0x1D0];
	v0 =	vadd.f32 v1, v0;
	v45 =	vadd.f32 v4, v3  }
0x3b: {  	v50 =	vld [tilespmem:s21+$0x41D0];
	v49 =	vadd.f32 v7, v6  }
0x3c: {  	v51 =	vld [tilespmem:s21+$0x81D0];
	v0 =	vsub.f32 v0, v2;
	v1 =	vsub.f32 v45, v5  }
0x3d: {  	v53 =	vld [tilespmem:s21+$0x1E0];
	v52 =	vadd.f32 v10, v9  }
0x3e: {  	v54 =	vld [tilespmem:s21+$0x41E0];
	v5 =	vsub.f32 v49, v8;
	v0 =	vmul.f32 v0, v0;
	v1 =	vmul.f32 v1, v1  }
0x3f: {  	v56 =	vld [tilespmem:s21+$0x1F0];
	v3 =	vadd.f32 v46, v12  }
0x40: {  	v58 =	vld [tilespmem:s21+$0x41F0];
	v8 =	vsub.f32 v52, v11;
	v5 =	vmul.f32 v5, v5;
	v0 =	vadd.f32 v1, v0  }
0x41: {  	v55 =	vld [tilespmem:s21+$0x81E0];
	v2 =	vadd.f32 v50, v48  }
0x42: {  	v3 =	vsub.f32 v3, v47;
	v57 =	vmul.f32 v8, v8;
	v0 =	vadd.f32 v5, v0  }
0x43: {  	v59 =	vld [tilespmem:s21+$0x81F0];
	v2 =	vsub.f32 v2, v51  }
0x44: {  	v3 =	vmul.f32 v3, v3;
	v1 =	vadd.f32 v54, v53;
	v0 =	vadd.f32 v57, v0  }
0x45: {  	v60 =	vadd.f32 v58, v56  }
0x46: {  	v2 =	vmul.f32 v2, v2;
	v1 =	vsub.f32 v1, v55;
	v0 =	vadd.f32 v3, v0;
	_ =	sdelay $0x1  }
0x47: {  	v61 =	vsub.f32 v60, v59;
	v1 =	vmul.f32 v1, v1;
	v0 =	vadd.f32 v2, v0;
	_ =	sdelay $0x1  }
0x48: {  	v62 =	vmul.f32 v61, v61;
	v0 =	vadd.f32 v1, v0;
	_ =	sdelay $0x1  }
0x49: {  	v0 =	vadd.f32 v62, v0;
	_ =	sdelay $0x1  }
0x4a: {  	[tilespmem:$0xC200] =	vst v0  }
0x4b: {  	[tilespmem:$0xC210] =	vst v0  }
0x4c: {  	v63 =	vld [tilespmem:s21+$0x580]  }
0x4d: {  	v16 =	vld [tilespmem:s21+$0x4580]  }
0x4e: {  	v17 =	vld [tilespmem:s21+$0x8580]  }
0x4f: {  	v18 =	vld [tilespmem:s21+$0x590]  }
0x50: {  	v19 =	vld [tilespmem:s21+$0x4590]  }
0x51: {  	v20 =	vld [tilespmem:s21+$0x8590]  }
0x52: {  	v21 =	vld [tilespmem:s21+$0x5A0]  }
0x53: {  	v22 =	vld [tilespmem:s21+$0x45A0]  }
0x54: {  	v23 =	vld [tilespmem:s21+$0x85A0]  }
0x55: {  	v24 =	vld [tilespmem:s21+$0x5B0]  }
0x56: {  	v25 =	vld [tilespmem:s21+$0x45B0]  }
0x57: {  	v26 =	vld [tilespmem:s21+$0x85B0]  }
0x58: {  	v13 =	vld [tilespmem:s21+$0x5C0]  }
0x59: {  	v28 =	vld [tilespmem:s21+$0x45C0]  }
0x5a: {  	v29 =	vld [tilespmem:s21+$0x85C0]  }
0x5b: {  	v30 =	vld [tilespmem:s21+$0x5D0];
	v1 =	vadd.f32 v16, v63;
	v27 =	vadd.f32 v19, v18  }
0x5c: {  	v32 =	vld [tilespmem:s21+$0x45D0];
	v31 =	vadd.f32 v22, v21  }
0x5d: {  	v33 =	vld [tilespmem:s21+$0x85D0];
	v1 =	vsub.f32 v1, v17;
	v2 =	vsub.f32 v27, v20  }
0x5e: {  	v35 =	vld [tilespmem:s21+$0x5E0];
	v34 =	vadd.f32 v25, v24  }
0x5f: {  	v36 =	vld [tilespmem:s21+$0x45E0];
	v6 =	vsub.f32 v31, v23;
	v1 =	vmul.f32 v1, v1;
	v2 =	vmul.f32 v2, v2  }
0x60: {  	v38 =	vld [tilespmem:s21+$0x5F0];
	v4 =	vadd.f32 v28, v13  }
0x61: {  	v40 =	vld [tilespmem:s21+$0x45F0];
	v9 =	vsub.f32 v34, v26;
	v6 =	vmul.f32 v6, v6;
	v1 =	vadd.f32 v2, v1  }
0x62: {  	v37 =	vld [tilespmem:s21+$0x85E0];
	v3 =	vadd.f32 v32, v30  }
0x63: {  	v4 =	vsub.f32 v4, v29;
	v39 =	vmul.f32 v9, v9;
	v1 =	vadd.f32 v6, v1  }
0x64: {  	v41 =	vld [tilespmem:s21+$0x85F0];
	v3 =	vsub.f32 v3, v33  }
0x65: {  	v4 =	vmul.f32 v4, v4;
	v2 =	vadd.f32 v36, v35;
	v1 =	vadd.f32 v39, v1  }
0x66: {  	v42 =	vadd.f32 v40, v38  }
0x67: {  	v3 =	vmul.f32 v3, v3;
	v2 =	vsub.f32 v2, v37;
	v1 =	vadd.f32 v4, v1;
	_ =	sdelay $0x1  }
0x68: {  	v43 =	vsub.f32 v42, v41;
	v2 =	vmul.f32 v2, v2;
	v1 =	vadd.f32 v3, v1;
	_ =	sdelay $0x1  }
0x69: {  	v44 =	vmul.f32 v43, v43;
	v1 =	vadd.f32 v2, v1;
	_ =	sdelay $0x1  }
0x6a: {  	v1 =	vadd.f32 v44, v1;
	_ =	sdelay $0x1  }
0x6b: {  	[tilespmem:$0xC280] =	vst v1  }
0x6c: {  	[tilespmem:$0xC290] =	vst v1  }
0x6d: {  	v45 =	vld [tilespmem:s21+$0x380]  }
0x6e: {  	v46 =	vld [tilespmem:s21+$0x4380]  }
0x6f: {  	v47 =	vld [tilespmem:s21+$0x8380]  }
0x70: {  	v48 =	vld [tilespmem:s21+$0x390]  }
0x71: {  	v49 =	vld [tilespmem:s21+$0x4390]  }
0x72: {  	v50 =	vld [tilespmem:s21+$0x8390]  }
0x73: {  	v51 =	vld [tilespmem:s21+$0x3A0]  }
0x74: {  	v52 =	vld [tilespmem:s21+$0x43A0]  }
0x75: {  	v53 =	vld [tilespmem:s21+$0x83A0]  }
0x76: {  	v54 =	vld [tilespmem:s21+$0x3B0]  }
0x77: {  	v55 =	vld [tilespmem:s21+$0x43B0]  }
0x78: {  	v56 =	vld [tilespmem:s21+$0x83B0]  }
0x79: {  	v14 =	vld [tilespmem:s21+$0x3C0]  }
0x7a: {  	v58 =	vld [tilespmem:s21+$0x43C0]  }
0x7b: {  	v59 =	vld [tilespmem:s21+$0x83C0]  }
0x7c: {  	v60 =	vld [tilespmem:s21+$0x3D0];
	v2 =	vadd.f32 v46, v45;
	v57 =	vadd.f32 v49, v48  }
0x7d: {  	v62 =	vld [tilespmem:s21+$0x43D0];
	v61 =	vadd.f32 v52, v51  }
0x7e: {  	v63 =	vld [tilespmem:s21+$0x83D0];
	v2 =	vsub.f32 v2, v47;
	v3 =	vsub.f32 v57, v50  }
0x7f: {  	v16 =	vld [tilespmem:s21+$0x3E0];
	v15 =	vadd.f32 v55, v54  }
0x80: {  	v17 =	vld [tilespmem:s21+$0x43E0];
	v7 =	vsub.f32 v61, v53;
	v2 =	vmul.f32 v2, v2;
	v3 =	vmul.f32 v3, v3  }
0x81: {  	v19 =	vld [tilespmem:s21+$0x3F0];
	v5 =	vadd.f32 v58, v14  }
0x82: {  	v21 =	vld [tilespmem:s21+$0x43F0];
	v10 =	vsub.f32 v15, v56;
	v7 =	vmul.f32 v7, v7;
	v2 =	vadd.f32 v3, v2  }
0x83: {  	v18 =	vld [tilespmem:s21+$0x83E0];
	v4 =	vadd.f32 v62, v60  }
0x84: {  	v5 =	vsub.f32 v5, v59;
	v20 =	vmul.f32 v10, v10;
	v2 =	vadd.f32 v7, v2  }
0x85: {  	v22 =	vld [tilespmem:s21+$0x83F0];
	v4 =	vsub.f32 v4, v63  }
0x86: {  	v5 =	vmul.f32 v5, v5;
	v3 =	vadd.f32 v17, v16;
	v2 =	vadd.f32 v20, v2  }
0x87: {  	v23 =	vadd.f32 v21, v19  }
0x88: {  	v4 =	vmul.f32 v4, v4;
	v3 =	vsub.f32 v3, v18;
	v2 =	vadd.f32 v5, v2;
	_ =	sdelay $0x1  }
0x89: {  	v24 =	vsub.f32 v23, v22;
	v3 =	vmul.f32 v3, v3;
	v2 =	vadd.f32 v4, v2;
	_ =	sdelay $0x1  }
0x8a: {  	v25 =	vmul.f32 v24, v24;
	v2 =	vadd.f32 v3, v2;
	_ =	sdelay $0x1  }
0x8b: {  	v2 =	vadd.f32 v25, v2;
	_ =	sdelay $0x1  }
0x8c: {  	[tilespmem:$0xC300] =	vst v2  }
0x8d: {  	[tilespmem:$0xC310] =	vst v2  }
0x8e: {  	v26 =	vld [tilespmem:s21+$0x780]  }
0x8f: {  	v27 =	vld [tilespmem:s21+$0x4780]  }
0x90: {  	v28 =	vld [tilespmem:s21+$0x8780]  }
0x91: {  	v29 =	vld [tilespmem:s21+$0x790]  }
0x92: {  	v30 =	vld [tilespmem:s21+$0x4790]  }
0x93: {  	v31 =	vld [tilespmem:s21+$0x8790]  }
0x94: {  	v32 =	vld [tilespmem:s21+$0x7A0]  }
0x95: {  	v33 =	vld [tilespmem:s21+$0x47A0]  }
0x96: {  	v34 =	vld [tilespmem:s21+$0x87A0]  }
0x97: {  	v35 =	vld [tilespmem:s21+$0x7B0]  }
0x98: {  	v36 =	vld [tilespmem:s21+$0x47B0]  }
0x99: {  	v37 =	vld [tilespmem:s21+$0x87B0]  }
0x9a: {  	v15 =	vld [tilespmem:s21+$0x7C0]  }
0x9b: {  	v39 =	vld [tilespmem:s21+$0x47C0]  }
0x9c: {  	v40 =	vld [tilespmem:s21+$0x87C0]  }
0x9d: {  	v41 =	vld [tilespmem:s21+$0x7D0];
	v3 =	vadd.f32 v27, v26;
	v38 =	vadd.f32 v30, v29  }
0x9e: {  	v43 =	vld [tilespmem:s21+$0x47D0];
	v42 =	vadd.f32 v33, v32  }
0x9f: {  	v44 =	vld [tilespmem:s21+$0x87D0];
	v3 =	vsub.f32 v3, v28;
	v4 =	vsub.f32 v38, v31  }
0xa0: {  	v46 =	vld [tilespmem:s21+$0x7E0];
	v45 =	vadd.f32 v36, v35  }
0xa1: {  	v47 =	vld [tilespmem:s21+$0x47E0];
	v8 =	vsub.f32 v42, v34;
	v3 =	vmul.f32 v3, v3;
	v4 =	vmul.f32 v4, v4  }
0xa2: {  	v49 =	vld [tilespmem:s21+$0x7F0];
	v6 =	vadd.f32 v39, v15  }
0xa3: {  	v51 =	vld [tilespmem:s21+$0x47F0];
	v11 =	vsub.f32 v45, v37;
	v8 =	vmul.f32 v8, v8;
	v3 =	vadd.f32 v4, v3  }
0xa4: {  	v48 =	vld [tilespmem:s21+$0x87E0];
	v5 =	vadd.f32 v43, v41  }
0xa5: {  	v6 =	vsub.f32 v6, v40;
	v50 =	vmul.f32 v11, v11;
	v3 =	vadd.f32 v8, v3  }
0xa6: {  	v52 =	vld [tilespmem:s21+$0x87F0];
	v5 =	vsub.f32 v5, v44  }
0xa7: {  	v6 =	vmul.f32 v6, v6;
	v4 =	vadd.f32 v47, v46;
	v3 =	vadd.f32 v50, v3  }
0xa8: {  	v53 =	vadd.f32 v51, v49  }
0xa9: {  	v5 =	vmul.f32 v5, v5;
	v4 =	vsub.f32 v4, v48;
	v3 =	vadd.f32 v6, v3;
	_ =	sdelay $0x1  }
0xaa: {  	v54 =	vsub.f32 v53, v52;
	v4 =	vmul.f32 v4, v4;
	v3 =	vadd.f32 v5, v3;
	_ =	sdelay $0x1  }
0xab: {  	v55 =	vmul.f32 v54, v54;
	v3 =	vadd.f32 v4, v3;
	_ =	sdelay $0x1  }
0xac: {  	v3 =	vadd.f32 v55, v3;
	_ =	sdelay $0x1  }
0xad: {  	[tilespmem:$0xC380] =	vst v3  }
0xae: {  	[tilespmem:$0xC390] =	vst v3  }
0xaf: {  	v56 =	vld [tilespmem:s21+$0x280]  }
0xb0: {  	v57 =	vld [tilespmem:s21+$0x4280]  }
0xb1: {  	v58 =	vld [tilespmem:s21+$0x8280]  }
0xb2: {  	v59 =	vld [tilespmem:s21+$0x290]  }
0xb3: {  	v60 =	vld [tilespmem:s21+$0x4290]  }
0xb4: {  	v61 =	vld [tilespmem:s21+$0x8290]  }
0xb5: {  	v62 =	vld [tilespmem:s21+$0x2A0]  }
0xb6: {  	v63 =	vld [tilespmem:s21+$0x42A0]  }
0xb7: {  	v20 =	vld [tilespmem:s21+$0x82A0]  }
0xb8: {  	v21 =	vld [tilespmem:s21+$0x2B0]  }
0xb9: {  	v22 =	vld [tilespmem:s21+$0x42B0]  }
0xba: {  	v23 =	vld [tilespmem:s21+$0x82B0]  }
0xbb: {  	v16 =	vld [tilespmem:s21+$0x2C0]  }
0xbc: {  	v25 =	vld [tilespmem:s21+$0x42C0]  }
0xbd: {  	v26 =	vld [tilespmem:s21+$0x82C0]  }
0xbe: {  	v27 =	vld [tilespmem:s21+$0x2D0];
	v4 =	vadd.f32 v57, v56;
	v24 =	vadd.f32 v60, v59  }
0xbf: {  	v29 =	vld [tilespmem:s21+$0x42D0];
	v28 =	vadd.f32 v63, v62  }
0xc0: {  	v30 =	vld [tilespmem:s21+$0x82D0];
	v4 =	vsub.f32 v4, v58;
	v5 =	vsub.f32 v24, v61  }
0xc1: {  	v32 =	vld [tilespmem:s21+$0x2E0];
	v31 =	vadd.f32 v22, v21  }
0xc2: {  	v33 =	vld [tilespmem:s21+$0x42E0];
	v9 =	vsub.f32 v28, v20;
	v4 =	vmul.f32 v4, v4;
	v5 =	vmul.f32 v5, v5  }
0xc3: {  	v35 =	vld [tilespmem:s21+$0x2F0];
	v7 =	vadd.f32 v25, v16  }
0xc4: {  	v37 =	vld [tilespmem:s21+$0x42F0];
	v12 =	vsub.f32 v31, v23;
	v9 =	vmul.f32 v9, v9;
	v4 =	vadd.f32 v5, v4  }
0xc5: {  	v34 =	vld [tilespmem:s21+$0x82E0];
	v6 =	vadd.f32 v29, v27  }
0xc6: {  	v7 =	vsub.f32 v7, v26;
	v36 =	vmul.f32 v12, v12;
	v4 =	vadd.f32 v9, v4  }
0xc7: {  	v38 =	vld [tilespmem:s21+$0x82F0];
	v6 =	vsub.f32 v6, v30  }
0xc8: {  	v7 =	vmul.f32 v7, v7;
	v5 =	vadd.f32 v33, v32;
	v4 =	vadd.f32 v36, v4  }
0xc9: {  	v39 =	vadd.f32 v37, v35  }
0xca: {  	v6 =	vmul.f32 v6, v6;
	v5 =	vsub.f32 v5, v34;
	v4 =	vadd.f32 v7, v4;
	_ =	sdelay $0x1  }
0xcb: {  	v40 =	vsub.f32 v39, v38;
	v5 =	vmul.f32 v5, v5;
	v4 =	vadd.f32 v6, v4;
	_ =	sdelay $0x1  }
0xcc: {  	v41 =	vmul.f32 v40, v40;
	v4 =	vadd.f32 v5, v4;
	_ =	sdelay $0x1  }
0xcd: {  	v4 =	vadd.f32 v41, v4;
	_ =	sdelay $0x1  }
0xce: {  	[tilespmem:$0xC400] =	vst v4  }
0xcf: {  	[tilespmem:$0xC410] =	vst v4  }
0xd0: {  	v42 =	vld [tilespmem:s21+$0x680]  }
0xd1: {  	v43 =	vld [tilespmem:s21+$0x4680]  }
0xd2: {  	v44 =	vld [tilespmem:s21+$0x8680]  }
0xd3: {  	v45 =	vld [tilespmem:s21+$0x690]  }
0xd4: {  	v46 =	vld [tilespmem:s21+$0x4690]  }
0xd5: {  	v47 =	vld [tilespmem:s21+$0x8690]  }
0xd6: {  	v48 =	vld [tilespmem:s21+$0x6A0]  }
0xd7: {  	v49 =	vld [tilespmem:s21+$0x46A0]  }
0xd8: {  	v50 =	vld [tilespmem:s21+$0x86A0]  }
0xd9: {  	v51 =	vld [tilespmem:s21+$0x6B0]  }
0xda: {  	v52 =	vld [tilespmem:s21+$0x46B0]  }
0xdb: {  	v53 =	vld [tilespmem:s21+$0x86B0]  }
0xdc: {  	v17 =	vld [tilespmem:s21+$0x6C0]  }
0xdd: {  	v55 =	vld [tilespmem:s21+$0x46C0]  }
0xde: {  	v56 =	vld [tilespmem:s21+$0x86C0]  }
0xdf: {  	v57 =	vld [tilespmem:s21+$0x6D0];
	v5 =	vadd.f32 v43, v42;
	v54 =	vadd.f32 v46, v45  }
0xe0: {  	v59 =	vld [tilespmem:s21+$0x46D0];
	v58 =	vadd.f32 v49, v48  }
0xe1: {  	v60 =	vld [tilespmem:s21+$0x86D0];
	v5 =	vsub.f32 v5, v44;
	v6 =	vsub.f32 v54, v47  }
0xe2: {  	v62 =	vld [tilespmem:s21+$0x6E0];
	v61 =	vadd.f32 v52, v51  }
0xe3: {  	v63 =	vld [tilespmem:s21+$0x46E0];
	v10 =	vsub.f32 v58, v50;
	v5 =	vmul.f32 v5, v5;
	v6 =	vmul.f32 v6, v6  }
0xe4: {  	v21 =	vld [tilespmem:s21+$0x6F0];
	v8 =	vadd.f32 v55, v17  }
0xe5: {  	v23 =	vld [tilespmem:s21+$0x46F0];
	v13 =	vsub.f32 v61, v53;
	v10 =	vmul.f32 v10, v10;
	v5 =	vadd.f32 v6, v5  }
0xe6: {  	v20 =	vld [tilespmem:s21+$0x86E0];
	v7 =	vadd.f32 v59, v57  }
0xe7: {  	v8 =	vsub.f32 v8, v56;
	v22 =	vmul.f32 v13, v13;
	v5 =	vadd.f32 v10, v5  }
0xe8: {  	v24 =	vld [tilespmem:s21+$0x86F0];
	v7 =	vsub.f32 v7, v60  }
0xe9: {  	v8 =	vmul.f32 v8, v8;
	v6 =	vadd.f32 v63, v62;
	v5 =	vadd.f32 v22, v5  }
0xea: {  	v25 =	vadd.f32 v23, v21  }
0xeb: {  	v7 =	vmul.f32 v7, v7;
	v6 =	vsub.f32 v6, v20;
	v5 =	vadd.f32 v8, v5;
	_ =	sdelay $0x1  }
0xec: {  	v26 =	vsub.f32 v25, v24;
	v6 =	vmul.f32 v6, v6;
	v5 =	vadd.f32 v7, v5;
	_ =	sdelay $0x1  }
0xed: {  	v27 =	vmul.f32 v26, v26;
	v5 =	vadd.f32 v6, v5;
	_ =	sdelay $0x1  }
0xee: {  	v5 =	vadd.f32 v27, v5;
	_ =	sdelay $0x1  }
0xef: {  	[tilespmem:$0xC480] =	vst v5  }
0xf0: {  	[tilespmem:$0xC490] =	vst v5  }
0xf1: {  	v28 =	vld [tilespmem:s21+$0x480]  }
0xf2: {  	v29 =	vld [tilespmem:s21+$0x4480]  }
0xf3: {  	v30 =	vld [tilespmem:s21+$0x8480]  }
0xf4: {  	v31 =	vld [tilespmem:s21+$0x490]  }
0xf5: {  	v32 =	vld [tilespmem:s21+$0x4490]  }
0xf6: {  	v33 =	vld [tilespmem:s21+$0x8490]  }
0xf7: {  	v34 =	vld [tilespmem:s21+$0x4A0]  }
0xf8: {  	v35 =	vld [tilespmem:s21+$0x44A0]  }
0xf9: {  	v36 =	vld [tilespmem:s21+$0x84A0]  }
0xfa: {  	v37 =	vld [tilespmem:s21+$0x4B0]  }
0xfb: {  	v38 =	vld [tilespmem:s21+$0x44B0]  }
0xfc: {  	v39 =	vld [tilespmem:s21+$0x84B0]  }
0xfd: {  	v18 =	vld [tilespmem:s21+$0x4C0]  }
0xfe: {  	v41 =	vld [tilespmem:s21+$0x44C0]  }
0xff: {  	v42 =	vld [tilespmem:s21+$0x84C0]  }
0x100: {  	v43 =	vld [tilespmem:s21+$0x4D0];
	v6 =	vadd.f32 v29, v28;
	v40 =	vadd.f32 v32, v31  }
0x101: {  	v45 =	vld [tilespmem:s21+$0x44D0];
	v44 =	vadd.f32 v35, v34  }
0x102: {  	v46 =	vld [tilespmem:s21+$0x84D0];
	v6 =	vsub.f32 v6, v30;
	v7 =	vsub.f32 v40, v33  }
0x103: {  	v48 =	vld [tilespmem:s21+$0x4E0];
	v47 =	vadd.f32 v38, v37  }
0x104: {  	v49 =	vld [tilespmem:s21+$0x44E0];
	v11 =	vsub.f32 v44, v36;
	v6 =	vmul.f32 v6, v6;
	v7 =	vmul.f32 v7, v7  }
0x105: {  	v51 =	vld [tilespmem:s21+$0x4F0];
	v9 =	vadd.f32 v41, v18  }
0x106: {  	v53 =	vld [tilespmem:s21+$0x44F0];
	v14 =	vsub.f32 v47, v39;
	v11 =	vmul.f32 v11, v11;
	v6 =	vadd.f32 v7, v6  }
0x107: {  	v50 =	vld [tilespmem:s21+$0x84E0];
	v8 =	vadd.f32 v45, v43  }
0x108: {  	v9 =	vsub.f32 v9, v42;
	v52 =	vmul.f32 v14, v14;
	v6 =	vadd.f32 v11, v6  }
0x109: {  	v54 =	vld [tilespmem:s21+$0x84F0];
	v8 =	vsub.f32 v8, v46  }
0x10a: {  	v9 =	vmul.f32 v9, v9;
	v7 =	vadd.f32 v49, v48;
	v6 =	vadd.f32 v52, v6  }
0x10b: {  	v55 =	vadd.f32 v53, v51  }
0x10c: {  	v8 =	vmul.f32 v8, v8;
	v7 =	vsub.f32 v7, v50;
	v6 =	vadd.f32 v9, v6;
	_ =	sdelay $0x1  }
0x10d: {  	v56 =	vsub.f32 v55, v54;
	v7 =	vmul.f32 v7, v7;
	v6 =	vadd.f32 v8, v6;
	_ =	sdelay $0x1  }
0x10e: {  	v57 =	vmul.f32 v56, v56;
	v6 =	vadd.f32 v7, v6;
	_ =	sdelay $0x1  }
0x10f: {  	v6 =	vadd.f32 v57, v6;
	_ =	sdelay $0x1  }
0x110: {  	[tilespmem:$0xC500] =	vst v6  }
0x111: {  	[tilespmem:$0xC510] =	vst v6  }
0x112: {  	v58 =	vld [tilespmem:s21+$0x880]  }
0x113: {  	v59 =	vld [tilespmem:s21+$0x4880]  }
0x114: {  	v60 =	vld [tilespmem:s21+$0x8880]  }
0x115: {  	v61 =	vld [tilespmem:s21+$0x890]  }
0x116: {  	v62 =	vld [tilespmem:s21+$0x4890]  }
0x117: {  	v63 =	vld [tilespmem:s21+$0x8890]  }
0x118: {  	v21 =	vld [tilespmem:s21+$0x8A0]  }
0x119: {  	v22 =	vld [tilespmem:s21+$0x48A0]  }
0x11a: {  	v23 =	vld [tilespmem:s21+$0x88A0]  }
0x11b: {  	v24 =	vld [tilespmem:s21+$0x8B0]  }
0x11c: {  	v25 =	vld [tilespmem:s21+$0x48B0]  }
0x11d: {  	v26 =	vld [tilespmem:s21+$0x88B0]  }
0x11e: {  	v19 =	vld [tilespmem:s21+$0x8C0]  }
0x11f: {  	v28 =	vld [tilespmem:s21+$0x48C0]  }
0x120: {  	v29 =	vld [tilespmem:s21+$0x88C0]  }
0x121: {  	v30 =	vld [tilespmem:s21+$0x8D0];
	v7 =	vadd.f32 v59, v58;
	v27 =	vadd.f32 v62, v61  }
0x122: {  	v32 =	vld [tilespmem:s21+$0x48D0];
	v31 =	vadd.f32 v22, v21  }
0x123: {  	v33 =	vld [tilespmem:s21+$0x88D0];
	v7 =	vsub.f32 v7, v60;
	v8 =	vsub.f32 v27, v63  }
0x124: {  	v35 =	vld [tilespmem:s21+$0x8E0];
	v34 =	vadd.f32 v25, v24  }
0x125: {  	v36 =	vld [tilespmem:s21+$0x48E0];
	v12 =	vsub.f32 v31, v23;
	v7 =	vmul.f32 v7, v7;
	v8 =	vmul.f32 v8, v8  }
0x126: {  	v38 =	vld [tilespmem:s21+$0x8F0];
	v10 =	vadd.f32 v28, v19  }
0x127: {  	v40 =	vld [tilespmem:s21+$0x48F0];
	v15 =	vsub.f32 v34, v26;
	v12 =	vmul.f32 v12, v12;
	v7 =	vadd.f32 v8, v7  }
0x128: {  	v37 =	vld [tilespmem:s21+$0x88E0];
	v9 =	vadd.f32 v32, v30  }
0x129: {  	v10 =	vsub.f32 v10, v29;
	v39 =	vmul.f32 v15, v15;
	v7 =	vadd.f32 v12, v7  }
0x12a: {  	v41 =	vld [tilespmem:s21+$0x88F0];
	v9 =	vsub.f32 v9, v33  }
0x12b: {  	v10 =	vmul.f32 v10, v10;
	v8 =	vadd.f32 v36, v35;
	v7 =	vadd.f32 v39, v7  }
0x12c: {  	v42 =	vadd.f32 v40, v38  }
0x12d: {  	v9 =	vmul.f32 v9, v9;
	v8 =	vsub.f32 v8, v37;
	v7 =	vadd.f32 v10, v7;
	_ =	sdelay $0x1  }
0x12e: {  	v43 =	vsub.f32 v42, v41;
	v8 =	vmul.f32 v8, v8;
	v7 =	vadd.f32 v9, v7;
	_ =	sdelay $0x1  }
0x12f: {  	v44 =	vmul.f32 v43, v43;
	v7 =	vadd.f32 v8, v7;
	_ =	sdelay $0x1  }
0x130: {  	v7 =	vadd.f32 v44, v7;
	_ =	sdelay $0x1  }
0x131: {  	[tilespmem:$0xC580] =	vst v7  }
0x132: {  	[tilespmem:$0xC590] =	vst v7  }
0x133: {  	v45 =	vld [tilespmem:s21+$0x200]  }
0x134: {  	v46 =	vld [tilespmem:s21+$0x4200]  }
0x135: {  	v47 =	vld [tilespmem:s21+$0x8200]  }
0x136: {  	v48 =	vld [tilespmem:s21+$0x210]  }
0x137: {  	v49 =	vld [tilespmem:s21+$0x4210]  }
0x138: {  	v50 =	vld [tilespmem:s21+$0x8210]  }
0x139: {  	v51 =	vld [tilespmem:s21+$0x220]  }
0x13a: {  	v52 =	vld [tilespmem:s21+$0x4220]  }
0x13b: {  	v53 =	vld [tilespmem:s21+$0x8220]  }
0x13c: {  	v54 =	vld [tilespmem:s21+$0x230]  }
0x13d: {  	v55 =	vld [tilespmem:s21+$0x4230]  }
0x13e: {  	v56 =	vld [tilespmem:s21+$0x8230]  }
0x13f: {  	v20 =	vld [tilespmem:s21+$0x240]  }
0x140: {  	v58 =	vld [tilespmem:s21+$0x4240]  }
0x141: {  	v59 =	vld [tilespmem:s21+$0x8240]  }
0x142: {  	v60 =	vld [tilespmem:s21+$0x250];
	v8 =	vadd.f32 v46, v45;
	v57 =	vadd.f32 v49, v48  }
0x143: {  	v62 =	vld [tilespmem:s21+$0x4250];
	v61 =	vadd.f32 v52, v51  }
0x144: {  	v63 =	vld [tilespmem:s21+$0x8250];
	v8 =	vsub.f32 v8, v47;
	v9 =	vsub.f32 v57, v50  }
0x145: {  	v22 =	vld [tilespmem:s21+$0x260];
	v21 =	vadd.f32 v55, v54  }
0x146: {  	v23 =	vld [tilespmem:s21+$0x4260];
	v13 =	vsub.f32 v61, v53;
	v8 =	vmul.f32 v8, v8;
	v9 =	vmul.f32 v9, v9  }
0x147: {  	v25 =	vld [tilespmem:s21+$0x270];
	v11 =	vadd.f32 v58, v20  }
0x148: {  	v27 =	vld [tilespmem:s21+$0x4270];
	v16 =	vsub.f32 v21, v56;
	v13 =	vmul.f32 v13, v13;
	v8 =	vadd.f32 v9, v8  }
0x149: {  	v24 =	vld [tilespmem:s21+$0x8260];
	v10 =	vadd.f32 v62, v60  }
0x14a: {  	v11 =	vsub.f32 v11, v59;
	v26 =	vmul.f32 v16, v16;
	v8 =	vadd.f32 v13, v8  }
0x14b: {  	v28 =	vld [tilespmem:s21+$0x8270];
	v10 =	vsub.f32 v10, v63  }
0x14c: {  	v11 =	vmul.f32 v11, v11;
	v9 =	vadd.f32 v23, v22;
	v8 =	vadd.f32 v26, v8  }
0x14d: {  	v29 =	vadd.f32 v27, v25  }
0x14e: {  	v10 =	vmul.f32 v10, v10;
	v9 =	vsub.f32 v9, v24;
	v8 =	vadd.f32 v11, v8;
	_ =	sdelay $0x1  }
0x14f: {  	v30 =	vsub.f32 v29, v28;
	v9 =	vmul.f32 v9, v9;
	v8 =	vadd.f32 v10, v8;
	_ =	sdelay $0x1  }
0x150: {  	v31 =	vmul.f32 v30, v30;
	v8 =	vadd.f32 v9, v8;
	_ =	sdelay $0x1  }
0x151: {  	v8 =	vadd.f32 v31, v8;
	_ =	sdelay $0x1  }
0x152: {  	[tilespmem:$0xC600] =	vst v8  }
0x153: {  	[tilespmem:$0xC610] =	vst v8  }
0x154: {  	v32 =	vld [tilespmem:s21+$0x600]  }
0x155: {  	v33 =	vld [tilespmem:s21+$0x4600]  }
0x156: {  	v34 =	vld [tilespmem:s21+$0x8600]  }
0x157: {  	v35 =	vld [tilespmem:s21+$0x610]  }
0x158: {  	v36 =	vld [tilespmem:s21+$0x4610]  }
0x159: {  	v37 =	vld [tilespmem:s21+$0x8610]  }
0x15a: {  	v38 =	vld [tilespmem:s21+$0x620]  }
0x15b: {  	v39 =	vld [tilespmem:s21+$0x4620]  }
0x15c: {  	v40 =	vld [tilespmem:s21+$0x8620]  }
0x15d: {  	v41 =	vld [tilespmem:s21+$0x630]  }
0x15e: {  	v42 =	vld [tilespmem:s21+$0x4630]  }
0x15f: {  	v43 =	vld [tilespmem:s21+$0x8630]  }
0x160: {  	v21 =	vld [tilespmem:s21+$0x640]  }
0x161: {  	v45 =	vld [tilespmem:s21+$0x4640]  }
0x162: {  	v46 =	vld [tilespmem:s21+$0x8640]  }
0x163: {  	v47 =	vld [tilespmem:s21+$0x650];
	v9 =	vadd.f32 v33, v32;
	v44 =	vadd.f32 v36, v35  }
0x164: {  	v49 =	vld [tilespmem:s21+$0x4650];
	v48 =	vadd.f32 v39, v38  }
0x165: {  	v50 =	vld [tilespmem:s21+$0x8650];
	v9 =	vsub.f32 v9, v34;
	v10 =	vsub.f32 v44, v37  }
0x166: {  	v52 =	vld [tilespmem:s21+$0x660];
	v51 =	vadd.f32 v42, v41  }
0x167: {  	v53 =	vld [tilespmem:s21+$0x4660];
	v14 =	vsub.f32 v48, v40;
	v9 =	vmul.f32 v9, v9;
	v10 =	vmul.f32 v10, v10  }
0x168: {  	v55 =	vld [tilespmem:s21+$0x670];
	v12 =	vadd.f32 v45, v21  }
0x169: {  	v57 =	vld [tilespmem:s21+$0x4670];
	v17 =	vsub.f32 v51, v43;
	v14 =	vmul.f32 v14, v14;
	v9 =	vadd.f32 v10, v9  }
0x16a: {  	v54 =	vld [tilespmem:s21+$0x8660];
	v11 =	vadd.f32 v49, v47  }
0x16b: {  	v12 =	vsub.f32 v12, v46;
	v56 =	vmul.f32 v17, v17;
	v9 =	vadd.f32 v14, v9  }
0x16c: {  	v58 =	vld [tilespmem:s21+$0x8670];
	v11 =	vsub.f32 v11, v50  }
0x16d: {  	v12 =	vmul.f32 v12, v12;
	v10 =	vadd.f32 v53, v52;
	v9 =	vadd.f32 v56, v9  }
0x16e: {  	v59 =	vadd.f32 v57, v55  }
0x16f: {  	v11 =	vmul.f32 v11, v11;
	v10 =	vsub.f32 v10, v54;
	v9 =	vadd.f32 v12, v9;
	_ =	sdelay $0x1  }
0x170: {  	v60 =	vsub.f32 v59, v58;
	v10 =	vmul.f32 v10, v10;
	v9 =	vadd.f32 v11, v9;
	_ =	sdelay $0x1  }
0x171: {  	v61 =	vmul.f32 v60, v60;
	v9 =	vadd.f32 v10, v9;
	_ =	sdelay $0x1  }
0x172: {  	v9 =	vadd.f32 v61, v9;
	_ =	sdelay $0x1  }
0x173: {  	[tilespmem:$0xC680] =	vst v9  }
0x174: {  	[tilespmem:$0xC690] =	vst v9  }
0x175: {  	v62 =	vld [tilespmem:s21+$0x400]  }
0x176: {  	v63 =	vld [tilespmem:s21+$0x4400]  }
0x177: {  	v24 =	vld [tilespmem:s21+$0x8400]  }
0x178: {  	v25 =	vld [tilespmem:s21+$0x410]  }
0x179: {  	v26 =	vld [tilespmem:s21+$0x4410]  }
0x17a: {  	v27 =	vld [tilespmem:s21+$0x8410]  }
0x17b: {  	v28 =	vld [tilespmem:s21+$0x420]  }
0x17c: {  	v29 =	vld [tilespmem:s21+$0x4420]  }
0x17d: {  	v30 =	vld [tilespmem:s21+$0x8420]  }
0x17e: {  	v31 =	vld [tilespmem:s21+$0x430]  }
0x17f: {  	v32 =	vld [tilespmem:s21+$0x4430]  }
0x180: {  	v33 =	vld [tilespmem:s21+$0x8430]  }
0x181: {  	v22 =	vld [tilespmem:s21+$0x440]  }
0x182: {  	v35 =	vld [tilespmem:s21+$0x4440]  }
0x183: {  	v36 =	vld [tilespmem:s21+$0x8440]  }
0x184: {  	v37 =	vld [tilespmem:s21+$0x450];
	v10 =	vadd.f32 v63, v62;
	v34 =	vadd.f32 v26, v25  }
0x185: {  	v39 =	vld [tilespmem:s21+$0x4450];
	v38 =	vadd.f32 v29, v28  }
0x186: {  	v40 =	vld [tilespmem:s21+$0x8450];
	v10 =	vsub.f32 v10, v24;
	v11 =	vsub.f32 v34, v27  }
0x187: {  	v42 =	vld [tilespmem:s21+$0x460];
	v41 =	vadd.f32 v32, v31  }
0x188: {  	v43 =	vld [tilespmem:s21+$0x4460];
	v15 =	vsub.f32 v38, v30;
	v10 =	vmul.f32 v10, v10;
	v11 =	vmul.f32 v11, v11  }
0x189: {  	v45 =	vld [tilespmem:s21+$0x470];
	v13 =	vadd.f32 v35, v22  }
0x18a: {  	v47 =	vld [tilespmem:s21+$0x4470];
	v18 =	vsub.f32 v41, v33;
	v15 =	vmul.f32 v15, v15;
	v10 =	vadd.f32 v11, v10  }
0x18b: {  	v44 =	vld [tilespmem:s21+$0x8460];
	v12 =	vadd.f32 v39, v37  }
0x18c: {  	v13 =	vsub.f32 v13, v36;
	v46 =	vmul.f32 v18, v18;
	v10 =	vadd.f32 v15, v10  }
0x18d: {  	v48 =	vld [tilespmem:s21+$0x8470];
	v12 =	vsub.f32 v12, v40  }
0x18e: {  	v13 =	vmul.f32 v13, v13;
	v11 =	vadd.f32 v43, v42;
	v10 =	vadd.f32 v46, v10  }
0x18f: {  	v49 =	vadd.f32 v47, v45  }
0x190: {  	v12 =	vmul.f32 v12, v12;
	v11 =	vsub.f32 v11, v44;
	v10 =	vadd.f32 v13, v10;
	_ =	sdelay $0x1  }
0x191: {  	v50 =	vsub.f32 v49, v48;
	v11 =	vmul.f32 v11, v11;
	v10 =	vadd.f32 v12, v10;
	_ =	sdelay $0x1  }
0x192: {  	v51 =	vmul.f32 v50, v50;
	v10 =	vadd.f32 v11, v10;
	_ =	sdelay $0x1  }
0x193: {  	v10 =	vadd.f32 v51, v10;
	_ =	sdelay $0x1  }
0x194: {  	[tilespmem:$0xC700] =	vst v10  }
0x195: {  	[tilespmem:$0xC710] =	vst v10  }
0x196: {  	v52 =	vld [tilespmem:s21+$0x800]  }
0x197: {  	v53 =	vld [tilespmem:s21+$0x4800]  }
0x198: {  	v54 =	vld [tilespmem:s21+$0x8800]  }
0x199: {  	v55 =	vld [tilespmem:s21+$0x810]  }
0x19a: {  	v56 =	vld [tilespmem:s21+$0x4810]  }
0x19b: {  	v57 =	vld [tilespmem:s21+$0x8810]  }
0x19c: {  	v58 =	vld [tilespmem:s21+$0x820]  }
0x19d: {  	v59 =	vld [tilespmem:s21+$0x4820]  }
0x19e: {  	v60 =	vld [tilespmem:s21+$0x8820]  }
0x19f: {  	v61 =	vld [tilespmem:s21+$0x830]  }
0x1a0: {  	v62 =	vld [tilespmem:s21+$0x4830]  }
0x1a1: {  	v63 =	vld [tilespmem:s21+$0x8830]  }
0x1a2: {  	v23 =	vld [tilespmem:s21+$0x840]  }
0x1a3: {  	v25 =	vld [tilespmem:s21+$0x4840]  }
0x1a4: {  	v26 =	vld [tilespmem:s21+$0x8840]  }
0x1a5: {  	v27 =	vld [tilespmem:s21+$0x850];
	v11 =	vadd.f32 v53, v52;
	v24 =	vadd.f32 v56, v55  }
0x1a6: {  	v29 =	vld [tilespmem:s21+$0x4850];
	v28 =	vadd.f32 v59, v58  }
0x1a7: {  	v30 =	vld [tilespmem:s21+$0x8850];
	v11 =	vsub.f32 v11, v54;
	v12 =	vsub.f32 v24, v57  }
0x1a8: {  	v32 =	vld [tilespmem:s21+$0x860];
	v31 =	vadd.f32 v62, v61  }
0x1a9: {  	v33 =	vld [tilespmem:s21+$0x4860];
	v16 =	vsub.f32 v28, v60;
	v11 =	vmul.f32 v11, v11;
	v12 =	vmul.f32 v12, v12  }
0x1aa: {  	v35 =	vld [tilespmem:s21+$0x870];
	v14 =	vadd.f32 v25, v23  }
0x1ab: {  	v37 =	vld [tilespmem:s21+$0x4870];
	v19 =	vsub.f32 v31, v63;
	v16 =	vmul.f32 v16, v16;
	v11 =	vadd.f32 v12, v11  }
0x1ac: {  	v34 =	vld [tilespmem:s21+$0x8860];
	v13 =	vadd.f32 v29, v27  }
0x1ad: {  	v14 =	vsub.f32 v14, v26;
	v36 =	vmul.f32 v19, v19;
	v11 =	vadd.f32 v16, v11  }
0x1ae: {  	v38 =	vld [tilespmem:s21+$0x8870];
	v13 =	vsub.f32 v13, v30  }
0x1af: {  	v14 =	vmul.f32 v14, v14;
	v12 =	vadd.f32 v33, v32;
	v11 =	vadd.f32 v36, v11  }
0x1b0: {  	v39 =	vadd.f32 v37, v35  }
0x1b1: {  	v13 =	vmul.f32 v13, v13;
	v12 =	vsub.f32 v12, v34;
	v11 =	vadd.f32 v14, v11;
	_ =	sdelay $0x1  }
0x1b2: {  	v40 =	vsub.f32 v39, v38;
	v12 =	vmul.f32 v12, v12;
	v11 =	vadd.f32 v13, v11;
	_ =	sdelay $0x1  }
0x1b3: {  	v41 =	vmul.f32 v40, v40;
	v11 =	vadd.f32 v12, v11;
	_ =	sdelay $0x1  }
0x1b4: {  	v11 =	vadd.f32 v41, v11;
	_ =	sdelay $0x1  }
0x1b5: {  	[tilespmem:$0xC780] =	vst v11  }
0x1b6: {  	[tilespmem:$0xC790] =	vst v11  }
0x1b7: {  	v42 =	vld [tilespmem:s21+$0x300]  }
0x1b8: {  	v43 =	vld [tilespmem:s21+$0x4300]  }
0x1b9: {  	v44 =	vld [tilespmem:s21+$0x8300]  }
0x1ba: {  	v45 =	vld [tilespmem:s21+$0x310]  }
0x1bb: {  	v46 =	vld [tilespmem:s21+$0x4310]  }
0x1bc: {  	v47 =	vld [tilespmem:s21+$0x8310]  }
0x1bd: {  	v48 =	vld [tilespmem:s21+$0x320]  }
0x1be: {  	v49 =	vld [tilespmem:s21+$0x4320]  }
0x1bf: {  	v50 =	vld [tilespmem:s21+$0x8320]  }
0x1c0: {  	v51 =	vld [tilespmem:s21+$0x330]  }
0x1c1: {  	v52 =	vld [tilespmem:s21+$0x4330]  }
0x1c2: {  	v53 =	vld [tilespmem:s21+$0x8330]  }
0x1c3: {  	v24 =	vld [tilespmem:s21+$0x340]  }
0x1c4: {  	v55 =	vld [tilespmem:s21+$0x4340]  }
0x1c5: {  	v56 =	vld [tilespmem:s21+$0x8340]  }
0x1c6: {  	v57 =	vld [tilespmem:s21+$0x350];
	v12 =	vadd.f32 v43, v42;
	v54 =	vadd.f32 v46, v45  }
0x1c7: {  	v59 =	vld [tilespmem:s21+$0x4350];
	v58 =	vadd.f32 v49, v48  }
0x1c8: {  	v60 =	vld [tilespmem:s21+$0x8350];
	v12 =	vsub.f32 v12, v44;
	v13 =	vsub.f32 v54, v47  }
0x1c9: {  	v62 =	vld [tilespmem:s21+$0x360];
	v61 =	vadd.f32 v52, v51  }
0x1ca: {  	v63 =	vld [tilespmem:s21+$0x4360];
	v17 =	vsub.f32 v58, v50;
	v12 =	vmul.f32 v12, v12;
	v13 =	vmul.f32 v13, v13  }
0x1cb: {  	v26 =	vld [tilespmem:s21+$0x370];
	v15 =	vadd.f32 v55, v24  }
0x1cc: {  	v28 =	vld [tilespmem:s21+$0x4370];
	v20 =	vsub.f32 v61, v53;
	v17 =	vmul.f32 v17, v17;
	v12 =	vadd.f32 v13, v12  }
0x1cd: {  	v25 =	vld [tilespmem:s21+$0x8360];
	v14 =	vadd.f32 v59, v57  }
0x1ce: {  	v15 =	vsub.f32 v15, v56;
	v27 =	vmul.f32 v20, v20;
	v12 =	vadd.f32 v17, v12  }
0x1cf: {  	v29 =	vld [tilespmem:s21+$0x8370];
	v14 =	vsub.f32 v14, v60  }
0x1d0: {  	v15 =	vmul.f32 v15, v15;
	v13 =	vadd.f32 v63, v62;
	v12 =	vadd.f32 v27, v12  }
0x1d1: {  	v30 =	vadd.f32 v28, v26  }
0x1d2: {  	v14 =	vmul.f32 v14, v14;
	v13 =	vsub.f32 v13, v25;
	v12 =	vadd.f32 v15, v12;
	_ =	sdelay $0x1  }
0x1d3: {  	v31 =	vsub.f32 v30, v29;
	v13 =	vmul.f32 v13, v13;
	v12 =	vadd.f32 v14, v12;
	_ =	sdelay $0x1  }
0x1d4: {  	v32 =	vmul.f32 v31, v31;
	v12 =	vadd.f32 v13, v12;
	_ =	sdelay $0x1  }
0x1d5: {  	v12 =	vadd.f32 v32, v12;
	_ =	sdelay $0x1  }
0x1d6: {  	[tilespmem:$0xC800] =	vst v12  }
0x1d7: {  	[tilespmem:$0xC810] =	vst v12  }
0x1d8: {  	v33 =	vld [tilespmem:s21+$0x700]  }
0x1d9: {  	v34 =	vld [tilespmem:s21+$0x4700]  }
0x1da: {  	v35 =	vld [tilespmem:s21+$0x8700]  }
0x1db: {  	v36 =	vld [tilespmem:s21+$0x710]  }
0x1dc: {  	v37 =	vld [tilespmem:s21+$0x4710]  }
0x1dd: {  	v38 =	vld [tilespmem:s21+$0x8710]  }
0x1de: {  	v39 =	vld [tilespmem:s21+$0x720]  }
0x1df: {  	v40 =	vld [tilespmem:s21+$0x4720]  }
0x1e0: {  	v41 =	vld [tilespmem:s21+$0x8720]  }
0x1e1: {  	v42 =	vld [tilespmem:s21+$0x730]  }
0x1e2: {  	v43 =	vld [tilespmem:s21+$0x4730]  }
0x1e3: {  	v44 =	vld [tilespmem:s21+$0x8730]  }
0x1e4: {  	v25 =	vld [tilespmem:s21+$0x740]  }
0x1e5: {  	v46 =	vld [tilespmem:s21+$0x4740]  }
0x1e6: {  	v47 =	vld [tilespmem:s21+$0x8740]  }
0x1e7: {  	v48 =	vld [tilespmem:s21+$0x750];
	v13 =	vadd.f32 v34, v33;
	v45 =	vadd.f32 v37, v36  }
0x1e8: {  	v50 =	vld [tilespmem:s21+$0x4750];
	v49 =	vadd.f32 v40, v39  }
0x1e9: {  	v51 =	vld [tilespmem:s21+$0x8750];
	v13 =	vsub.f32 v13, v35;
	v14 =	vsub.f32 v45, v38  }
0x1ea: {  	v53 =	vld [tilespmem:s21+$0x760];
	v52 =	vadd.f32 v43, v42  }
0x1eb: {  	v54 =	vld [tilespmem:s21+$0x4760];
	v18 =	vsub.f32 v49, v41;
	v13 =	vmul.f32 v13, v13;
	v14 =	vmul.f32 v14, v14  }
0x1ec: {  	v56 =	vld [tilespmem:s21+$0x770];
	v16 =	vadd.f32 v46, v25  }
0x1ed: {  	v58 =	vld [tilespmem:s21+$0x4770];
	v21 =	vsub.f32 v52, v44;
	v18 =	vmul.f32 v18, v18;
	v13 =	vadd.f32 v14, v13  }
0x1ee: {  	v55 =	vld [tilespmem:s21+$0x8760];
	v15 =	vadd.f32 v50, v48  }
0x1ef: {  	v16 =	vsub.f32 v16, v47;
	v57 =	vmul.f32 v21, v21;
	v13 =	vadd.f32 v18, v13  }
0x1f0: {  	v59 =	vld [tilespmem:s21+$0x8770];
	v15 =	vsub.f32 v15, v51  }
0x1f1: {  	v16 =	vmul.f32 v16, v16;
	v14 =	vadd.f32 v54, v53;
	v13 =	vadd.f32 v57, v13  }
0x1f2: {  	v60 =	vadd.f32 v58, v56  }
0x1f3: {  	v15 =	vmul.f32 v15, v15;
	v14 =	vsub.f32 v14, v55;
	v13 =	vadd.f32 v16, v13;
	_ =	sdelay $0x1  }
0x1f4: {  	v61 =	vsub.f32 v60, v59;
	v14 =	vmul.f32 v14, v14;
	v13 =	vadd.f32 v15, v13;
	_ =	sdelay $0x1  }
0x1f5: {  	v62 =	vmul.f32 v61, v61;
	v13 =	vadd.f32 v14, v13;
	_ =	sdelay $0x1  }
0x1f6: {  	v13 =	vadd.f32 v62, v13;
	_ =	sdelay $0x1  }
0x1f7: {  	[tilespmem:$0xC880] =	vst v13  }
0x1f8: {  	[tilespmem:$0xC890] =	vst v13  }
0x1f9: {  	v63 =	vld [tilespmem:s21+$0x500]  }
0x1fa: {  	v28 =	vld [tilespmem:s21+$0x4500]  }
0x1fb: {  	v29 =	vld [tilespmem:s21+$0x8500]  }
0x1fc: {  	v30 =	vld [tilespmem:s21+$0x510]  }
0x1fd: {  	v31 =	vld [tilespmem:s21+$0x4510]  }
0x1fe: {  	v32 =	vld [tilespmem:s21+$0x8510]  }
0x1ff: {  	v33 =	vld [tilespmem:s21+$0x520]  }
0x200: {  	v34 =	vld [tilespmem:s21+$0x4520]  }
0x201: {  	v35 =	vld [tilespmem:s21+$0x8520]  }
0x202: {  	v36 =	vld [tilespmem:s21+$0x530]  }
0x203: {  	v37 =	vld [tilespmem:s21+$0x4530]  }
0x204: {  	v38 =	vld [tilespmem:s21+$0x8530]  }
0x205: {  	v26 =	vld [tilespmem:s21+$0x540]  }
0x206: {  	v40 =	vld [tilespmem:s21+$0x4540]  }
0x207: {  	v41 =	vld [tilespmem:s21+$0x8540]  }
0x208: {  	v42 =	vld [tilespmem:s21+$0x550];
	v14 =	vadd.f32 v28, v63;
	v39 =	vadd.f32 v31, v30  }
0x209: {  	v44 =	vld [tilespmem:s21+$0x4550];
	v43 =	vadd.f32 v34, v33  }
0x20a: {  	v45 =	vld [tilespmem:s21+$0x8550];
	v14 =	vsub.f32 v14, v29;
	v15 =	vsub.f32 v39, v32  }
0x20b: {  	v47 =	vld [tilespmem:s21+$0x560];
	v46 =	vadd.f32 v37, v36  }
0x20c: {  	v48 =	vld [tilespmem:s21+$0x4560];
	v19 =	vsub.f32 v43, v35;
	v14 =	vmul.f32 v14, v14;
	v15 =	vmul.f32 v15, v15  }
0x20d: {  	v50 =	vld [tilespmem:s21+$0x570];
	v17 =	vadd.f32 v40, v26  }
0x20e: {  	v52 =	vld [tilespmem:s21+$0x4570];
	v22 =	vsub.f32 v46, v38;
	v19 =	vmul.f32 v19, v19;
	v14 =	vadd.f32 v15, v14  }
0x20f: {  	v49 =	vld [tilespmem:s21+$0x8560];
	v16 =	vadd.f32 v44, v42  }
0x210: {  	v17 =	vsub.f32 v17, v41;
	v51 =	vmul.f32 v22, v22;
	v14 =	vadd.f32 v19, v14  }
0x211: {  	v53 =	vld [tilespmem:s21+$0x8570];
	v16 =	vsub.f32 v16, v45  }
0x212: {  	v17 =	vmul.f32 v17, v17;
	v15 =	vadd.f32 v48, v47;
	v14 =	vadd.f32 v51, v14  }
0x213: {  	v54 =	vadd.f32 v52, v50  }
0x214: {  	v16 =	vmul.f32 v16, v16;
	v15 =	vsub.f32 v15, v49;
	v14 =	vadd.f32 v17, v14;
	_ =	sdelay $0x1  }
0x215: {  	v55 =	vsub.f32 v54, v53;
	v15 =	vmul.f32 v15, v15;
	v14 =	vadd.f32 v16, v14;
	_ =	sdelay $0x1  }
0x216: {  	v56 =	vmul.f32 v55, v55;
	v14 =	vadd.f32 v15, v14;
	_ =	sdelay $0x1  }
0x217: {  	v52 =	vld [tilespmem:$0xC288];
	v14 =	vadd.f32 v56, v14  }
0x218: {  	v54 =	vld [tilespmem:$0xC308]  }
0x219: {  	v55 =	vld [tilespmem:$0xC388];
	[tilespmem:$0xC900] =	vst v14  }
0x21a: {  	v51 =	vld [tilespmem:$0xC208];
	[tilespmem:$0xC910] =	vst v14  }
0x21b: {  	v57 =	vld [tilespmem:s21+$0x900]  }
0x21c: {  	v58 =	vld [tilespmem:s21+$0x4900]  }
0x21d: {  	v59 =	vld [tilespmem:s21+$0x8900]  }
0x21e: {  	v60 =	vld [tilespmem:s21+$0x910]  }
0x21f: {  	v61 =	vld [tilespmem:s21+$0x4910]  }
0x220: {  	v62 =	vld [tilespmem:s21+$0x8910]  }
0x221: {  	v63 =	vld [tilespmem:s21+$0x920]  }
0x222: {  	v30 =	vld [tilespmem:s21+$0x4920]  }
0x223: {  	v31 =	vld [tilespmem:s21+$0x8920]  }
0x224: {  	v32 =	vld [tilespmem:s21+$0x930]  }
0x225: {  	v33 =	vld [tilespmem:s21+$0x4930]  }
0x226: {  	v34 =	vld [tilespmem:s21+$0x8930]  }
0x227: {  	v27 =	vld [tilespmem:s21+$0x940]  }
0x228: {  	v36 =	vld [tilespmem:s21+$0x4940]  }
0x229: {  	v37 =	vld [tilespmem:s21+$0x8940]  }
0x22a: {  	v38 =	vld [tilespmem:s21+$0x950];
	v15 =	vadd.f32 v58, v57;
	v35 =	vadd.f32 v61, v60  }
0x22b: {  	v40 =	vld [tilespmem:s21+$0x4950];
	v39 =	vadd.f32 v30, v63  }
0x22c: {  	v41 =	vld [tilespmem:s21+$0x8950];
	v15 =	vsub.f32 v15, v59;
	v16 =	vsub.f32 v35, v62  }
0x22d: {  	v43 =	vld [tilespmem:s21+$0x960];
	v42 =	vadd.f32 v33, v32  }
0x22e: {  	v44 =	vld [tilespmem:s21+$0x4960];
	v20 =	vsub.f32 v39, v31;
	v15 =	vmul.f32 v15, v15;
	v16 =	vmul.f32 v16, v16  }
0x22f: {  	v46 =	vld [tilespmem:s21+$0x970];
	v18 =	vadd.f32 v36, v27  }
0x230: {  	v48 =	vld [tilespmem:s21+$0x4970];
	v23 =	vsub.f32 v42, v34;
	v20 =	vmul.f32 v20, v20;
	v15 =	vadd.f32 v16, v15  }
0x231: {  	v45 =	vld [tilespmem:s21+$0x8960];
	v17 =	vadd.f32 v40, v38  }
0x232: {  	v49 =	vld [tilespmem:s21+$0x8970];
	v18 =	vsub.f32 v18, v37;
	v47 =	vmul.f32 v23, v23;
	v15 =	vadd.f32 v20, v15  }
0x233: {  	v1 =	vadd.f32 v52, v1;
	v57 =	vld [tilespmem:$0xC408];
	v17 =	vsub.f32 v17, v41  }
0x234: {  	v58 =	vld [tilespmem:$0xC488];
	v18 =	vmul.f32 v18, v18;
	v16 =	vadd.f32 v44, v43;
	v15 =	vadd.f32 v47, v15  }
0x235: {  	v0 =	vadd.f32 v51, v0;
	v50 =	vadd.f32 v48, v46  }
0x236: {  	v17 =	vmul.f32 v17, v17;
	v16 =	vsub.f32 v16, v45;
	v15 =	vadd.f32 v18, v15  }
0x237: {  	v22 =	vld [tilespmem:$0xC688];
	v0 =	vsel vm2, v0, v1;
	v61 =	vadd.f32 v54, v2;
	v62 =	vadd.f32 v55, v3  }
0x238: {  	[tilespmem:$0xCA00] =	vst v0;
	v63 =	vld [tilespmem:$0xC608];
	v53 =	vsub.f32 v50, v49;
	v16 =	vmul.f32 v16, v16;
	v15 =	vadd.f32 v17, v15  }
0x239: {  	v25 =	vld [tilespmem:$0xC708];
	[tilespmem:$0xCA10] =	vst v0;
	v1 =	vsel vm2, v61, v62;
	v23 =	vadd.f32 v57, v4;
	v24 =	vadd.f32 v58, v5  }
0x23a: {  	v26 =	vld [tilespmem:$0xC788];
	v56 =	vmul.f32 v53, v53;
	[tilespmem:$0xCA80] =	vst v1;
	v15 =	vadd.f32 v16, v15  }
0x23b: {  	v29 =	vld [tilespmem:$0xC808];
	[tilespmem:$0xCA90] =	vst v1;
	v2 =	vsel vm2, v23, v24  }
0x23c: {  	v30 =	vld [tilespmem:$0xC888];
	[tilespmem:$0xCB00] =	vst v2;
	v15 =	vadd.f32 v56, v15  }
0x23d: {  	v60 =	vld [tilespmem:$0xC588];
	v31 =	vadd.f32 v22, v9;
	v3 =	vadd.f32 v63, v8;
	[tilespmem:$0xCB10] =	vst v2  }
0x23e: {  	v59 =	vld [tilespmem:$0xC508];
	[tilespmem:$0xC980] =	vst v15  }
0x23f: {  	v32 =	vld [tilespmem:$0xC908];
	v34 =	vadd.f32 v26, v11;
	v5 =	vadd.f32 v25, v10;
	v3 =	vsel vm2, v3, v31;
	[tilespmem:$0xC990] =	vst v15  }
0x240: {  	[tilespmem:$0xCC00] =	vst v3;
	v33 =	vld [tilespmem:$0xC988]  }
0x241: {  	v35 =	vadd.f32 v29, v12;
	v36 =	vadd.f32 v30, v13;
	v5 =	vsel vm2, v5, v34;
	[tilespmem:$0xCC10] =	vst v3  }
0x242: {  	[tilespmem:$0xCC80] =	vst v5  }
0x243: {  	v37 =	vld [tilespmem:$0xCA04];
	v28 =	vadd.f32 v60, v7;
	v27 =	vadd.f32 v59, v6;
	v6 =	vsel vm2, v35, v36;
	[tilespmem:$0xCC90] =	vst v5  }
0x244: {  	v38 =	vld [tilespmem:$0xCA8C];
	[tilespmem:$0xCD00] =	vst v6  }
0x245: {  	v39 =	vadd.f32 v32, v14;
	[tilespmem:$0xCD10] =	vst v6;
	v4 =	vsel vm2, v27, v28;
	v43 =	vld [tilespmem:$0xCC04];
	v40 =	vadd.f32 v33, v15  }
0x246: {  	v44 =	vld [tilespmem:$0xCC8C];
	[tilespmem:$0xCB80] =	vst v4  }
0x247: {  	v41 =	vld [tilespmem:$0xCB04];
	[tilespmem:$0xCB90] =	vst v4;
	v7 =	vsel vm2, v39, v40  }
0x248: {  	v42 =	vld [tilespmem:$0xCB8C];
	[tilespmem:$0xCD80] =	vst v7  }
0x249: {  	v0 =	vadd.f32 v37, v0;
	v45 =	vld [tilespmem:$0xCD04];
	v1 =	vadd.f32 v38, v1;
	[tilespmem:$0xCD90] =	vst v7  }
0x24a: {  	v46 =	vld [tilespmem:$0xCD8C]  }
0x24b: {  	v0 =	vsel vm0, v0, v1;
	v49 =	vadd.f32 v43, v3;
	v50 =	vadd.f32 v44, v5  }
0x24c: {  	[tilespmem:$0xCE00] =	vst v0  }
0x24d: {  	v47 =	vadd.f32 v41, v2;
	[tilespmem:$0xCE10] =	vst v0;
	v48 =	vadd.f32 v42, v4;
	v2 =	vsel vm0, v49, v50  }
0x24e: {  	[tilespmem:$0xCF00] =	vst v2  }
0x24f: {  	v51 =	vadd.f32 v45, v6;
	[tilespmem:$0xCF10] =	vst v2;
	v1 =	vsel vm0, v47, v48;
	v52 =	vadd.f32 v46, v7  }
0x250: {  	[tilespmem:$0xCE80] =	vst v1  }
0x251: {  	v53 =	vld [tilespmem:$0xCE02];
	[tilespmem:$0xCE90] =	vst v1;
	v3 =	vsel vm0, v51, v52  }
0x252: {  	v54 =	vld [tilespmem:$0xCE8E];
	[tilespmem:$0xCF80] =	vst v3  }
0x253: {  	v55 =	vld [tilespmem:$0xCF02];
	[tilespmem:$0xCF90] =	vst v3  }
0x254: {  	v56 =	vld [tilespmem:$0xCF8E];
	_ =	sdelay $0x2  }
0x255: {  	v0 =	vadd.f32 v53, v0;
	v1 =	vadd.f32 v54, v1;
	_ =	sdelay $0x1  }
0x256: {  	v57 =	vadd.f32 v55, v2;
	v0 =	vsel vm1, v0, v1;
	v58 =	vadd.f32 v56, v3  }
0x257: {  	[tilespmem:$0xD000] =	vst v0  }
0x258: {  	[tilespmem:$0xD010] =	vst v0;
	v1 =	vsel vm1, v57, v58  }
0x259: {  	[tilespmem:$0xD080] =	vst v1  }
0x25a: {  	v59 =	vld [tilespmem:$0xD001];
	[tilespmem:$0xD090] =	vst v1  }
0x25b: {  	v60 =	vld [tilespmem:$0xD08F];
	_ =	sdelay $0x4  }
0x25c: {  	v0 =	vadd.f32 v59, v0;
	v1 =	vadd.f32 v60, v1;
	_ =	sdelay $0x1  }
0x25d: {  	v0 =	vsel vm3, v0, v1  }
0x25e: {  	v0 =	vadd.f32 $9.999999960e-13, v0;
	_ =	sdelay $0x1  }
0x25f: {  	v61 =	vshrl.u32 v0, $0x1;
	v62 =	vmul.f32 $5.000000000e-01, v0  }
0x260: {  	v1 =	vsub.s32 $0x5F3759DF, v61  }
0x261: {  	v63 =	vmul.f32 v1, v62;
	_ =	sdelay $0x1  }
0x262: {  	v3 =	vmul.f32 v1, v63;
	_ =	sdelay $0x1  }
0x263: {  	v3 =	vsub.f32 $1.500000000e+00, v3;
	_ =	sdelay $0x1  }
0x264: {  	v1 =	vmul.f32 v1, v3;
	_ =	sdelay $0x1  }
0x265: {  	v3 =	vmul.f32 v1, v62;
	_ =	sdelay $0x1  }
0x266: {  	v3 =	vmul.f32 v3, v1;
	_ =	sdelay $0x1  }
0x267: {  	v3 =	vsub.f32 $1.500000000e+00, v3;
	_ =	sdelay $0x1  }
0x268: {  	v1 =	vmul.f32 v3, v1;
	_ =	sdelay $0x1  }
0x269: {  	v2 =	vmul.f32 v1, v62;
	_ =	sdelay $0x1  }
0x26a: {  	v2 =	vmul.f32 v2, v1;
	_ =	sdelay $0x1  }
0x26b: {  	v2 =	vsub.f32 $1.500000000e+00, v2;
	_ =	sdelay $0x1  }
0x26c: {  	v1 =	vmul.f32 v2, v1  }
0x26d: {  	p0 =	sne.s32 s20, $0x7  }
.Ltmp0:
0x26e: {  	v0 =	vmul.f32 v1, v0;
	(pc) =	sbr.rel @p0 .LBB2_2-.Ltmp0, $4  }
0x26f: {  	_ = 	snop  }
0x270: {  	s31 =	sshll.u32 s20, $0x4;
	v0 =	vsub.f32 $0.0e+00, v0  }
0x271: {  	s21 =	sand.u32 $0x3FFFFFF0, s31  }
0x272: {  	s20 =	sadd.s32 $0x1, s20;
	[tilespmem:s21+$0xC180] =	vst v0  }
0x273: {  	s19 =	sadd.s32 $0x1, s19  }
0x274: {  	p0 =	sne.s32 s19, s9  }
.Ltmp1:
0x275: {  	_ = 	snop;
	(pc) =	sbr.rel @p0 .LBB2_1-.Ltmp1, $4  }
0x276: {  	[hbm4b:s8+s3] =	stream.linear.scatter [tilespmem:s17], [sflag:$0x3], $0x80, $0x38;
	[tilespmem:$0xD200] =	vst v63  }
0x277: {  	_ =	swait.ge [sflag:s18], $0x80  }
0x278: {  	[sflag:s18] =	ssyncset.done $0x0  }
0x279: {  	[sflag:s18] =	ssyncadd.s32 $0xFFFFFF80  }
0x27a: {  	_ =	sfence.sel $0x180000  }
0x27b: {  	[bflag:$0x0] =	sbarrier.arrive $0xFFFF  }
0x27c: {  	p0 =	sne.s32 s4, $0x0;
	_ =	strace $0x90000047  }
0x27d: {  	s0 =	sadd.s32 @!p0 $0x100000, s0;
	[bflag:$0x2] =	sbarrier.arrive $0xFFFF  }
0x27e: {  	[sflag:s0] =	ssyncadd.tile.s32 @!p0 $0x1;
	_ =	shalt  }
.Lfunc_end2:
_tile_overlayer_lowered:
.L_overlay_start_2:
0x27f: {  	(tag) =	ssettag $0x2  }
0x280: {  	s0 =	rddreg [dreg:$0x0];
	s2 =	stileid.u32  }
0x281: {  	s1 =	rddreg [dreg:$0x1];
	p0 =	sne.s32 s2, $0x0  }
0x282: {  	s3 =	rddreg [dreg:$0x2];
	[bflag:$0x3] =	sbarrier.arrive $0xFFFF;
	s2 =	simm.s32 @!p0 $0x1C03  }
0x283: {  	[timem:s3], [sflag:s2] =	dma.local @!p0 [hbm:s0], s1  }
0x284: {  	s0 =	simm.s32 @!p0 $0x3  }
0x285: {  	_ =	swait.ge @!p0 [sflag:s0], s1  }
0x286: {  	s1 =	ssub.s32 @!p0 $0x0, s1;
	[sflag:s0] =	ssyncset.done @!p0 $0x0  }
0x287: {  	[sflag:s0] =	ssyncadd.s32 @!p0 s1  }
0x288: {  	[bflag:$0x3] =	sbarrier.arrive $0xFFFF  }
0x289: {  	_ =	shalt  }

</sc_bundles>
